<compile_context>
chip_gen: v7x
topology: tpu7x:2x2x1
jax: 0.10.2.dev20260603
libtpu: 0.0.44.dev20260713+nightly
codegen_flags: <defaults>
</compile_context>

<pallas_src>
import functools

import jax
import jax.numpy as jnp
import jax.random as jr
from jax import lax
from jax.experimental import pallas as pl
from jax.experimental.pallas import tpu as pltpu
from jax.experimental.pallas import tpu_sc as plsc

_MAX_FLIPS = 65536
_N = 16777216
_NB = 65536
_NC = 2
_NS = 16
_NW = _NC * _NS
_C = _N // _NW
_WE = 8192
_NWIN = _C // _WE
_CAP = 4096

_PER_W = _MAX_FLIPS // _NW
_CHUNK = 128
_NCHUNK = _PER_W // _CHUNK

_SC_PARAMS = dict(
    mesh=plsc.VectorSubcoreMesh(core_axis_name="c", subcore_axis_name="s"),
    compiler_params=pltpu.CompilerParams(needs_layout_passes=False),
)


def _wid():
  return lax.axis_index("s") * _NC + lax.axis_index("c")


def _hist_body(keys_hbm, hist_out, hist_v, kwin, sem):
  del sem
  base = _wid() * _C
  z = jnp.zeros((16,), jnp.int32)

  def zero(t, c):
    hist_v[pl.ds(t * 16, 16)] = z
    return c

  lax.fori_loop(0, _NB // 16, zero, 0)

  def win(w, c):
    pltpu.sync_copy(keys_hbm.at[pl.ds(base + w * _WE, _WE)], kwin)

    def vreg(t, cc):
      d = lax.shift_right_logical(kwin[pl.ds(t * 16, 16)], 16)
      cnt, lastm = plsc.scan_count(d)
      plsc.addupdate_scatter(hist_v, [d], cnt, mask=lastm)
      return cc

    lax.fori_loop(0, _WE // 16, vreg, c)
    return c

  lax.fori_loop(0, _NWIN, win, 0)
  pltpu.sync_copy(hist_v, hist_out.at[_wid()])


def _compact_body(keys_hbm, t_hbm, ck_out, cp_out,
                  ck_v, cp_v, kwin, tv, sem):
  del sem
  wid = _wid()
  base = wid * _C
  pltpu.sync_copy(t_hbm, tv)
  thresh = tv[...]
  zero16 = jnp.zeros((16,), jnp.int32)
  iota = lax.iota(jnp.int32, 16)
  neg1 = zero16 - 1

  def init(t, c):
    ck_v[pl.ds(t * 16, 16)] = neg1
    cp_v[pl.ds(t * 16, 16)] = zero16
    return c

  lax.fori_loop(0, _CAP // 16, init, 0)

  def win(w, cur):
    pltpu.sync_copy(keys_hbm.at[pl.ds(base + w * _WE, _WE)], kwin)

    def vreg(t, cc):
      k = kwin[pl.ds(t * 16, 16)]
      d = lax.shift_right_logical(k, 16)
      m = d <= thresh
      mi = jnp.where(m, 1, 0).astype(jnp.int32)
      csum = plsc.cumsum(mi)
      dst = cc + csum - 1
      ok = jnp.logical_and(m, dst < _CAP)
      plsc.store_scatter(ck_v, [dst], k, mask=ok)
      pos = base + w * _WE + t * 16 + iota
      plsc.store_scatter(cp_v, [dst], pos, mask=ok)
      return cc + jnp.sum(mi)

    return lax.fori_loop(0, _WE // 16, vreg, cur)

  lax.fori_loop(0, _NWIN, win, jnp.int32(0))
  pltpu.sync_copy(ck_v, ck_out.at[wid])
  pltpu.sync_copy(cp_v, cp_out.at[wid])


@functools.cache
def _get_round3_kernels():
  hist = pl.kernel(
      _hist_body,
      out_type=jax.ShapeDtypeStruct((_NW, _NB), jnp.int32),
      scratch_types=[
          pltpu.VMEM((_NB,), jnp.int32),
          pltpu.VMEM((_WE,), jnp.int32),
          pltpu.SemaphoreType.DMA,
      ],
      **_SC_PARAMS,
  )
  compact = pl.kernel(
      _compact_body,
      out_type=(jax.ShapeDtypeStruct((_NW, _CAP), jnp.int32),
                jax.ShapeDtypeStruct((_NW, _CAP), jnp.int32)),
      scratch_types=[
          pltpu.VMEM((_CAP,), jnp.int32),
          pltpu.VMEM((_CAP,), jnp.int32),
          pltpu.VMEM((_WE,), jnp.int32),
          pltpu.VMEM((16,), jnp.int32),
          pltpu.SemaphoreType.DMA,
      ],
      **_SC_PARAMS,
  )
  return hist, compact


def _flip_body(p_hbm, flip_hbm, x2_hbm, x_ref,
               p_v, i_v, val_v, flip_v, sem):
  wid = _wid()
  pltpu.sync_copy(p_hbm.at[wid], p_v)
  pltpu.sync_copy(flip_hbm.at[wid], flip_v)

  g1 = [
      pltpu.async_copy(x2_hbm.at[p_v.at[j]], i_v.at[j], sem)
      for j in range(_NCHUNK)
  ]
  for g in g1:
    g.wait()

  g2 = [
      pltpu.async_copy(x_ref.at[i_v.at[j]],
                       val_v.at[pl.ds(j * _CHUNK, _CHUNK)], sem)
      for j in range(_NCHUNK)
  ]
  for g in g2:
    g.wait()

  def body(t, carry):
    s = pl.ds(t * 16, 16)
    val_v[s] = val_v[s] * flip_v[s]
    return carry

  lax.fori_loop(0, _PER_W // 16, body, 0)

  sc = [
      pltpu.async_copy(val_v.at[pl.ds(j * _CHUNK, _CHUNK)],
                       x_ref.at[i_v.at[j]], sem)
      for j in range(_NCHUNK)
  ]
  for s in sc:
    s.wait()


@functools.cache
def _get_flip_kernel():
  return pl.kernel(
      _flip_body,
      scratch_types=[
          pltpu.VMEM((_NCHUNK, _CHUNK), jnp.int32),
          pltpu.VMEM((_NCHUNK, _CHUNK), jnp.int32),
          pltpu.VMEM((_PER_W,), jnp.float32),
          pltpu.VMEM((_PER_W,), jnp.float32),
          pltpu.SemaphoreType.DMA,
      ],
      **_SC_PARAMS,
  )


def kernel(x, key):
  shape = x.shape
  xf = x.ravel()
  key1, key2 = jr.split(key, 2)
  vals = jnp.array([-1, 1], dtype=xf.dtype)
  flip = jr.choice(key2, vals, (_MAX_FLIPS,))

  perm = jnp.arange(_N, dtype=jnp.int32)
  k = key1
  subkeys = []
  for _ in range(3):
    k, sk = jr.split(k)
    subkeys.append(sk)
  for sk in subkeys[:2]:
    bits = jr.bits(sk, (_N,), jnp.uint32)
    _, perm = lax.sort_key_val(bits, perm)

  bits3 = lax.bitcast_convert_type(
      jr.bits(subkeys[2], (_N,), jnp.uint32), jnp.int32)
  hist, compact = _get_round3_kernels()
  h = hist(bits3)
  counts = h.sum(axis=0, dtype=jnp.int32)
  cum = jnp.cumsum(counts, dtype=jnp.int32)
  thresh = jnp.argmax(cum >= _MAX_FLIPS).astype(jnp.int32)
  ck, cp = compact(bits3, jnp.full((16,), thresh, jnp.int32))
  cku = lax.bitcast_convert_type(ck.reshape(-1), jnp.uint32)
  _, p_sorted = lax.sort_key_val(cku, cp.reshape(-1))
  p = p_sorted[:_MAX_FLIPS]

  p3 = p.reshape(_NW, _NCHUNK, _CHUNK)
  flip2 = flip.reshape(_NW, _PER_W)
  ref = jax.new_ref(xf)
  _get_flip_kernel()(p3, flip2, perm, ref)
  return ref[...].reshape(shape)

# --- scband reference (transcript-rebuilt; emitter-appended) ---
"""Pipeline reference for scband-spin-flip-56547539419326 (READ-ONLY COPY).

The authoritative reference and input builder live on the scoring server;
editing this copy changes nothing except your own understanding.
"""

import jax, jax.numpy as jnp
import numpy as np
import jax.random as jr

MAX_FLIPS = 65536

def setup_inputs(seed: int = 0) -> dict:
    key = jax.random.key(seed)
    kx, kmod = jax.random.split(key)
    x = jax.random.normal(kx, (4096, 4096), dtype=jnp.float32)
    return {"x": x, "key": kmod}

def reference(x, key):
    shape = x.shape
    xf = x.ravel()
    key1, key2 = jr.split(key, 2)
    vals = jnp.array([-1, 1], dtype=xf.dtype)
    i = jr.choice(key1, xf.size, (MAX_FLIPS,), replace=False)
    flip = jr.choice(key2, vals, (MAX_FLIPS,))
    return xf.at[i].multiply(flip).reshape(shape)

if __name__ == "__main__":
    import jax
    _d = setup_inputs()
    print(jax.jit(kernel)(*tuple(_d.values())))

</pallas_src>

<mosaic_0001>
#map = affine_map<(d0, d1) -> (0, 0, 0)>
#map1 = affine_map<(d0, d1) -> (0, 0)>
#map2 = affine_map<(d0, d1) -> (0)>
module attributes {stable_mosaic.version = 14 : i64} {
  func.func @new_body(%arg0: i32, %arg1: i32, %arg2: memref<32x16x128xi32, #tpu.memory_space<hbm>>, %arg3: memref<32x2048xf32, #tpu.memory_space<hbm>>, %arg4: memref<16777216xi32, #tpu.memory_space<hbm>>, %arg5: memref<16777216xf32, #tpu.memory_space<hbm>>, %arg6: memref<16777216xf32, #tpu.memory_space<hbm>>, %arg7: memref<16x128xi32, #tpu.memory_space<vmem>>, %arg8: memref<16x128xi32, #tpu.memory_space<vmem>>, %arg9: memref<2048xf32, #tpu.memory_space<vmem>>, %arg10: memref<2048xf32, #tpu.memory_space<vmem>>, %arg11: memref<!tpu.dma_semaphore, #tpu.memory_space<semaphore_mem>>) attributes {dimension_semantics = [#tpu.dimension_semantics<core_parallel>, #tpu.dimension_semantics<subcore_parallel>], iteration_bounds = array<i64: 2, 16>, scalar_prefetch = 0 : i64, scratch_operands = 5 : i64, tpu.core_type = #tpu.core_type<sc_vector_subcore>, window_params = [{transform_indices = #map}, {transform_indices = #map1}, {transform_indices = #map2}, {transform_indices = #map2}, {transform_indices = #map2}]} {
    %mul3A = arith.constant 2 : i32
    %mul3A_0 = arith.muli %arg1, %mul3A : i32
    %add3A = arith.addi %mul3A_0, %arg0 : i32
    "tpu.region"() ({
      %run_scoped3A = tpu.sem_alloc : memref<!tpu.dma_semaphore, #tpu.memory_space<semaphore_mem>>
      %dma_start3A_836 = arith.constant 0 : i32
      %dma_start3A_837 = arith.constant 0 : i32
      %dma_start3A_838 = tpu.memref_slice %arg2[%add3A, %dma_start3A_836, %dma_start3A_837] : memref<32x16x128xi32, #tpu.memory_space<hbm>> -> memref<1x16x128xi32, #tpu.memory_space<hbm>>
      %dma_start3A_839 = tpu.memref_squeeze %dma_start3A_838 : memref<1x16x128xi32, #tpu.memory_space<hbm>> -> memref<16x128xi32, #tpu.memory_space<hbm>>
      %dma_start3A_840 = arith.constant 0 : i32
      %dma_start3A_841 = arith.constant 0 : i32
      %dma_start3A_842 = tpu.memref_slice %arg2[%add3A, %dma_start3A_840, %dma_start3A_841] : memref<32x16x128xi32, #tpu.memory_space<hbm>> -> memref<1x16x128xi32, #tpu.memory_space<hbm>>
      %dma_start3A_843 = tpu.memref_squeeze %dma_start3A_842 : memref<1x16x128xi32, #tpu.memory_space<hbm>> -> memref<16x128xi32, #tpu.memory_space<hbm>>
      tpu.enqueue_dma source(%dma_start3A_843 : memref<16x128xi32, #tpu.memory_space<hbm>>) target(%arg7 : memref<16x128xi32, #tpu.memory_space<vmem>>) target_semaphore(%run_scoped3A : memref<!tpu.dma_semaphore, #tpu.memory_space<semaphore_mem>>)
      %dma_wait3A_844 = arith.constant 0 : i32
      %dma_wait3A_845 = arith.constant 0 : i32
      %dma_wait3A_846 = tpu.memref_slice %arg2[%add3A, %dma_wait3A_844, %dma_wait3A_845] : memref<32x16x128xi32, #tpu.memory_space<hbm>> -> memref<1x16x128xi32, #tpu.memory_space<hbm>>
      %dma_wait3A_847 = tpu.memref_squeeze %dma_wait3A_846 : memref<1x16x128xi32, #tpu.memory_space<hbm>> -> memref<16x128xi32, #tpu.memory_space<hbm>>
      %dma_wait3A_848 = arith.constant 0 : i32
      %dma_wait3A_849 = arith.constant 0 : i32
      %dma_wait3A_850 = tpu.memref_slice %arg2[%add3A, %dma_wait3A_848, %dma_wait3A_849] : memref<32x16x128xi32, #tpu.memory_space<hbm>> -> memref<1x16x128xi32, #tpu.memory_space<hbm>>
      %dma_wait3A_851 = tpu.memref_squeeze %dma_wait3A_850 : memref<1x16x128xi32, #tpu.memory_space<hbm>> -> memref<16x128xi32, #tpu.memory_space<hbm>>
      tpu.wait_dma2 semaphore(%run_scoped3A : memref<!tpu.dma_semaphore, #tpu.memory_space<semaphore_mem>>) src(%dma_wait3A_851 : memref<16x128xi32, #tpu.memory_space<hbm>>) dst(%arg7 : memref<16x128xi32, #tpu.memory_space<vmem>>)
      tpu.yield
    }) : () -> ()
    "tpu.region"() ({
      %run_scoped3A = tpu.sem_alloc : memref<!tpu.dma_semaphore, #tpu.memory_space<semaphore_mem>>
      %dma_start3A_836 = arith.constant 0 : i32
      %dma_start3A_837 = tpu.memref_slice %arg3[%add3A, %dma_start3A_836] : memref<32x2048xf32, #tpu.memory_space<hbm>> -> memref<1x2048xf32, #tpu.memory_space<hbm>>
      %dma_start3A_838 = tpu.memref_squeeze %dma_start3A_837 : memref<1x2048xf32, #tpu.memory_space<hbm>> -> memref<2048xf32, #tpu.memory_space<hbm>>
      %dma_start3A_839 = arith.constant 0 : i32
      %dma_start3A_840 = tpu.memref_slice %arg3[%add3A, %dma_start3A_839] : memref<32x2048xf32, #tpu.memory_space<hbm>> -> memref<1x2048xf32, #tpu.memory_space<hbm>>
      %dma_start3A_841 = tpu.memref_squeeze %dma_start3A_840 : memref<1x2048xf32, #tpu.memory_space<hbm>> -> memref<2048xf32, #tpu.memory_space<hbm>>
      tpu.enqueue_dma source(%dma_start3A_841 : memref<2048xf32, #tpu.memory_space<hbm>>) target(%arg10 : memref<2048xf32, #tpu.memory_space<vmem>>) target_semaphore(%run_scoped3A : memref<!tpu.dma_semaphore, #tpu.memory_space<semaphore_mem>>)
      %dma_wait3A_842 = arith.constant 0 : i32
      %dma_wait3A_843 = tpu.memref_slice %arg3[%add3A, %dma_wait3A_842] : memref<32x2048xf32, #tpu.memory_space<hbm>> -> memref<1x2048xf32, #tpu.memory_space<hbm>>
      %dma_wait3A_844 = tpu.memref_squeeze %dma_wait3A_843 : memref<1x2048xf32, #tpu.memory_space<hbm>> -> memref<2048xf32, #tpu.memory_space<hbm>>
      %dma_wait3A_845 = arith.constant 0 : i32
      %dma_wait3A_846 = tpu.memref_slice %arg3[%add3A, %dma_wait3A_845] : memref<32x2048xf32, #tpu.memory_space<hbm>> -> memref<1x2048xf32, #tpu.memory_space<hbm>>
      %dma_wait3A_847 = tpu.memref_squeeze %dma_wait3A_846 : memref<1x2048xf32, #tpu.memory_space<hbm>> -> memref<2048xf32, #tpu.memory_space<hbm>>
      tpu.wait_dma2 semaphore(%run_scoped3A : memref<!tpu.dma_semaphore, #tpu.memory_space<semaphore_mem>>) src(%dma_wait3A_847 : memref<2048xf32, #tpu.memory_space<hbm>>) dst(%arg10 : memref<2048xf32, #tpu.memory_space<vmem>>)
      tpu.yield
    }) : () -> ()
    %dma_start3A = arith.constant 0 : i32
    %dma_start3A_1 = arith.constant 0 : i32
    %dma_start3A_2 = arith.constant 0 : i32
    %dma_start3A_3 = tpu.memref_slice %arg8[%dma_start3A_1, %dma_start3A_2] : memref<16x128xi32, #tpu.memory_space<vmem>> -> memref<1x128xi32, #tpu.memory_space<vmem>>
    %dma_start3A_4 = tpu.memref_squeeze %dma_start3A_3 : memref<1x128xi32, #tpu.memory_space<vmem>> -> memref<128xi32, #tpu.memory_space<vmem>>
    %dma_start3A_5 = arith.constant 0 : i32
    %dma_start3A_6 = tpu.memref_slice %arg7[%dma_start3A, %dma_start3A_5] : memref<16x128xi32, #tpu.memory_space<vmem>> -> memref<1x128xi32, #tpu.memory_space<vmem>>
    %dma_start3A_7 = tpu.memref_squeeze %dma_start3A_6 : memref<1x128xi32, #tpu.memory_space<vmem>> -> memref<128xi32, #tpu.memory_space<vmem>>
    %dma_start3A_8 = arith.constant 0 : i32
    %dma_start3A_9 = tpu.memref_slice %arg4[%dma_start3A_8] : memref<16777216xi32, #tpu.memory_space<hbm>> -> memref<16777216xi32, #tpu.memory_space<hbm>>
    tpu.enqueue_indirect_dma source(%dma_start3A_9 : memref<16777216xi32, #tpu.memory_space<hbm>>) target(%dma_start3A_4 : memref<128xi32, #tpu.memory_space<vmem>>) offsets(%dma_start3A_7 : memref<128xi32, #tpu.memory_space<vmem>>) semaphore(%arg11 : memref<!tpu.dma_semaphore, #tpu.memory_space<semaphore_mem>>)
    %dma_start3A_10 = arith.constant 1 : i32
    %dma_start3A_11 = arith.constant 1 : i32
    %dma_start3A_12 = arith.constant 0 : i32
    %dma_start3A_13 = tpu.memref_slice %arg8[%dma_start3A_11, %dma_start3A_12] : memref<16x128xi32, #tpu.memory_space<vmem>> -> memref<1x128xi32, #tpu.memory_space<vmem>>
    %dma_start3A_14 = tpu.memref_squeeze %dma_start3A_13 : memref<1x128xi32, #tpu.memory_space<vmem>> -> memref<128xi32, #tpu.memory_space<vmem>>
    %dma_start3A_15 = arith.constant 0 : i32
    %dma_start3A_16 = tpu.memref_slice %arg7[%dma_start3A_10, %dma_start3A_15] : memref<16x128xi32, #tpu.memory_space<vmem>> -> memref<1x128xi32, #tpu.memory_space<vmem>>
    %dma_start3A_17 = tpu.memref_squeeze %dma_start3A_16 : memref<1x128xi32, #tpu.memory_space<vmem>> -> memref<128xi32, #tpu.memory_space<vmem>>
    %dma_start3A_18 = arith.constant 0 : i32
    %dma_start3A_19 = tpu.memref_slice %arg4[%dma_start3A_18] : memref<16777216xi32, #tpu.memory_space<hbm>> -> memref<16777216xi32, #tpu.memory_space<hbm>>
    tpu.enqueue_indirect_dma source(%dma_start3A_19 : memref<16777216xi32, #tpu.memory_space<hbm>>) target(%dma_start3A_14 : memref<128xi32, #tpu.memory_space<vmem>>) offsets(%dma_start3A_17 : memref<128xi32, #tpu.memory_space<vmem>>) semaphore(%arg11 : memref<!tpu.dma_semaphore, #tpu.memory_space<semaphore_mem>>)
    %dma_start3A_20 = arith.constant 2 : i32
    %dma_start3A_21 = arith.constant 2 : i32
    %dma_start3A_22 = arith.constant 0 : i32
    %dma_start3A_23 = tpu.memref_slice %arg8[%dma_start3A_21, %dma_start3A_22] : memref<16x128xi32, #tpu.memory_space<vmem>> -> memref<1x128xi32, #tpu.memory_space<vmem>>
    %dma_start3A_24 = tpu.memref_squeeze %dma_start3A_23 : memref<1x128xi32, #tpu.memory_space<vmem>> -> memref<128xi32, #tpu.memory_space<vmem>>
    %dma_start3A_25 = arith.constant 0 : i32
    %dma_start3A_26 = tpu.memref_slice %arg7[%dma_start3A_20, %dma_start3A_25] : memref<16x128xi32, #tpu.memory_space<vmem>> -> memref<1x128xi32, #tpu.memory_space<vmem>>
    %dma_start3A_27 = tpu.memref_squeeze %dma_start3A_26 : memref<1x128xi32, #tpu.memory_space<vmem>> -> memref<128xi32, #tpu.memory_space<vmem>>
    %dma_start3A_28 = arith.constant 0 : i32
    %dma_start3A_29 = tpu.memref_slice %arg4[%dma_start3A_28] : memref<16777216xi32, #tpu.memory_space<hbm>> -> memref<16777216xi32, #tpu.memory_space<hbm>>
    tpu.enqueue_indirect_dma source(%dma_start3A_29 : memref<16777216xi32, #tpu.memory_space<hbm>>) target(%dma_start3A_24 : memref<128xi32, #tpu.memory_space<vmem>>) offsets(%dma_start3A_27 : memref<128xi32, #tpu.memory_space<vmem>>) semaphore(%arg11 : memref<!tpu.dma_semaphore, #tpu.memory_space<semaphore_mem>>)
    %dma_start3A_30 = arith.constant 3 : i32
    %dma_start3A_31 = arith.constant 3 : i32
    %dma_start3A_32 = arith.constant 0 : i32
    %dma_start3A_33 = tpu.memref_slice %arg8[%dma_start3A_31, %dma_start3A_32] : memref<16x128xi32, #tpu.memory_space<vmem>> -> memref<1x128xi32, #tpu.memory_space<vmem>>
    %dma_start3A_34 = tpu.memref_squeeze %dma_start3A_33 : memref<1x128xi32, #tpu.memory_space<vmem>> -> memref<128xi32, #tpu.memory_space<vmem>>
    %dma_start3A_35 = arith.constant 0 : i32
    %dma_start3A_36 = tpu.memref_slice %arg7[%dma_start3A_30, %dma_start3A_35] : memref<16x128xi32, #tpu.memory_space<vmem>> -> memref<1x128xi32, #tpu.memory_space<vmem>>
    %dma_start3A_37 = tpu.memref_squeeze %dma_start3A_36 : memref<1x128xi32, #tpu.memory_space<vmem>> -> memref<128xi32, #tpu.memory_space<vmem>>
    %dma_start3A_38 = arith.constant 0 : i32
    %dma_start3A_39 = tpu.memref_slice %arg4[%dma_start3A_38] : memref<16777216xi32, #tpu.memory_space<hbm>> -> memref<16777216xi32, #tpu.memory_space<hbm>>
    tpu.enqueue_indirect_dma source(%dma_start3A_39 : memref<16777216xi32, #tpu.memory_space<hbm>>) target(%dma_start3A_34 : memref<128xi32, #tpu.memory_space<vmem>>) offsets(%dma_start3A_37 : memref<128xi32, #tpu.memory_space<vmem>>) semaphore(%arg11 : memref<!tpu.dma_semaphore, #tpu.memory_space<semaphore_mem>>)
    %dma_start3A_40 = arith.constant 4 : i32
    %dma_start3A_41 = arith.constant 4 : i32
    %dma_start3A_42 = arith.constant 0 : i32
    %dma_start3A_43 = tpu.memref_slice %arg8[%dma_start3A_41, %dma_start3A_42] : memref<16x128xi32, #tpu.memory_space<vmem>> -> memref<1x128xi32, #tpu.memory_space<vmem>>
    %dma_start3A_44 = tpu.memref_squeeze %dma_start3A_43 : memref<1x128xi32, #tpu.memory_space<vmem>> -> memref<128xi32, #tpu.memory_space<vmem>>
    %dma_start3A_45 = arith.constant 0 : i32
    %dma_start3A_46 = tpu.memref_slice %arg7[%dma_start3A_40, %dma_start3A_45] : memref<16x128xi32, #tpu.memory_space<vmem>> -> memref<1x128xi32, #tpu.memory_space<vmem>>
    %dma_start3A_47 = tpu.memref_squeeze %dma_start3A_46 : memref<1x128xi32, #tpu.memory_space<vmem>> -> memref<128xi32, #tpu.memory_space<vmem>>
    %dma_start3A_48 = arith.constant 0 : i32
    %dma_start3A_49 = tpu.memref_slice %arg4[%dma_start3A_48] : memref<16777216xi32, #tpu.memory_space<hbm>> -> memref<16777216xi32, #tpu.memory_space<hbm>>
    tpu.enqueue_indirect_dma source(%dma_start3A_49 : memref<16777216xi32, #tpu.memory_space<hbm>>) target(%dma_start3A_44 : memref<128xi32, #tpu.memory_space<vmem>>) offsets(%dma_start3A_47 : memref<128xi32, #tpu.memory_space<vmem>>) semaphore(%arg11 : memref<!tpu.dma_semaphore, #tpu.memory_space<semaphore_mem>>)
    %dma_start3A_50 = arith.constant 5 : i32
    %dma_start3A_51 = arith.constant 5 : i32
    %dma_start3A_52 = arith.constant 0 : i32
    %dma_start3A_53 = tpu.memref_slice %arg8[%dma_start3A_51, %dma_start3A_52] : memref<16x128xi32, #tpu.memory_space<vmem>> -> memref<1x128xi32, #tpu.memory_space<vmem>>
    %dma_start3A_54 = tpu.memref_squeeze %dma_start3A_53 : memref<1x128xi32, #tpu.memory_space<vmem>> -> memref<128xi32, #tpu.memory_space<vmem>>
    %dma_start3A_55 = arith.constant 0 : i32
    %dma_start3A_56 = tpu.memref_slice %arg7[%dma_start3A_50, %dma_start3A_55] : memref<16x128xi32, #tpu.memory_space<vmem>> -> memref<1x128xi32, #tpu.memory_space<vmem>>
    %dma_start3A_57 = tpu.memref_squeeze %dma_start3A_56 : memref<1x128xi32, #tpu.memory_space<vmem>> -> memref<128xi32, #tpu.memory_space<vmem>>
    %dma_start3A_58 = arith.constant 0 : i32
    %dma_start3A_59 = tpu.memref_slice %arg4[%dma_start3A_58] : memref<16777216xi32, #tpu.memory_space<hbm>> -> memref<16777216xi32, #tpu.memory_space<hbm>>
    tpu.enqueue_indirect_dma source(%dma_start3A_59 : memref<16777216xi32, #tpu.memory_space<hbm>>) target(%dma_start3A_54 : memref<128xi32, #tpu.memory_space<vmem>>) offsets(%dma_start3A_57 : memref<128xi32, #tpu.memory_space<vmem>>) semaphore(%arg11 : memref<!tpu.dma_semaphore, #tpu.memory_space<semaphore_mem>>)
    %dma_start3A_60 = arith.constant 6 : i32
    %dma_start3A_61 = arith.constant 6 : i32
    %dma_start3A_62 = arith.constant 0 : i32
    %dma_start3A_63 = tpu.memref_slice %arg8[%dma_start3A_61, %dma_start3A_62] : memref<16x128xi32, #tpu.memory_space<vmem>> -> memref<1x128xi32, #tpu.memory_space<vmem>>
    %dma_start3A_64 = tpu.memref_squeeze %dma_start3A_63 : memref<1x128xi32, #tpu.memory_space<vmem>> -> memref<128xi32, #tpu.memory_space<vmem>>
    %dma_start3A_65 = arith.constant 0 : i32
    %dma_start3A_66 = tpu.memref_slice %arg7[%dma_start3A_60, %dma_start3A_65] : memref<16x128xi32, #tpu.memory_space<vmem>> -> memref<1x128xi32, #tpu.memory_space<vmem>>
    %dma_start3A_67 = tpu.memref_squeeze %dma_start3A_66 : memref<1x128xi32, #tpu.memory_space<vmem>> -> memref<128xi32, #tpu.memory_space<vmem>>
    %dma_start3A_68 = arith.constant 0 : i32
    %dma_start3A_69 = tpu.memref_slice %arg4[%dma_start3A_68] : memref<16777216xi32, #tpu.memory_space<hbm>> -> memref<16777216xi32, #tpu.memory_space<hbm>>
    tpu.enqueue_indirect_dma source(%dma_start3A_69 : memref<16777216xi32, #tpu.memory_space<hbm>>) target(%dma_start3A_64 : memref<128xi32, #tpu.memory_space<vmem>>) offsets(%dma_start3A_67 : memref<128xi32, #tpu.memory_space<vmem>>) semaphore(%arg11 : memref<!tpu.dma_semaphore, #tpu.memory_space<semaphore_mem>>)
    %dma_start3A_70 = arith.constant 7 : i32
    %dma_start3A_71 = arith.constant 7 : i32
    %dma_start3A_72 = arith.constant 0 : i32
    %dma_start3A_73 = tpu.memref_slice %arg8[%dma_start3A_71, %dma_start3A_72] : memref<16x128xi32, #tpu.memory_space<vmem>> -> memref<1x128xi32, #tpu.memory_space<vmem>>
    %dma_start3A_74 = tpu.memref_squeeze %dma_start3A_73 : memref<1x128xi32, #tpu.memory_space<vmem>> -> memref<128xi32, #tpu.memory_space<vmem>>
    %dma_start3A_75 = arith.constant 0 : i32
    %dma_start3A_76 = tpu.memref_slice %arg7[%dma_start3A_70, %dma_start3A_75] : memref<16x128xi32, #tpu.memory_space<vmem>> -> memref<1x128xi32, #tpu.memory_space<vmem>>
    %dma_start3A_77 = tpu.memref_squeeze %dma_start3A_76 : memref<1x128xi32, #tpu.memory_space<vmem>> -> memref<128xi32, #tpu.memory_space<vmem>>
    %dma_start3A_78 = arith.constant 0 : i32
    %dma_start3A_79 = tpu.memref_slice %arg4[%dma_start3A_78] : memref<16777216xi32, #tpu.memory_space<hbm>> -> memref<16777216xi32, #tpu.memory_space<hbm>>
    tpu.enqueue_indirect_dma source(%dma_start3A_79 : memref<16777216xi32, #tpu.memory_space<hbm>>) target(%dma_start3A_74 : memref<128xi32, #tpu.memory_space<vmem>>) offsets(%dma_start3A_77 : memref<128xi32, #tpu.memory_space<vmem>>) semaphore(%arg11 : memref<!tpu.dma_semaphore, #tpu.memory_space<semaphore_mem>>)
    %dma_start3A_80 = arith.constant 8 : i32
    %dma_start3A_81 = arith.constant 8 : i32
    %dma_start3A_82 = arith.constant 0 : i32
    %dma_start3A_83 = tpu.memref_slice %arg8[%dma_start3A_81, %dma_start3A_82] : memref<16x128xi32, #tpu.memory_space<vmem>> -> memref<1x128xi32, #tpu.memory_space<vmem>>
    %dma_start3A_84 = tpu.memref_squeeze %dma_start3A_83 : memref<1x128xi32, #tpu.memory_space<vmem>> -> memref<128xi32, #tpu.memory_space<vmem>>
    %dma_start3A_85 = arith.constant 0 : i32
    %dma_start3A_86 = tpu.memref_slice %arg7[%dma_start3A_80, %dma_start3A_85] : memref<16x128xi32, #tpu.memory_space<vmem>> -> memref<1x128xi32, #tpu.memory_space<vmem>>
    %dma_start3A_87 = tpu.memref_squeeze %dma_start3A_86 : memref<1x128xi32, #tpu.memory_space<vmem>> -> memref<128xi32, #tpu.memory_space<vmem>>
    %dma_start3A_88 = arith.constant 0 : i32
    %dma_start3A_89 = tpu.memref_slice %arg4[%dma_start3A_88] : memref<16777216xi32, #tpu.memory_space<hbm>> -> memref<16777216xi32, #tpu.memory_space<hbm>>
    tpu.enqueue_indirect_dma source(%dma_start3A_89 : memref<16777216xi32, #tpu.memory_space<hbm>>) target(%dma_start3A_84 : memref<128xi32, #tpu.memory_space<vmem>>) offsets(%dma_start3A_87 : memref<128xi32, #tpu.memory_space<vmem>>) semaphore(%arg11 : memref<!tpu.dma_semaphore, #tpu.memory_space<semaphore_mem>>)
    %dma_start3A_90 = arith.constant 9 : i32
    %dma_start3A_91 = arith.constant 9 : i32
    %dma_start3A_92 = arith.constant 0 : i32
    %dma_start3A_93 = tpu.memref_slice %arg8[%dma_start3A_91, %dma_start3A_92] : memref<16x128xi32, #tpu.memory_space<vmem>> -> memref<1x128xi32, #tpu.memory_space<vmem>>
    %dma_start3A_94 = tpu.memref_squeeze %dma_start3A_93 : memref<1x128xi32, #tpu.memory_space<vmem>> -> memref<128xi32, #tpu.memory_space<vmem>>
    %dma_start3A_95 = arith.constant 0 : i32
    %dma_start3A_96 = tpu.memref_slice %arg7[%dma_start3A_90, %dma_start3A_95] : memref<16x128xi32, #tpu.memory_space<vmem>> -> memref<1x128xi32, #tpu.memory_space<vmem>>
    %dma_start3A_97 = tpu.memref_squeeze %dma_start3A_96 : memref<1x128xi32, #tpu.memory_space<vmem>> -> memref<128xi32, #tpu.memory_space<vmem>>
    %dma_start3A_98 = arith.constant 0 : i32
    %dma_start3A_99 = tpu.memref_slice %arg4[%dma_start3A_98] : memref<16777216xi32, #tpu.memory_space<hbm>> -> memref<16777216xi32, #tpu.memory_space<hbm>>
    tpu.enqueue_indirect_dma source(%dma_start3A_99 : memref<16777216xi32, #tpu.memory_space<hbm>>) target(%dma_start3A_94 : memref<128xi32, #tpu.memory_space<vmem>>) offsets(%dma_start3A_97 : memref<128xi32, #tpu.memory_space<vmem>>) semaphore(%arg11 : memref<!tpu.dma_semaphore, #tpu.memory_space<semaphore_mem>>)
    %dma_start3A_100 = arith.constant 10 : i32
    %dma_start3A_101 = arith.constant 10 : i32
    %dma_start3A_102 = arith.constant 0 : i32
    %dma_start3A_103 = tpu.memref_slice %arg8[%dma_start3A_101, %dma_start3A_102] : memref<16x128xi32, #tpu.memory_space<vmem>> -> memref<1x128xi32, #tpu.memory_space<vmem>>
    %dma_start3A_104 = tpu.memref_squeeze %dma_start3A_103 : memref<1x128xi32, #tpu.memory_space<vmem>> -> memref<128xi32, #tpu.memory_space<vmem>>
    %dma_start3A_105 = arith.constant 0 : i32
    %dma_start3A_106 = tpu.memref_slice %arg7[%dma_start3A_100, %dma_start3A_105] : memref<16x128xi32, #tpu.memory_space<vmem>> -> memref<1x128xi32, #tpu.memory_space<vmem>>
    %dma_start3A_107 = tpu.memref_squeeze %dma_start3A_106 : memref<1x128xi32, #tpu.memory_space<vmem>> -> memref<128xi32, #tpu.memory_space<vmem>>
    %dma_start3A_108 = arith.constant 0 : i32
    %dma_start3A_109 = tpu.memref_slice %arg4[%dma_start3A_108] : memref<16777216xi32, #tpu.memory_space<hbm>> -> memref<16777216xi32, #tpu.memory_space<hbm>>
    tpu.enqueue_indirect_dma source(%dma_start3A_109 : memref<16777216xi32, #tpu.memory_space<hbm>>) target(%dma_start3A_104 : memref<128xi32, #tpu.memory_space<vmem>>) offsets(%dma_start3A_107 : memref<128xi32, #tpu.memory_space<vmem>>) semaphore(%arg11 : memref<!tpu.dma_semaphore, #tpu.memory_space<semaphore_mem>>)
    %dma_start3A_110 = arith.constant 11 : i32
    %dma_start3A_111 = arith.constant 11 : i32
    %dma_start3A_112 = arith.constant 0 : i32
    %dma_start3A_113 = tpu.memref_slice %arg8[%dma_start3A_111, %dma_start3A_112] : memref<16x128xi32, #tpu.memory_space<vmem>> -> memref<1x128xi32, #tpu.memory_space<vmem>>
    %dma_start3A_114 = tpu.memref_squeeze %dma_start3A_113 : memref<1x128xi32, #tpu.memory_space<vmem>> -> memref<128xi32, #tpu.memory_space<vmem>>
    %dma_start3A_115 = arith.constant 0 : i32
    %dma_start3A_116 = tpu.memref_slice %arg7[%dma_start3A_110, %dma_start3A_115] : memref<16x128xi32, #tpu.memory_space<vmem>> -> memref<1x128xi32, #tpu.memory_space<vmem>>
    %dma_start3A_117 = tpu.memref_squeeze %dma_start3A_116 : memref<1x128xi32, #tpu.memory_space<vmem>> -> memref<128xi32, #tpu.memory_space<vmem>>
    %dma_start3A_118 = arith.constant 0 : i32
    %dma_start3A_119 = tpu.memref_slice %arg4[%dma_start3A_118] : memref<16777216xi32, #tpu.memory_space<hbm>> -> memref<16777216xi32, #tpu.memory_space<hbm>>
    tpu.enqueue_indirect_dma source(%dma_start3A_119 : memref<16777216xi32, #tpu.memory_space<hbm>>) target(%dma_start3A_114 : memref<128xi32, #tpu.memory_space<vmem>>) offsets(%dma_start3A_117 : memref<128xi32, #tpu.memory_space<vmem>>) semaphore(%arg11 : memref<!tpu.dma_semaphore, #tpu.memory_space<semaphore_mem>>)
    %dma_start3A_120 = arith.constant 12 : i32
    %dma_start3A_121 = arith.constant 12 : i32
    %dma_start3A_122 = arith.constant 0 : i32
    %dma_start3A_123 = tpu.memref_slice %arg8[%dma_start3A_121, %dma_start3A_122] : memref<16x128xi32, #tpu.memory_space<vmem>> -> memref<1x128xi32, #tpu.memory_space<vmem>>
    %dma_start3A_124 = tpu.memref_squeeze %dma_start3A_123 : memref<1x128xi32, #tpu.memory_space<vmem>> -> memref<128xi32, #tpu.memory_space<vmem>>
    %dma_start3A_125 = arith.constant 0 : i32
    %dma_start3A_126 = tpu.memref_slice %arg7[%dma_start3A_120, %dma_start3A_125] : memref<16x128xi32, #tpu.memory_space<vmem>> -> memref<1x128xi32, #tpu.memory_space<vmem>>
    %dma_start3A_127 = tpu.memref_squeeze %dma_start3A_126 : memref<1x128xi32, #tpu.memory_space<vmem>> -> memref<128xi32, #tpu.memory_space<vmem>>
    %dma_start3A_128 = arith.constant 0 : i32
    %dma_start3A_129 = tpu.memref_slice %arg4[%dma_start3A_128] : memref<16777216xi32, #tpu.memory_space<hbm>> -> memref<16777216xi32, #tpu.memory_space<hbm>>
    tpu.enqueue_indirect_dma source(%dma_start3A_129 : memref<16777216xi32, #tpu.memory_space<hbm>>) target(%dma_start3A_124 : memref<128xi32, #tpu.memory_space<vmem>>) offsets(%dma_start3A_127 : memref<128xi32, #tpu.memory_space<vmem>>) semaphore(%arg11 : memref<!tpu.dma_semaphore, #tpu.memory_space<semaphore_mem>>)
    %dma_start3A_130 = arith.constant 13 : i32
    %dma_start3A_131 = arith.constant 13 : i32
    %dma_start3A_132 = arith.constant 0 : i32
    %dma_start3A_133 = tpu.memref_slice %arg8[%dma_start3A_131, %dma_start3A_132] : memref<16x128xi32, #tpu.memory_space<vmem>> -> memref<1x128xi32, #tpu.memory_space<vmem>>
    %dma_start3A_134 = tpu.memref_squeeze %dma_start3A_133 : memref<1x128xi32, #tpu.memory_space<vmem>> -> memref<128xi32, #tpu.memory_space<vmem>>
    %dma_start3A_135 = arith.constant 0 : i32
    %dma_start3A_136 = tpu.memref_slice %arg7[%dma_start3A_130, %dma_start3A_135] : memref<16x128xi32, #tpu.memory_space<vmem>> -> memref<1x128xi32, #tpu.memory_space<vmem>>
    %dma_start3A_137 = tpu.memref_squeeze %dma_start3A_136 : memref<1x128xi32, #tpu.memory_space<vmem>> -> memref<128xi32, #tpu.memory_space<vmem>>
    %dma_start3A_138 = arith.constant 0 : i32
    %dma_start3A_139 = tpu.memref_slice %arg4[%dma_start3A_138] : memref<16777216xi32, #tpu.memory_space<hbm>> -> memref<16777216xi32, #tpu.memory_space<hbm>>
    tpu.enqueue_indirect_dma source(%dma_start3A_139 : memref<16777216xi32, #tpu.memory_space<hbm>>) target(%dma_start3A_134 : memref<128xi32, #tpu.memory_space<vmem>>) offsets(%dma_start3A_137 : memref<128xi32, #tpu.memory_space<vmem>>) semaphore(%arg11 : memref<!tpu.dma_semaphore, #tpu.memory_space<semaphore_mem>>)
    %dma_start3A_140 = arith.constant 14 : i32
    %dma_start3A_141 = arith.constant 14 : i32
    %dma_start3A_142 = arith.constant 0 : i32
    %dma_start3A_143 = tpu.memref_slice %arg8[%dma_start3A_141, %dma_start3A_142] : memref<16x128xi32, #tpu.memory_space<vmem>> -> memref<1x128xi32, #tpu.memory_space<vmem>>
    %dma_start3A_144 = tpu.memref_squeeze %dma_start3A_143 : memref<1x128xi32, #tpu.memory_space<vmem>> -> memref<128xi32, #tpu.memory_space<vmem>>
    %dma_start3A_145 = arith.constant 0 : i32
    %dma_start3A_146 = tpu.memref_slice %arg7[%dma_start3A_140, %dma_start3A_145] : memref<16x128xi32, #tpu.memory_space<vmem>> -> memref<1x128xi32, #tpu.memory_space<vmem>>
    %dma_start3A_147 = tpu.memref_squeeze %dma_start3A_146 : memref<1x128xi32, #tpu.memory_space<vmem>> -> memref<128xi32, #tpu.memory_space<vmem>>
    %dma_start3A_148 = arith.constant 0 : i32
    %dma_start3A_149 = tpu.memref_slice %arg4[%dma_start3A_148] : memref<16777216xi32, #tpu.memory_space<hbm>> -> memref<16777216xi32, #tpu.memory_space<hbm>>
    tpu.enqueue_indirect_dma source(%dma_start3A_149 : memref<16777216xi32, #tpu.memory_space<hbm>>) target(%dma_start3A_144 : memref<128xi32, #tpu.memory_space<vmem>>) offsets(%dma_start3A_147 : memref<128xi32, #tpu.memory_space<vmem>>) semaphore(%arg11 : memref<!tpu.dma_semaphore, #tpu.memory_space<semaphore_mem>>)
    %dma_start3A_150 = arith.constant 15 : i32
    %dma_start3A_151 = arith.constant 15 : i32
    %dma_start3A_152 = arith.constant 0 : i32
    %dma_start3A_153 = tpu.memref_slice %arg8[%dma_start3A_151, %dma_start3A_152] : memref<16x128xi32, #tpu.memory_space<vmem>> -> memref<1x128xi32, #tpu.memory_space<vmem>>
    %dma_start3A_154 = tpu.memref_squeeze %dma_start3A_153 : memref<1x128xi32, #tpu.memory_space<vmem>> -> memref<128xi32, #tpu.memory_space<vmem>>
    %dma_start3A_155 = arith.constant 0 : i32
    %dma_start3A_156 = tpu.memref_slice %arg7[%dma_start3A_150, %dma_start3A_155] : memref<16x128xi32, #tpu.memory_space<vmem>> -> memref<1x128xi32, #tpu.memory_space<vmem>>
    %dma_start3A_157 = tpu.memref_squeeze %dma_start3A_156 : memref<1x128xi32, #tpu.memory_space<vmem>> -> memref<128xi32, #tpu.memory_space<vmem>>
    %dma_start3A_158 = arith.constant 0 : i32
    %dma_start3A_159 = tpu.memref_slice %arg4[%dma_start3A_158] : memref<16777216xi32, #tpu.memory_space<hbm>> -> memref<16777216xi32, #tpu.memory_space<hbm>>
    tpu.enqueue_indirect_dma source(%dma_start3A_159 : memref<16777216xi32, #tpu.memory_space<hbm>>) target(%dma_start3A_154 : memref<128xi32, #tpu.memory_space<vmem>>) offsets(%dma_start3A_157 : memref<128xi32, #tpu.memory_space<vmem>>) semaphore(%arg11 : memref<!tpu.dma_semaphore, #tpu.memory_space<semaphore_mem>>)
    %dma_wait3A = arith.constant 0 : i32
    %dma_wait3A_160 = arith.constant 0 : i32
    %dma_wait3A_161 = arith.constant 0 : i32
    %dma_wait3A_162 = tpu.memref_slice %arg8[%dma_wait3A_160, %dma_wait3A_161] : memref<16x128xi32, #tpu.memory_space<vmem>> -> memref<1x128xi32, #tpu.memory_space<vmem>>
    %dma_wait3A_163 = tpu.memref_squeeze %dma_wait3A_162 : memref<1x128xi32, #tpu.memory_space<vmem>> -> memref<128xi32, #tpu.memory_space<vmem>>
    %dma_wait3A_164 = arith.constant 0 : i32
    %dma_wait3A_165 = tpu.memref_slice %arg7[%dma_wait3A, %dma_wait3A_164] : memref<16x128xi32, #tpu.memory_space<vmem>> -> memref<1x128xi32, #tpu.memory_space<vmem>>
    %dma_wait3A_166 = tpu.memref_squeeze %dma_wait3A_165 : memref<1x128xi32, #tpu.memory_space<vmem>> -> memref<128xi32, #tpu.memory_space<vmem>>
    %dma_wait3A_167 = arith.constant 0 : i32
    %dma_wait3A_168 = tpu.memref_slice %arg4[%dma_wait3A_167] : memref<16777216xi32, #tpu.memory_space<hbm>> -> memref<16777216xi32, #tpu.memory_space<hbm>>
    tpu.wait_indirect_dma semaphore(%arg11 : memref<!tpu.dma_semaphore, #tpu.memory_space<semaphore_mem>>) src(%dma_wait3A_168 : memref<16777216xi32, #tpu.memory_space<hbm>>) dst(%dma_wait3A_163 : memref<128xi32, #tpu.memory_space<vmem>>)
    %dma_wait3A_169 = arith.constant 1 : i32
    %dma_wait3A_170 = arith.constant 1 : i32
    %dma_wait3A_171 = arith.constant 0 : i32
    %dma_wait3A_172 = tpu.memref_slice %arg8[%dma_wait3A_170, %dma_wait3A_171] : memref<16x128xi32, #tpu.memory_space<vmem>> -> memref<1x128xi32, #tpu.memory_space<vmem>>
    %dma_wait3A_173 = tpu.memref_squeeze %dma_wait3A_172 : memref<1x128xi32, #tpu.memory_space<vmem>> -> memref<128xi32, #tpu.memory_space<vmem>>
    %dma_wait3A_174 = arith.constant 0 : i32
    %dma_wait3A_175 = tpu.memref_slice %arg7[%dma_wait3A_169, %dma_wait3A_174] : memref<16x128xi32, #tpu.memory_space<vmem>> -> memref<1x128xi32, #tpu.memory_space<vmem>>
    %dma_wait3A_176 = tpu.memref_squeeze %dma_wait3A_175 : memref<1x128xi32, #tpu.memory_space<vmem>> -> memref<128xi32, #tpu.memory_space<vmem>>
    %dma_wait3A_177 = arith.constant 0 : i32
    %dma_wait3A_178 = tpu.memref_slice %arg4[%dma_wait3A_177] : memref<16777216xi32, #tpu.memory_space<hbm>> -> memref<16777216xi32, #tpu.memory_space<hbm>>
    tpu.wait_indirect_dma semaphore(%arg11 : memref<!tpu.dma_semaphore, #tpu.memory_space<semaphore_mem>>) src(%dma_wait3A_178 : memref<16777216xi32, #tpu.memory_space<hbm>>) dst(%dma_wait3A_173 : memref<128xi32, #tpu.memory_space<vmem>>)
    %dma_wait3A_179 = arith.constant 2 : i32
    %dma_wait3A_180 = arith.constant 2 : i32
    %dma_wait3A_181 = arith.constant 0 : i32
    %dma_wait3A_182 = tpu.memref_slice %arg8[%dma_wait3A_180, %dma_wait3A_181] : memref<16x128xi32, #tpu.memory_space<vmem>> -> memref<1x128xi32, #tpu.memory_space<vmem>>
    %dma_wait3A_183 = tpu.memref_squeeze %dma_wait3A_182 : memref<1x128xi32, #tpu.memory_space<vmem>> -> memref<128xi32, #tpu.memory_space<vmem>>
    %dma_wait3A_184 = arith.constant 0 : i32
    %dma_wait3A_185 = tpu.memref_slice %arg7[%dma_wait3A_179, %dma_wait3A_184] : memref<16x128xi32, #tpu.memory_space<vmem>> -> memref<1x128xi32, #tpu.memory_space<vmem>>
    %dma_wait3A_186 = tpu.memref_squeeze %dma_wait3A_185 : memref<1x128xi32, #tpu.memory_space<vmem>> -> memref<128xi32, #tpu.memory_space<vmem>>
    %dma_wait3A_187 = arith.constant 0 : i32
    %dma_wait3A_188 = tpu.memref_slice %arg4[%dma_wait3A_187] : memref<16777216xi32, #tpu.memory_space<hbm>> -> memref<16777216xi32, #tpu.memory_space<hbm>>
    tpu.wait_indirect_dma semaphore(%arg11 : memref<!tpu.dma_semaphore, #tpu.memory_space<semaphore_mem>>) src(%dma_wait3A_188 : memref<16777216xi32, #tpu.memory_space<hbm>>) dst(%dma_wait3A_183 : memref<128xi32, #tpu.memory_space<vmem>>)
    %dma_wait3A_189 = arith.constant 3 : i32
    %dma_wait3A_190 = arith.constant 3 : i32
    %dma_wait3A_191 = arith.constant 0 : i32
    %dma_wait3A_192 = tpu.memref_slice %arg8[%dma_wait3A_190, %dma_wait3A_191] : memref<16x128xi32, #tpu.memory_space<vmem>> -> memref<1x128xi32, #tpu.memory_space<vmem>>
    %dma_wait3A_193 = tpu.memref_squeeze %dma_wait3A_192 : memref<1x128xi32, #tpu.memory_space<vmem>> -> memref<128xi32, #tpu.memory_space<vmem>>
    %dma_wait3A_194 = arith.constant 0 : i32
    %dma_wait3A_195 = tpu.memref_slice %arg7[%dma_wait3A_189, %dma_wait3A_194] : memref<16x128xi32, #tpu.memory_space<vmem>> -> memref<1x128xi32, #tpu.memory_space<vmem>>
    %dma_wait3A_196 = tpu.memref_squeeze %dma_wait3A_195 : memref<1x128xi32, #tpu.memory_space<vmem>> -> memref<128xi32, #tpu.memory_space<vmem>>
    %dma_wait3A_197 = arith.constant 0 : i32
    %dma_wait3A_198 = tpu.memref_slice %arg4[%dma_wait3A_197] : memref<16777216xi32, #tpu.memory_space<hbm>> -> memref<16777216xi32, #tpu.memory_space<hbm>>
    tpu.wait_indirect_dma semaphore(%arg11 : memref<!tpu.dma_semaphore, #tpu.memory_space<semaphore_mem>>) src(%dma_wait3A_198 : memref<16777216xi32, #tpu.memory_space<hbm>>) dst(%dma_wait3A_193 : memref<128xi32, #tpu.memory_space<vmem>>)
    %dma_wait3A_199 = arith.constant 4 : i32
    %dma_wait3A_200 = arith.constant 4 : i32
    %dma_wait3A_201 = arith.constant 0 : i32
    %dma_wait3A_202 = tpu.memref_slice %arg8[%dma_wait3A_200, %dma_wait3A_201] : memref<16x128xi32, #tpu.memory_space<vmem>> -> memref<1x128xi32, #tpu.memory_space<vmem>>
    %dma_wait3A_203 = tpu.memref_squeeze %dma_wait3A_202 : memref<1x128xi32, #tpu.memory_space<vmem>> -> memref<128xi32, #tpu.memory_space<vmem>>
    %dma_wait3A_204 = arith.constant 0 : i32
    %dma_wait3A_205 = tpu.memref_slice %arg7[%dma_wait3A_199, %dma_wait3A_204] : memref<16x128xi32, #tpu.memory_space<vmem>> -> memref<1x128xi32, #tpu.memory_space<vmem>>
    %dma_wait3A_206 = tpu.memref_squeeze %dma_wait3A_205 : memref<1x128xi32, #tpu.memory_space<vmem>> -> memref<128xi32, #tpu.memory_space<vmem>>
    %dma_wait3A_207 = arith.constant 0 : i32
    %dma_wait3A_208 = tpu.memref_slice %arg4[%dma_wait3A_207] : memref<16777216xi32, #tpu.memory_space<hbm>> -> memref<16777216xi32, #tpu.memory_space<hbm>>
    tpu.wait_indirect_dma semaphore(%arg11 : memref<!tpu.dma_semaphore, #tpu.memory_space<semaphore_mem>>) src(%dma_wait3A_208 : memref<16777216xi32, #tpu.memory_space<hbm>>) dst(%dma_wait3A_203 : memref<128xi32, #tpu.memory_space<vmem>>)
    %dma_wait3A_209 = arith.constant 5 : i32
    %dma_wait3A_210 = arith.constant 5 : i32
    %dma_wait3A_211 = arith.constant 0 : i32
    %dma_wait3A_212 = tpu.memref_slice %arg8[%dma_wait3A_210, %dma_wait3A_211] : memref<16x128xi32, #tpu.memory_space<vmem>> -> memref<1x128xi32, #tpu.memory_space<vmem>>
    %dma_wait3A_213 = tpu.memref_squeeze %dma_wait3A_212 : memref<1x128xi32, #tpu.memory_space<vmem>> -> memref<128xi32, #tpu.memory_space<vmem>>
    %dma_wait3A_214 = arith.constant 0 : i32
    %dma_wait3A_215 = tpu.memref_slice %arg7[%dma_wait3A_209, %dma_wait3A_214] : memref<16x128xi32, #tpu.memory_space<vmem>> -> memref<1x128xi32, #tpu.memory_space<vmem>>
    %dma_wait3A_216 = tpu.memref_squeeze %dma_wait3A_215 : memref<1x128xi32, #tpu.memory_space<vmem>> -> memref<128xi32, #tpu.memory_space<vmem>>
    %dma_wait3A_217 = arith.constant 0 : i32
    %dma_wait3A_218 = tpu.memref_slice %arg4[%dma_wait3A_217] : memref<16777216xi32, #tpu.memory_space<hbm>> -> memref<16777216xi32, #tpu.memory_space<hbm>>
    tpu.wait_indirect_dma semaphore(%arg11 : memref<!tpu.dma_semaphore, #tpu.memory_space<semaphore_mem>>) src(%dma_wait3A_218 : memref<16777216xi32, #tpu.memory_space<hbm>>) dst(%dma_wait3A_213 : memref<128xi32, #tpu.memory_space<vmem>>)
    %dma_wait3A_219 = arith.constant 6 : i32
    %dma_wait3A_220 = arith.constant 6 : i32
    %dma_wait3A_221 = arith.constant 0 : i32
    %dma_wait3A_222 = tpu.memref_slice %arg8[%dma_wait3A_220, %dma_wait3A_221] : memref<16x128xi32, #tpu.memory_space<vmem>> -> memref<1x128xi32, #tpu.memory_space<vmem>>
    %dma_wait3A_223 = tpu.memref_squeeze %dma_wait3A_222 : memref<1x128xi32, #tpu.memory_space<vmem>> -> memref<128xi32, #tpu.memory_space<vmem>>
    %dma_wait3A_224 = arith.constant 0 : i32
    %dma_wait3A_225 = tpu.memref_slice %arg7[%dma_wait3A_219, %dma_wait3A_224] : memref<16x128xi32, #tpu.memory_space<vmem>> -> memref<1x128xi32, #tpu.memory_space<vmem>>
    %dma_wait3A_226 = tpu.memref_squeeze %dma_wait3A_225 : memref<1x128xi32, #tpu.memory_space<vmem>> -> memref<128xi32, #tpu.memory_space<vmem>>
    %dma_wait3A_227 = arith.constant 0 : i32
    %dma_wait3A_228 = tpu.memref_slice %arg4[%dma_wait3A_227] : memref<16777216xi32, #tpu.memory_space<hbm>> -> memref<16777216xi32, #tpu.memory_space<hbm>>
    tpu.wait_indirect_dma semaphore(%arg11 : memref<!tpu.dma_semaphore, #tpu.memory_space<semaphore_mem>>) src(%dma_wait3A_228 : memref<16777216xi32, #tpu.memory_space<hbm>>) dst(%dma_wait3A_223 : memref<128xi32, #tpu.memory_space<vmem>>)
    %dma_wait3A_229 = arith.constant 7 : i32
    %dma_wait3A_230 = arith.constant 7 : i32
    %dma_wait3A_231 = arith.constant 0 : i32
    %dma_wait3A_232 = tpu.memref_slice %arg8[%dma_wait3A_230, %dma_wait3A_231] : memref<16x128xi32, #tpu.memory_space<vmem>> -> memref<1x128xi32, #tpu.memory_space<vmem>>
    %dma_wait3A_233 = tpu.memref_squeeze %dma_wait3A_232 : memref<1x128xi32, #tpu.memory_space<vmem>> -> memref<128xi32, #tpu.memory_space<vmem>>
    %dma_wait3A_234 = arith.constant 0 : i32
    %dma_wait3A_235 = tpu.memref_slice %arg7[%dma_wait3A_229, %dma_wait3A_234] : memref<16x128xi32, #tpu.memory_space<vmem>> -> memref<1x128xi32, #tpu.memory_space<vmem>>
    %dma_wait3A_236 = tpu.memref_squeeze %dma_wait3A_235 : memref<1x128xi32, #tpu.memory_space<vmem>> -> memref<128xi32, #tpu.memory_space<vmem>>
    %dma_wait3A_237 = arith.constant 0 : i32
    %dma_wait3A_238 = tpu.memref_slice %arg4[%dma_wait3A_237] : memref<16777216xi32, #tpu.memory_space<hbm>> -> memref<16777216xi32, #tpu.memory_space<hbm>>
    tpu.wait_indirect_dma semaphore(%arg11 : memref<!tpu.dma_semaphore, #tpu.memory_space<semaphore_mem>>) src(%dma_wait3A_238 : memref<16777216xi32, #tpu.memory_space<hbm>>) dst(%dma_wait3A_233 : memref<128xi32, #tpu.memory_space<vmem>>)
    %dma_wait3A_239 = arith.constant 8 : i32
    %dma_wait3A_240 = arith.constant 8 : i32
    %dma_wait3A_241 = arith.constant 0 : i32
    %dma_wait3A_242 = tpu.memref_slice %arg8[%dma_wait3A_240, %dma_wait3A_241] : memref<16x128xi32, #tpu.memory_space<vmem>> -> memref<1x128xi32, #tpu.memory_space<vmem>>
    %dma_wait3A_243 = tpu.memref_squeeze %dma_wait3A_242 : memref<1x128xi32, #tpu.memory_space<vmem>> -> memref<128xi32, #tpu.memory_space<vmem>>
    %dma_wait3A_244 = arith.constant 0 : i32
    %dma_wait3A_245 = tpu.memref_slice %arg7[%dma_wait3A_239, %dma_wait3A_244] : memref<16x128xi32, #tpu.memory_space<vmem>> -> memref<1x128xi32, #tpu.memory_space<vmem>>
    %dma_wait3A_246 = tpu.memref_squeeze %dma_wait3A_245 : memref<1x128xi32, #tpu.memory_space<vmem>> -> memref<128xi32, #tpu.memory_space<vmem>>
    %dma_wait3A_247 = arith.constant 0 : i32
    %dma_wait3A_248 = tpu.memref_slice %arg4[%dma_wait3A_247] : memref<16777216xi32, #tpu.memory_space<hbm>> -> memref<16777216xi32, #tpu.memory_space<hbm>>
    tpu.wait_indirect_dma semaphore(%arg11 : memref<!tpu.dma_semaphore, #tpu.memory_space<semaphore_mem>>) src(%dma_wait3A_248 : memref<16777216xi32, #tpu.memory_space<hbm>>) dst(%dma_wait3A_243 : memref<128xi32, #tpu.memory_space<vmem>>)
    %dma_wait3A_249 = arith.constant 9 : i32
    %dma_wait3A_250 = arith.constant 9 : i32
    %dma_wait3A_251 = arith.constant 0 : i32
    %dma_wait3A_252 = tpu.memref_slice %arg8[%dma_wait3A_250, %dma_wait3A_251] : memref<16x128xi32, #tpu.memory_space<vmem>> -> memref<1x128xi32, #tpu.memory_space<vmem>>
    %dma_wait3A_253 = tpu.memref_squeeze %dma_wait3A_252 : memref<1x128xi32, #tpu.memory_space<vmem>> -> memref<128xi32, #tpu.memory_space<vmem>>
    %dma_wait3A_254 = arith.constant 0 : i32
    %dma_wait3A_255 = tpu.memref_slice %arg7[%dma_wait3A_249, %dma_wait3A_254] : memref<16x128xi32, #tpu.memory_space<vmem>> -> memref<1x128xi32, #tpu.memory_space<vmem>>
    %dma_wait3A_256 = tpu.memref_squeeze %dma_wait3A_255 : memref<1x128xi32, #tpu.memory_space<vmem>> -> memref<128xi32, #tpu.memory_space<vmem>>
    %dma_wait3A_257 = arith.constant 0 : i32
    %dma_wait3A_258 = tpu.memref_slice %arg4[%dma_wait3A_257] : memref<16777216xi32, #tpu.memory_space<hbm>> -> memref<16777216xi32, #tpu.memory_space<hbm>>
    tpu.wait_indirect_dma semaphore(%arg11 : memref<!tpu.dma_semaphore, #tpu.memory_space<semaphore_mem>>) src(%dma_wait3A_258 : memref<16777216xi32, #tpu.memory_space<hbm>>) dst(%dma_wait3A_253 : memref<128xi32, #tpu.memory_space<vmem>>)
    %dma_wait3A_259 = arith.constant 10 : i32
    %dma_wait3A_260 = arith.constant 10 : i32
    %dma_wait3A_261 = arith.constant 0 : i32
    %dma_wait3A_262 = tpu.memref_slice %arg8[%dma_wait3A_260, %dma_wait3A_261] : memref<16x128xi32, #tpu.memory_space<vmem>> -> memref<1x128xi32, #tpu.memory_space<vmem>>
    %dma_wait3A_263 = tpu.memref_squeeze %dma_wait3A_262 : memref<1x128xi32, #tpu.memory_space<vmem>> -> memref<128xi32, #tpu.memory_space<vmem>>
    %dma_wait3A_264 = arith.constant 0 : i32
    %dma_wait3A_265 = tpu.memref_slice %arg7[%dma_wait3A_259, %dma_wait3A_264] : memref<16x128xi32, #tpu.memory_space<vmem>> -> memref<1x128xi32, #tpu.memory_space<vmem>>
    %dma_wait3A_266 = tpu.memref_squeeze %dma_wait3A_265 : memref<1x128xi32, #tpu.memory_space<vmem>> -> memref<128xi32, #tpu.memory_space<vmem>>
    %dma_wait3A_267 = arith.constant 0 : i32
    %dma_wait3A_268 = tpu.memref_slice %arg4[%dma_wait3A_267] : memref<16777216xi32, #tpu.memory_space<hbm>> -> memref<16777216xi32, #tpu.memory_space<hbm>>
    tpu.wait_indirect_dma semaphore(%arg11 : memref<!tpu.dma_semaphore, #tpu.memory_space<semaphore_mem>>) src(%dma_wait3A_268 : memref<16777216xi32, #tpu.memory_space<hbm>>) dst(%dma_wait3A_263 : memref<128xi32, #tpu.memory_space<vmem>>)
    %dma_wait3A_269 = arith.constant 11 : i32
    %dma_wait3A_270 = arith.constant 11 : i32
    %dma_wait3A_271 = arith.constant 0 : i32
    %dma_wait3A_272 = tpu.memref_slice %arg8[%dma_wait3A_270, %dma_wait3A_271] : memref<16x128xi32, #tpu.memory_space<vmem>> -> memref<1x128xi32, #tpu.memory_space<vmem>>
    %dma_wait3A_273 = tpu.memref_squeeze %dma_wait3A_272 : memref<1x128xi32, #tpu.memory_space<vmem>> -> memref<128xi32, #tpu.memory_space<vmem>>
    %dma_wait3A_274 = arith.constant 0 : i32
    %dma_wait3A_275 = tpu.memref_slice %arg7[%dma_wait3A_269, %dma_wait3A_274] : memref<16x128xi32, #tpu.memory_space<vmem>> -> memref<1x128xi32, #tpu.memory_space<vmem>>
    %dma_wait3A_276 = tpu.memref_squeeze %dma_wait3A_275 : memref<1x128xi32, #tpu.memory_space<vmem>> -> memref<128xi32, #tpu.memory_space<vmem>>
    %dma_wait3A_277 = arith.constant 0 : i32
    %dma_wait3A_278 = tpu.memref_slice %arg4[%dma_wait3A_277] : memref<16777216xi32, #tpu.memory_space<hbm>> -> memref<16777216xi32, #tpu.memory_space<hbm>>
    tpu.wait_indirect_dma semaphore(%arg11 : memref<!tpu.dma_semaphore, #tpu.memory_space<semaphore_mem>>) src(%dma_wait3A_278 : memref<16777216xi32, #tpu.memory_space<hbm>>) dst(%dma_wait3A_273 : memref<128xi32, #tpu.memory_space<vmem>>)
    %dma_wait3A_279 = arith.constant 12 : i32
    %dma_wait3A_280 = arith.constant 12 : i32
    %dma_wait3A_281 = arith.constant 0 : i32
    %dma_wait3A_282 = tpu.memref_slice %arg8[%dma_wait3A_280, %dma_wait3A_281] : memref<16x128xi32, #tpu.memory_space<vmem>> -> memref<1x128xi32, #tpu.memory_space<vmem>>
    %dma_wait3A_283 = tpu.memref_squeeze %dma_wait3A_282 : memref<1x128xi32, #tpu.memory_space<vmem>> -> memref<128xi32, #tpu.memory_space<vmem>>
    %dma_wait3A_284 = arith.constant 0 : i32
    %dma_wait3A_285 = tpu.memref_slice %arg7[%dma_wait3A_279, %dma_wait3A_284] : memref<16x128xi32, #tpu.memory_space<vmem>> -> memref<1x128xi32, #tpu.memory_space<vmem>>
    %dma_wait3A_286 = tpu.memref_squeeze %dma_wait3A_285 : memref<1x128xi32, #tpu.memory_space<vmem>> -> memref<128xi32, #tpu.memory_space<vmem>>
    %dma_wait3A_287 = arith.constant 0 : i32
    %dma_wait3A_288 = tpu.memref_slice %arg4[%dma_wait3A_287] : memref<16777216xi32, #tpu.memory_space<hbm>> -> memref<16777216xi32, #tpu.memory_space<hbm>>
    tpu.wait_indirect_dma semaphore(%arg11 : memref<!tpu.dma_semaphore, #tpu.memory_space<semaphore_mem>>) src(%dma_wait3A_288 : memref<16777216xi32, #tpu.memory_space<hbm>>) dst(%dma_wait3A_283 : memref<128xi32, #tpu.memory_space<vmem>>)
    %dma_wait3A_289 = arith.constant 13 : i32
    %dma_wait3A_290 = arith.constant 13 : i32
    %dma_wait3A_291 = arith.constant 0 : i32
    %dma_wait3A_292 = tpu.memref_slice %arg8[%dma_wait3A_290, %dma_wait3A_291] : memref<16x128xi32, #tpu.memory_space<vmem>> -> memref<1x128xi32, #tpu.memory_space<vmem>>
    %dma_wait3A_293 = tpu.memref_squeeze %dma_wait3A_292 : memref<1x128xi32, #tpu.memory_space<vmem>> -> memref<128xi32, #tpu.memory_space<vmem>>
    %dma_wait3A_294 = arith.constant 0 : i32
    %dma_wait3A_295 = tpu.memref_slice %arg7[%dma_wait3A_289, %dma_wait3A_294] : memref<16x128xi32, #tpu.memory_space<vmem>> -> memref<1x128xi32, #tpu.memory_space<vmem>>
    %dma_wait3A_296 = tpu.memref_squeeze %dma_wait3A_295 : memref<1x128xi32, #tpu.memory_space<vmem>> -> memref<128xi32, #tpu.memory_space<vmem>>
    %dma_wait3A_297 = arith.constant 0 : i32
    %dma_wait3A_298 = tpu.memref_slice %arg4[%dma_wait3A_297] : memref<16777216xi32, #tpu.memory_space<hbm>> -> memref<16777216xi32, #tpu.memory_space<hbm>>
    tpu.wait_indirect_dma semaphore(%arg11 : memref<!tpu.dma_semaphore, #tpu.memory_space<semaphore_mem>>) src(%dma_wait3A_298 : memref<16777216xi32, #tpu.memory_space<hbm>>) dst(%dma_wait3A_293 : memref<128xi32, #tpu.memory_space<vmem>>)
    %dma_wait3A_299 = arith.constant 14 : i32
    %dma_wait3A_300 = arith.constant 14 : i32
    %dma_wait3A_301 = arith.constant 0 : i32
    %dma_wait3A_302 = tpu.memref_slice %arg8[%dma_wait3A_300, %dma_wait3A_301] : memref<16x128xi32, #tpu.memory_space<vmem>> -> memref<1x128xi32, #tpu.memory_space<vmem>>
    %dma_wait3A_303 = tpu.memref_squeeze %dma_wait3A_302 : memref<1x128xi32, #tpu.memory_space<vmem>> -> memref<128xi32, #tpu.memory_space<vmem>>
    %dma_wait3A_304 = arith.constant 0 : i32
    %dma_wait3A_305 = tpu.memref_slice %arg7[%dma_wait3A_299, %dma_wait3A_304] : memref<16x128xi32, #tpu.memory_space<vmem>> -> memref<1x128xi32, #tpu.memory_space<vmem>>
    %dma_wait3A_306 = tpu.memref_squeeze %dma_wait3A_305 : memref<1x128xi32, #tpu.memory_space<vmem>> -> memref<128xi32, #tpu.memory_space<vmem>>
    %dma_wait3A_307 = arith.constant 0 : i32
    %dma_wait3A_308 = tpu.memref_slice %arg4[%dma_wait3A_307] : memref<16777216xi32, #tpu.memory_space<hbm>> -> memref<16777216xi32, #tpu.memory_space<hbm>>
    tpu.wait_indirect_dma semaphore(%arg11 : memref<!tpu.dma_semaphore, #tpu.memory_space<semaphore_mem>>) src(%dma_wait3A_308 : memref<16777216xi32, #tpu.memory_space<hbm>>) dst(%dma_wait3A_303 : memref<128xi32, #tpu.memory_space<vmem>>)
    %dma_wait3A_309 = arith.constant 15 : i32
    %dma_wait3A_310 = arith.constant 15 : i32
    %dma_wait3A_311 = arith.constant 0 : i32
    %dma_wait3A_312 = tpu.memref_slice %arg8[%dma_wait3A_310, %dma_wait3A_311] : memref<16x128xi32, #tpu.memory_space<vmem>> -> memref<1x128xi32, #tpu.memory_space<vmem>>
    %dma_wait3A_313 = tpu.memref_squeeze %dma_wait3A_312 : memref<1x128xi32, #tpu.memory_space<vmem>> -> memref<128xi32, #tpu.memory_space<vmem>>
    %dma_wait3A_314 = arith.constant 0 : i32
    %dma_wait3A_315 = tpu.memref_slice %arg7[%dma_wait3A_309, %dma_wait3A_314] : memref<16x128xi32, #tpu.memory_space<vmem>> -> memref<1x128xi32, #tpu.memory_space<vmem>>
    %dma_wait3A_316 = tpu.memref_squeeze %dma_wait3A_315 : memref<1x128xi32, #tpu.memory_space<vmem>> -> memref<128xi32, #tpu.memory_space<vmem>>
    %dma_wait3A_317 = arith.constant 0 : i32
    %dma_wait3A_318 = tpu.memref_slice %arg4[%dma_wait3A_317] : memref<16777216xi32, #tpu.memory_space<hbm>> -> memref<16777216xi32, #tpu.memory_space<hbm>>
    tpu.wait_indirect_dma semaphore(%arg11 : memref<!tpu.dma_semaphore, #tpu.memory_space<semaphore_mem>>) src(%dma_wait3A_318 : memref<16777216xi32, #tpu.memory_space<hbm>>) dst(%dma_wait3A_313 : memref<128xi32, #tpu.memory_space<vmem>>)
    %dma_start3A_319 = arith.constant 0 : i32
    %dma_start3A_320 = arith.constant 0 : i32
    %dma_start3A_321 = tpu.memref_slice %arg9[%dma_start3A_320] : memref<2048xf32, #tpu.memory_space<vmem>> -> memref<128xf32, #tpu.memory_space<vmem>>
    %dma_start3A_322 = arith.constant 0 : i32
    %dma_start3A_323 = tpu.memref_slice %arg8[%dma_start3A_319, %dma_start3A_322] : memref<16x128xi32, #tpu.memory_space<vmem>> -> memref<1x128xi32, #tpu.memory_space<vmem>>
    %dma_start3A_324 = tpu.memref_squeeze %dma_start3A_323 : memref<1x128xi32, #tpu.memory_space<vmem>> -> memref<128xi32, #tpu.memory_space<vmem>>
    %dma_start3A_325 = arith.constant 0 : i32
    %dma_start3A_326 = tpu.memref_slice %arg5[%dma_start3A_325] : memref<16777216xf32, #tpu.memory_space<hbm>> -> memref<16777216xf32, #tpu.memory_space<hbm>>
    tpu.enqueue_indirect_dma source(%dma_start3A_326 : memref<16777216xf32, #tpu.memory_space<hbm>>) target(%dma_start3A_321 : memref<128xf32, #tpu.memory_space<vmem>>) offsets(%dma_start3A_324 : memref<128xi32, #tpu.memory_space<vmem>>) semaphore(%arg11 : memref<!tpu.dma_semaphore, #tpu.memory_space<semaphore_mem>>)
    %dma_start3A_327 = arith.constant 1 : i32
    %dma_start3A_328 = arith.constant 128 : i32
    %dma_start3A_329 = tpu.memref_slice %arg9[%dma_start3A_328] : memref<2048xf32, #tpu.memory_space<vmem>> -> memref<128xf32, #tpu.memory_space<vmem>>
    %dma_start3A_330 = arith.constant 0 : i32
    %dma_start3A_331 = tpu.memref_slice %arg8[%dma_start3A_327, %dma_start3A_330] : memref<16x128xi32, #tpu.memory_space<vmem>> -> memref<1x128xi32, #tpu.memory_space<vmem>>
    %dma_start3A_332 = tpu.memref_squeeze %dma_start3A_331 : memref<1x128xi32, #tpu.memory_space<vmem>> -> memref<128xi32, #tpu.memory_space<vmem>>
    %dma_start3A_333 = arith.constant 0 : i32
    %dma_start3A_334 = tpu.memref_slice %arg5[%dma_start3A_333] : memref<16777216xf32, #tpu.memory_space<hbm>> -> memref<16777216xf32, #tpu.memory_space<hbm>>
    tpu.enqueue_indirect_dma source(%dma_start3A_334 : memref<16777216xf32, #tpu.memory_space<hbm>>) target(%dma_start3A_329 : memref<128xf32, #tpu.memory_space<vmem>>) offsets(%dma_start3A_332 : memref<128xi32, #tpu.memory_space<vmem>>) semaphore(%arg11 : memref<!tpu.dma_semaphore, #tpu.memory_space<semaphore_mem>>)
    %dma_start3A_335 = arith.constant 2 : i32
    %dma_start3A_336 = arith.constant 256 : i32
    %dma_start3A_337 = tpu.memref_slice %arg9[%dma_start3A_336] : memref<2048xf32, #tpu.memory_space<vmem>> -> memref<128xf32, #tpu.memory_space<vmem>>
    %dma_start3A_338 = arith.constant 0 : i32
    %dma_start3A_339 = tpu.memref_slice %arg8[%dma_start3A_335, %dma_start3A_338] : memref<16x128xi32, #tpu.memory_space<vmem>> -> memref<1x128xi32, #tpu.memory_space<vmem>>
    %dma_start3A_340 = tpu.memref_squeeze %dma_start3A_339 : memref<1x128xi32, #tpu.memory_space<vmem>> -> memref<128xi32, #tpu.memory_space<vmem>>
    %dma_start3A_341 = arith.constant 0 : i32
    %dma_start3A_342 = tpu.memref_slice %arg5[%dma_start3A_341] : memref<16777216xf32, #tpu.memory_space<hbm>> -> memref<16777216xf32, #tpu.memory_space<hbm>>
    tpu.enqueue_indirect_dma source(%dma_start3A_342 : memref<16777216xf32, #tpu.memory_space<hbm>>) target(%dma_start3A_337 : memref<128xf32, #tpu.memory_space<vmem>>) offsets(%dma_start3A_340 : memref<128xi32, #tpu.memory_space<vmem>>) semaphore(%arg11 : memref<!tpu.dma_semaphore, #tpu.memory_space<semaphore_mem>>)
    %dma_start3A_343 = arith.constant 3 : i32
    %dma_start3A_344 = arith.constant 384 : i32
    %dma_start3A_345 = tpu.memref_slice %arg9[%dma_start3A_344] : memref<2048xf32, #tpu.memory_space<vmem>> -> memref<128xf32, #tpu.memory_space<vmem>>
    %dma_start3A_346 = arith.constant 0 : i32
    %dma_start3A_347 = tpu.memref_slice %arg8[%dma_start3A_343, %dma_start3A_346] : memref<16x128xi32, #tpu.memory_space<vmem>> -> memref<1x128xi32, #tpu.memory_space<vmem>>
    %dma_start3A_348 = tpu.memref_squeeze %dma_start3A_347 : memref<1x128xi32, #tpu.memory_space<vmem>> -> memref<128xi32, #tpu.memory_space<vmem>>
    %dma_start3A_349 = arith.constant 0 : i32
    %dma_start3A_350 = tpu.memref_slice %arg5[%dma_start3A_349] : memref<16777216xf32, #tpu.memory_space<hbm>> -> memref<16777216xf32, #tpu.memory_space<hbm>>
    tpu.enqueue_indirect_dma source(%dma_start3A_350 : memref<16777216xf32, #tpu.memory_space<hbm>>) target(%dma_start3A_345 : memref<128xf32, #tpu.memory_space<vmem>>) offsets(%dma_start3A_348 : memref<128xi32, #tpu.memory_space<vmem>>) semaphore(%arg11 : memref<!tpu.dma_semaphore, #tpu.memory_space<semaphore_mem>>)
    %dma_start3A_351 = arith.constant 4 : i32
    %dma_start3A_352 = arith.constant 512 : i32
    %dma_start3A_353 = tpu.memref_slice %arg9[%dma_start3A_352] : memref<2048xf32, #tpu.memory_space<vmem>> -> memref<128xf32, #tpu.memory_space<vmem>>
    %dma_start3A_354 = arith.constant 0 : i32
    %dma_start3A_355 = tpu.memref_slice %arg8[%dma_start3A_351, %dma_start3A_354] : memref<16x128xi32, #tpu.memory_space<vmem>> -> memref<1x128xi32, #tpu.memory_space<vmem>>
    %dma_start3A_356 = tpu.memref_squeeze %dma_start3A_355 : memref<1x128xi32, #tpu.memory_space<vmem>> -> memref<128xi32, #tpu.memory_space<vmem>>
    %dma_start3A_357 = arith.constant 0 : i32
    %dma_start3A_358 = tpu.memref_slice %arg5[%dma_start3A_357] : memref<16777216xf32, #tpu.memory_space<hbm>> -> memref<16777216xf32, #tpu.memory_space<hbm>>
    tpu.enqueue_indirect_dma source(%dma_start3A_358 : memref<16777216xf32, #tpu.memory_space<hbm>>) target(%dma_start3A_353 : memref<128xf32, #tpu.memory_space<vmem>>) offsets(%dma_start3A_356 : memref<128xi32, #tpu.memory_space<vmem>>) semaphore(%arg11 : memref<!tpu.dma_semaphore, #tpu.memory_space<semaphore_mem>>)
    %dma_start3A_359 = arith.constant 5 : i32
    %dma_start3A_360 = arith.constant 640 : i32
    %dma_start3A_361 = tpu.memref_slice %arg9[%dma_start3A_360] : memref<2048xf32, #tpu.memory_space<vmem>> -> memref<128xf32, #tpu.memory_space<vmem>>
    %dma_start3A_362 = arith.constant 0 : i32
    %dma_start3A_363 = tpu.memref_slice %arg8[%dma_start3A_359, %dma_start3A_362] : memref<16x128xi32, #tpu.memory_space<vmem>> -> memref<1x128xi32, #tpu.memory_space<vmem>>
    %dma_start3A_364 = tpu.memref_squeeze %dma_start3A_363 : memref<1x128xi32, #tpu.memory_space<vmem>> -> memref<128xi32, #tpu.memory_space<vmem>>
    %dma_start3A_365 = arith.constant 0 : i32
    %dma_start3A_366 = tpu.memref_slice %arg5[%dma_start3A_365] : memref<16777216xf32, #tpu.memory_space<hbm>> -> memref<16777216xf32, #tpu.memory_space<hbm>>
    tpu.enqueue_indirect_dma source(%dma_start3A_366 : memref<16777216xf32, #tpu.memory_space<hbm>>) target(%dma_start3A_361 : memref<128xf32, #tpu.memory_space<vmem>>) offsets(%dma_start3A_364 : memref<128xi32, #tpu.memory_space<vmem>>) semaphore(%arg11 : memref<!tpu.dma_semaphore, #tpu.memory_space<semaphore_mem>>)
    %dma_start3A_367 = arith.constant 6 : i32
    %dma_start3A_368 = arith.constant 768 : i32
    %dma_start3A_369 = tpu.memref_slice %arg9[%dma_start3A_368] : memref<2048xf32, #tpu.memory_space<vmem>> -> memref<128xf32, #tpu.memory_space<vmem>>
    %dma_start3A_370 = arith.constant 0 : i32
    %dma_start3A_371 = tpu.memref_slice %arg8[%dma_start3A_367, %dma_start3A_370] : memref<16x128xi32, #tpu.memory_space<vmem>> -> memref<1x128xi32, #tpu.memory_space<vmem>>
    %dma_start3A_372 = tpu.memref_squeeze %dma_start3A_371 : memref<1x128xi32, #tpu.memory_space<vmem>> -> memref<128xi32, #tpu.memory_space<vmem>>
    %dma_start3A_373 = arith.constant 0 : i32
    %dma_start3A_374 = tpu.memref_slice %arg5[%dma_start3A_373] : memref<16777216xf32, #tpu.memory_space<hbm>> -> memref<16777216xf32, #tpu.memory_space<hbm>>
    tpu.enqueue_indirect_dma source(%dma_start3A_374 : memref<16777216xf32, #tpu.memory_space<hbm>>) target(%dma_start3A_369 : memref<128xf32, #tpu.memory_space<vmem>>) offsets(%dma_start3A_372 : memref<128xi32, #tpu.memory_space<vmem>>) semaphore(%arg11 : memref<!tpu.dma_semaphore, #tpu.memory_space<semaphore_mem>>)
    %dma_start3A_375 = arith.constant 7 : i32
    %dma_start3A_376 = arith.constant 896 : i32
    %dma_start3A_377 = tpu.memref_slice %arg9[%dma_start3A_376] : memref<2048xf32, #tpu.memory_space<vmem>> -> memref<128xf32, #tpu.memory_space<vmem>>
    %dma_start3A_378 = arith.constant 0 : i32
    %dma_start3A_379 = tpu.memref_slice %arg8[%dma_start3A_375, %dma_start3A_378] : memref<16x128xi32, #tpu.memory_space<vmem>> -> memref<1x128xi32, #tpu.memory_space<vmem>>
    %dma_start3A_380 = tpu.memref_squeeze %dma_start3A_379 : memref<1x128xi32, #tpu.memory_space<vmem>> -> memref<128xi32, #tpu.memory_space<vmem>>
    %dma_start3A_381 = arith.constant 0 : i32
    %dma_start3A_382 = tpu.memref_slice %arg5[%dma_start3A_381] : memref<16777216xf32, #tpu.memory_space<hbm>> -> memref<16777216xf32, #tpu.memory_space<hbm>>
    tpu.enqueue_indirect_dma source(%dma_start3A_382 : memref<16777216xf32, #tpu.memory_space<hbm>>) target(%dma_start3A_377 : memref<128xf32, #tpu.memory_space<vmem>>) offsets(%dma_start3A_380 : memref<128xi32, #tpu.memory_space<vmem>>) semaphore(%arg11 : memref<!tpu.dma_semaphore, #tpu.memory_space<semaphore_mem>>)
    %dma_start3A_383 = arith.constant 8 : i32
    %dma_start3A_384 = arith.constant 1024 : i32
    %dma_start3A_385 = tpu.memref_slice %arg9[%dma_start3A_384] : memref<2048xf32, #tpu.memory_space<vmem>> -> memref<128xf32, #tpu.memory_space<vmem>>
    %dma_start3A_386 = arith.constant 0 : i32
    %dma_start3A_387 = tpu.memref_slice %arg8[%dma_start3A_383, %dma_start3A_386] : memref<16x128xi32, #tpu.memory_space<vmem>> -> memref<1x128xi32, #tpu.memory_space<vmem>>
    %dma_start3A_388 = tpu.memref_squeeze %dma_start3A_387 : memref<1x128xi32, #tpu.memory_space<vmem>> -> memref<128xi32, #tpu.memory_space<vmem>>
    %dma_start3A_389 = arith.constant 0 : i32
    %dma_start3A_390 = tpu.memref_slice %arg5[%dma_start3A_389] : memref<16777216xf32, #tpu.memory_space<hbm>> -> memref<16777216xf32, #tpu.memory_space<hbm>>
    tpu.enqueue_indirect_dma source(%dma_start3A_390 : memref<16777216xf32, #tpu.memory_space<hbm>>) target(%dma_start3A_385 : memref<128xf32, #tpu.memory_space<vmem>>) offsets(%dma_start3A_388 : memref<128xi32, #tpu.memory_space<vmem>>) semaphore(%arg11 : memref<!tpu.dma_semaphore, #tpu.memory_space<semaphore_mem>>)
    %dma_start3A_391 = arith.constant 9 : i32
    %dma_start3A_392 = arith.constant 1152 : i32
    %dma_start3A_393 = tpu.memref_slice %arg9[%dma_start3A_392] : memref<2048xf32, #tpu.memory_space<vmem>> -> memref<128xf32, #tpu.memory_space<vmem>>
    %dma_start3A_394 = arith.constant 0 : i32
    %dma_start3A_395 = tpu.memref_slice %arg8[%dma_start3A_391, %dma_start3A_394] : memref<16x128xi32, #tpu.memory_space<vmem>> -> memref<1x128xi32, #tpu.memory_space<vmem>>
    %dma_start3A_396 = tpu.memref_squeeze %dma_start3A_395 : memref<1x128xi32, #tpu.memory_space<vmem>> -> memref<128xi32, #tpu.memory_space<vmem>>
    %dma_start3A_397 = arith.constant 0 : i32
    %dma_start3A_398 = tpu.memref_slice %arg5[%dma_start3A_397] : memref<16777216xf32, #tpu.memory_space<hbm>> -> memref<16777216xf32, #tpu.memory_space<hbm>>
    tpu.enqueue_indirect_dma source(%dma_start3A_398 : memref<16777216xf32, #tpu.memory_space<hbm>>) target(%dma_start3A_393 : memref<128xf32, #tpu.memory_space<vmem>>) offsets(%dma_start3A_396 : memref<128xi32, #tpu.memory_space<vmem>>) semaphore(%arg11 : memref<!tpu.dma_semaphore, #tpu.memory_space<semaphore_mem>>)
    %dma_start3A_399 = arith.constant 10 : i32
    %dma_start3A_400 = arith.constant 1280 : i32
    %dma_start3A_401 = tpu.memref_slice %arg9[%dma_start3A_400] : memref<2048xf32, #tpu.memory_space<vmem>> -> memref<128xf32, #tpu.memory_space<vmem>>
    %dma_start3A_402 = arith.constant 0 : i32
    %dma_start3A_403 = tpu.memref_slice %arg8[%dma_start3A_399, %dma_start3A_402] : memref<16x128xi32, #tpu.memory_space<vmem>> -> memref<1x128xi32, #tpu.memory_space<vmem>>
    %dma_start3A_404 = tpu.memref_squeeze %dma_start3A_403 : memref<1x128xi32, #tpu.memory_space<vmem>> -> memref<128xi32, #tpu.memory_space<vmem>>
    %dma_start3A_405 = arith.constant 0 : i32
    %dma_start3A_406 = tpu.memref_slice %arg5[%dma_start3A_405] : memref<16777216xf32, #tpu.memory_space<hbm>> -> memref<16777216xf32, #tpu.memory_space<hbm>>
    tpu.enqueue_indirect_dma source(%dma_start3A_406 : memref<16777216xf32, #tpu.memory_space<hbm>>) target(%dma_start3A_401 : memref<128xf32, #tpu.memory_space<vmem>>) offsets(%dma_start3A_404 : memref<128xi32, #tpu.memory_space<vmem>>) semaphore(%arg11 : memref<!tpu.dma_semaphore, #tpu.memory_space<semaphore_mem>>)
    %dma_start3A_407 = arith.constant 11 : i32
    %dma_start3A_408 = arith.constant 1408 : i32
    %dma_start3A_409 = tpu.memref_slice %arg9[%dma_start3A_408] : memref<2048xf32, #tpu.memory_space<vmem>> -> memref<128xf32, #tpu.memory_space<vmem>>
    %dma_start3A_410 = arith.constant 0 : i32
    %dma_start3A_411 = tpu.memref_slice %arg8[%dma_start3A_407, %dma_start3A_410] : memref<16x128xi32, #tpu.memory_space<vmem>> -> memref<1x128xi32, #tpu.memory_space<vmem>>
    %dma_start3A_412 = tpu.memref_squeeze %dma_start3A_411 : memref<1x128xi32, #tpu.memory_space<vmem>> -> memref<128xi32, #tpu.memory_space<vmem>>
    %dma_start3A_413 = arith.constant 0 : i32
    %dma_start3A_414 = tpu.memref_slice %arg5[%dma_start3A_413] : memref<16777216xf32, #tpu.memory_space<hbm>> -> memref<16777216xf32, #tpu.memory_space<hbm>>
    tpu.enqueue_indirect_dma source(%dma_start3A_414 : memref<16777216xf32, #tpu.memory_space<hbm>>) target(%dma_start3A_409 : memref<128xf32, #tpu.memory_space<vmem>>) offsets(%dma_start3A_412 : memref<128xi32, #tpu.memory_space<vmem>>) semaphore(%arg11 : memref<!tpu.dma_semaphore, #tpu.memory_space<semaphore_mem>>)
    %dma_start3A_415 = arith.constant 12 : i32
    %dma_start3A_416 = arith.constant 1536 : i32
    %dma_start3A_417 = tpu.memref_slice %arg9[%dma_start3A_416] : memref<2048xf32, #tpu.memory_space<vmem>> -> memref<128xf32, #tpu.memory_space<vmem>>
    %dma_start3A_418 = arith.constant 0 : i32
    %dma_start3A_419 = tpu.memref_slice %arg8[%dma_start3A_415, %dma_start3A_418] : memref<16x128xi32, #tpu.memory_space<vmem>> -> memref<1x128xi32, #tpu.memory_space<vmem>>
    %dma_start3A_420 = tpu.memref_squeeze %dma_start3A_419 : memref<1x128xi32, #tpu.memory_space<vmem>> -> memref<128xi32, #tpu.memory_space<vmem>>
    %dma_start3A_421 = arith.constant 0 : i32
    %dma_start3A_422 = tpu.memref_slice %arg5[%dma_start3A_421] : memref<16777216xf32, #tpu.memory_space<hbm>> -> memref<16777216xf32, #tpu.memory_space<hbm>>
    tpu.enqueue_indirect_dma source(%dma_start3A_422 : memref<16777216xf32, #tpu.memory_space<hbm>>) target(%dma_start3A_417 : memref<128xf32, #tpu.memory_space<vmem>>) offsets(%dma_start3A_420 : memref<128xi32, #tpu.memory_space<vmem>>) semaphore(%arg11 : memref<!tpu.dma_semaphore, #tpu.memory_space<semaphore_mem>>)
    %dma_start3A_423 = arith.constant 13 : i32
    %dma_start3A_424 = arith.constant 1664 : i32
    %dma_start3A_425 = tpu.memref_slice %arg9[%dma_start3A_424] : memref<2048xf32, #tpu.memory_space<vmem>> -> memref<128xf32, #tpu.memory_space<vmem>>
    %dma_start3A_426 = arith.constant 0 : i32
    %dma_start3A_427 = tpu.memref_slice %arg8[%dma_start3A_423, %dma_start3A_426] : memref<16x128xi32, #tpu.memory_space<vmem>> -> memref<1x128xi32, #tpu.memory_space<vmem>>
    %dma_start3A_428 = tpu.memref_squeeze %dma_start3A_427 : memref<1x128xi32, #tpu.memory_space<vmem>> -> memref<128xi32, #tpu.memory_space<vmem>>
    %dma_start3A_429 = arith.constant 0 : i32
    %dma_start3A_430 = tpu.memref_slice %arg5[%dma_start3A_429] : memref<16777216xf32, #tpu.memory_space<hbm>> -> memref<16777216xf32, #tpu.memory_space<hbm>>
    tpu.enqueue_indirect_dma source(%dma_start3A_430 : memref<16777216xf32, #tpu.memory_space<hbm>>) target(%dma_start3A_425 : memref<128xf32, #tpu.memory_space<vmem>>) offsets(%dma_start3A_428 : memref<128xi32, #tpu.memory_space<vmem>>) semaphore(%arg11 : memref<!tpu.dma_semaphore, #tpu.memory_space<semaphore_mem>>)
    %dma_start3A_431 = arith.constant 14 : i32
    %dma_start3A_432 = arith.constant 1792 : i32
    %dma_start3A_433 = tpu.memref_slice %arg9[%dma_start3A_432] : memref<2048xf32, #tpu.memory_space<vmem>> -> memref<128xf32, #tpu.memory_space<vmem>>
    %dma_start3A_434 = arith.constant 0 : i32
    %dma_start3A_435 = tpu.memref_slice %arg8[%dma_start3A_431, %dma_start3A_434] : memref<16x128xi32, #tpu.memory_space<vmem>> -> memref<1x128xi32, #tpu.memory_space<vmem>>
    %dma_start3A_436 = tpu.memref_squeeze %dma_start3A_435 : memref<1x128xi32, #tpu.memory_space<vmem>> -> memref<128xi32, #tpu.memory_space<vmem>>
    %dma_start3A_437 = arith.constant 0 : i32
    %dma_start3A_438 = tpu.memref_slice %arg5[%dma_start3A_437] : memref<16777216xf32, #tpu.memory_space<hbm>> -> memref<16777216xf32, #tpu.memory_space<hbm>>
    tpu.enqueue_indirect_dma source(%dma_start3A_438 : memref<16777216xf32, #tpu.memory_space<hbm>>) target(%dma_start3A_433 : memref<128xf32, #tpu.memory_space<vmem>>) offsets(%dma_start3A_436 : memref<128xi32, #tpu.memory_space<vmem>>) semaphore(%arg11 : memref<!tpu.dma_semaphore, #tpu.memory_space<semaphore_mem>>)
    %dma_start3A_439 = arith.constant 15 : i32
    %dma_start3A_440 = arith.constant 1920 : i32
    %dma_start3A_441 = tpu.memref_slice %arg9[%dma_start3A_440] : memref<2048xf32, #tpu.memory_space<vmem>> -> memref<128xf32, #tpu.memory_space<vmem>>
    %dma_start3A_442 = arith.constant 0 : i32
    %dma_start3A_443 = tpu.memref_slice %arg8[%dma_start3A_439, %dma_start3A_442] : memref<16x128xi32, #tpu.memory_space<vmem>> -> memref<1x128xi32, #tpu.memory_space<vmem>>
    %dma_start3A_444 = tpu.memref_squeeze %dma_start3A_443 : memref<1x128xi32, #tpu.memory_space<vmem>> -> memref<128xi32, #tpu.memory_space<vmem>>
    %dma_start3A_445 = arith.constant 0 : i32
    %dma_start3A_446 = tpu.memref_slice %arg5[%dma_start3A_445] : memref<16777216xf32, #tpu.memory_space<hbm>> -> memref<16777216xf32, #tpu.memory_space<hbm>>
    tpu.enqueue_indirect_dma source(%dma_start3A_446 : memref<16777216xf32, #tpu.memory_space<hbm>>) target(%dma_start3A_441 : memref<128xf32, #tpu.memory_space<vmem>>) offsets(%dma_start3A_444 : memref<128xi32, #tpu.memory_space<vmem>>) semaphore(%arg11 : memref<!tpu.dma_semaphore, #tpu.memory_space<semaphore_mem>>)
    %dma_wait3A_447 = arith.constant 0 : i32
    %dma_wait3A_448 = arith.constant 0 : i32
    %dma_wait3A_449 = tpu.memref_slice %arg9[%dma_wait3A_448] : memref<2048xf32, #tpu.memory_space<vmem>> -> memref<128xf32, #tpu.memory_space<vmem>>
    %dma_wait3A_450 = arith.constant 0 : i32
    %dma_wait3A_451 = tpu.memref_slice %arg8[%dma_wait3A_447, %dma_wait3A_450] : memref<16x128xi32, #tpu.memory_space<vmem>> -> memref<1x128xi32, #tpu.memory_space<vmem>>
    %dma_wait3A_452 = tpu.memref_squeeze %dma_wait3A_451 : memref<1x128xi32, #tpu.memory_space<vmem>> -> memref<128xi32, #tpu.memory_space<vmem>>
    %dma_wait3A_453 = arith.constant 0 : i32
    %dma_wait3A_454 = tpu.memref_slice %arg5[%dma_wait3A_453] : memref<16777216xf32, #tpu.memory_space<hbm>> -> memref<16777216xf32, #tpu.memory_space<hbm>>
    tpu.wait_indirect_dma semaphore(%arg11 : memref<!tpu.dma_semaphore, #tpu.memory_space<semaphore_mem>>) src(%dma_wait3A_454 : memref<16777216xf32, #tpu.memory_space<hbm>>) dst(%dma_wait3A_449 : memref<128xf32, #tpu.memory_space<vmem>>)
    %dma_wait3A_455 = arith.constant 1 : i32
    %dma_wait3A_456 = arith.constant 128 : i32
    %dma_wait3A_457 = tpu.memref_slice %arg9[%dma_wait3A_456] : memref<2048xf32, #tpu.memory_space<vmem>> -> memref<128xf32, #tpu.memory_space<vmem>>
    %dma_wait3A_458 = arith.constant 0 : i32
    %dma_wait3A_459 = tpu.memref_slice %arg8[%dma_wait3A_455, %dma_wait3A_458] : memref<16x128xi32, #tpu.memory_space<vmem>> -> memref<1x128xi32, #tpu.memory_space<vmem>>
    %dma_wait3A_460 = tpu.memref_squeeze %dma_wait3A_459 : memref<1x128xi32, #tpu.memory_space<vmem>> -> memref<128xi32, #tpu.memory_space<vmem>>
    %dma_wait3A_461 = arith.constant 0 : i32
    %dma_wait3A_462 = tpu.memref_slice %arg5[%dma_wait3A_461] : memref<16777216xf32, #tpu.memory_space<hbm>> -> memref<16777216xf32, #tpu.memory_space<hbm>>
    tpu.wait_indirect_dma semaphore(%arg11 : memref<!tpu.dma_semaphore, #tpu.memory_space<semaphore_mem>>) src(%dma_wait3A_462 : memref<16777216xf32, #tpu.memory_space<hbm>>) dst(%dma_wait3A_457 : memref<128xf32, #tpu.memory_space<vmem>>)
    %dma_wait3A_463 = arith.constant 2 : i32
    %dma_wait3A_464 = arith.constant 256 : i32
    %dma_wait3A_465 = tpu.memref_slice %arg9[%dma_wait3A_464] : memref<2048xf32, #tpu.memory_space<vmem>> -> memref<128xf32, #tpu.memory_space<vmem>>
    %dma_wait3A_466 = arith.constant 0 : i32
    %dma_wait3A_467 = tpu.memref_slice %arg8[%dma_wait3A_463, %dma_wait3A_466] : memref<16x128xi32, #tpu.memory_space<vmem>> -> memref<1x128xi32, #tpu.memory_space<vmem>>
    %dma_wait3A_468 = tpu.memref_squeeze %dma_wait3A_467 : memref<1x128xi32, #tpu.memory_space<vmem>> -> memref<128xi32, #tpu.memory_space<vmem>>
    %dma_wait3A_469 = arith.constant 0 : i32
    %dma_wait3A_470 = tpu.memref_slice %arg5[%dma_wait3A_469] : memref<16777216xf32, #tpu.memory_space<hbm>> -> memref<16777216xf32, #tpu.memory_space<hbm>>
    tpu.wait_indirect_dma semaphore(%arg11 : memref<!tpu.dma_semaphore, #tpu.memory_space<semaphore_mem>>) src(%dma_wait3A_470 : memref<16777216xf32, #tpu.memory_space<hbm>>) dst(%dma_wait3A_465 : memref<128xf32, #tpu.memory_space<vmem>>)
    %dma_wait3A_471 = arith.constant 3 : i32
    %dma_wait3A_472 = arith.constant 384 : i32
    %dma_wait3A_473 = tpu.memref_slice %arg9[%dma_wait3A_472] : memref<2048xf32, #tpu.memory_space<vmem>> -> memref<128xf32, #tpu.memory_space<vmem>>
    %dma_wait3A_474 = arith.constant 0 : i32
    %dma_wait3A_475 = tpu.memref_slice %arg8[%dma_wait3A_471, %dma_wait3A_474] : memref<16x128xi32, #tpu.memory_space<vmem>> -> memref<1x128xi32, #tpu.memory_space<vmem>>
    %dma_wait3A_476 = tpu.memref_squeeze %dma_wait3A_475 : memref<1x128xi32, #tpu.memory_space<vmem>> -> memref<128xi32, #tpu.memory_space<vmem>>
    %dma_wait3A_477 = arith.constant 0 : i32
    %dma_wait3A_478 = tpu.memref_slice %arg5[%dma_wait3A_477] : memref<16777216xf32, #tpu.memory_space<hbm>> -> memref<16777216xf32, #tpu.memory_space<hbm>>
    tpu.wait_indirect_dma semaphore(%arg11 : memref<!tpu.dma_semaphore, #tpu.memory_space<semaphore_mem>>) src(%dma_wait3A_478 : memref<16777216xf32, #tpu.memory_space<hbm>>) dst(%dma_wait3A_473 : memref<128xf32, #tpu.memory_space<vmem>>)
    %dma_wait3A_479 = arith.constant 4 : i32
    %dma_wait3A_480 = arith.constant 512 : i32
    %dma_wait3A_481 = tpu.memref_slice %arg9[%dma_wait3A_480] : memref<2048xf32, #tpu.memory_space<vmem>> -> memref<128xf32, #tpu.memory_space<vmem>>
    %dma_wait3A_482 = arith.constant 0 : i32
    %dma_wait3A_483 = tpu.memref_slice %arg8[%dma_wait3A_479, %dma_wait3A_482] : memref<16x128xi32, #tpu.memory_space<vmem>> -> memref<1x128xi32, #tpu.memory_space<vmem>>
    %dma_wait3A_484 = tpu.memref_squeeze %dma_wait3A_483 : memref<1x128xi32, #tpu.memory_space<vmem>> -> memref<128xi32, #tpu.memory_space<vmem>>
    %dma_wait3A_485 = arith.constant 0 : i32
    %dma_wait3A_486 = tpu.memref_slice %arg5[%dma_wait3A_485] : memref<16777216xf32, #tpu.memory_space<hbm>> -> memref<16777216xf32, #tpu.memory_space<hbm>>
    tpu.wait_indirect_dma semaphore(%arg11 : memref<!tpu.dma_semaphore, #tpu.memory_space<semaphore_mem>>) src(%dma_wait3A_486 : memref<16777216xf32, #tpu.memory_space<hbm>>) dst(%dma_wait3A_481 : memref<128xf32, #tpu.memory_space<vmem>>)
    %dma_wait3A_487 = arith.constant 5 : i32
    %dma_wait3A_488 = arith.constant 640 : i32
    %dma_wait3A_489 = tpu.memref_slice %arg9[%dma_wait3A_488] : memref<2048xf32, #tpu.memory_space<vmem>> -> memref<128xf32, #tpu.memory_space<vmem>>
    %dma_wait3A_490 = arith.constant 0 : i32
    %dma_wait3A_491 = tpu.memref_slice %arg8[%dma_wait3A_487, %dma_wait3A_490] : memref<16x128xi32, #tpu.memory_space<vmem>> -> memref<1x128xi32, #tpu.memory_space<vmem>>
    %dma_wait3A_492 = tpu.memref_squeeze %dma_wait3A_491 : memref<1x128xi32, #tpu.memory_space<vmem>> -> memref<128xi32, #tpu.memory_space<vmem>>
    %dma_wait3A_493 = arith.constant 0 : i32
    %dma_wait3A_494 = tpu.memref_slice %arg5[%dma_wait3A_493] : memref<16777216xf32, #tpu.memory_space<hbm>> -> memref<16777216xf32, #tpu.memory_space<hbm>>
    tpu.wait_indirect_dma semaphore(%arg11 : memref<!tpu.dma_semaphore, #tpu.memory_space<semaphore_mem>>) src(%dma_wait3A_494 : memref<16777216xf32, #tpu.memory_space<hbm>>) dst(%dma_wait3A_489 : memref<128xf32, #tpu.memory_space<vmem>>)
    %dma_wait3A_495 = arith.constant 6 : i32
    %dma_wait3A_496 = arith.constant 768 : i32
    %dma_wait3A_497 = tpu.memref_slice %arg9[%dma_wait3A_496] : memref<2048xf32, #tpu.memory_space<vmem>> -> memref<128xf32, #tpu.memory_space<vmem>>
    %dma_wait3A_498 = arith.constant 0 : i32
    %dma_wait3A_499 = tpu.memref_slice %arg8[%dma_wait3A_495, %dma_wait3A_498] : memref<16x128xi32, #tpu.memory_space<vmem>> -> memref<1x128xi32, #tpu.memory_space<vmem>>
    %dma_wait3A_500 = tpu.memref_squeeze %dma_wait3A_499 : memref<1x128xi32, #tpu.memory_space<vmem>> -> memref<128xi32, #tpu.memory_space<vmem>>
    %dma_wait3A_501 = arith.constant 0 : i32
    %dma_wait3A_502 = tpu.memref_slice %arg5[%dma_wait3A_501] : memref<16777216xf32, #tpu.memory_space<hbm>> -> memref<16777216xf32, #tpu.memory_space<hbm>>
    tpu.wait_indirect_dma semaphore(%arg11 : memref<!tpu.dma_semaphore, #tpu.memory_space<semaphore_mem>>) src(%dma_wait3A_502 : memref<16777216xf32, #tpu.memory_space<hbm>>) dst(%dma_wait3A_497 : memref<128xf32, #tpu.memory_space<vmem>>)
    %dma_wait3A_503 = arith.constant 7 : i32
    %dma_wait3A_504 = arith.constant 896 : i32
    %dma_wait3A_505 = tpu.memref_slice %arg9[%dma_wait3A_504] : memref<2048xf32, #tpu.memory_space<vmem>> -> memref<128xf32, #tpu.memory_space<vmem>>
    %dma_wait3A_506 = arith.constant 0 : i32
    %dma_wait3A_507 = tpu.memref_slice %arg8[%dma_wait3A_503, %dma_wait3A_506] : memref<16x128xi32, #tpu.memory_space<vmem>> -> memref<1x128xi32, #tpu.memory_space<vmem>>
    %dma_wait3A_508 = tpu.memref_squeeze %dma_wait3A_507 : memref<1x128xi32, #tpu.memory_space<vmem>> -> memref<128xi32, #tpu.memory_space<vmem>>
    %dma_wait3A_509 = arith.constant 0 : i32
    %dma_wait3A_510 = tpu.memref_slice %arg5[%dma_wait3A_509] : memref<16777216xf32, #tpu.memory_space<hbm>> -> memref<16777216xf32, #tpu.memory_space<hbm>>
    tpu.wait_indirect_dma semaphore(%arg11 : memref<!tpu.dma_semaphore, #tpu.memory_space<semaphore_mem>>) src(%dma_wait3A_510 : memref<16777216xf32, #tpu.memory_space<hbm>>) dst(%dma_wait3A_505 : memref<128xf32, #tpu.memory_space<vmem>>)
    %dma_wait3A_511 = arith.constant 8 : i32
    %dma_wait3A_512 = arith.constant 1024 : i32
    %dma_wait3A_513 = tpu.memref_slice %arg9[%dma_wait3A_512] : memref<2048xf32, #tpu.memory_space<vmem>> -> memref<128xf32, #tpu.memory_space<vmem>>
    %dma_wait3A_514 = arith.constant 0 : i32
    %dma_wait3A_515 = tpu.memref_slice %arg8[%dma_wait3A_511, %dma_wait3A_514] : memref<16x128xi32, #tpu.memory_space<vmem>> -> memref<1x128xi32, #tpu.memory_space<vmem>>
    %dma_wait3A_516 = tpu.memref_squeeze %dma_wait3A_515 : memref<1x128xi32, #tpu.memory_space<vmem>> -> memref<128xi32, #tpu.memory_space<vmem>>
    %dma_wait3A_517 = arith.constant 0 : i32
    %dma_wait3A_518 = tpu.memref_slice %arg5[%dma_wait3A_517] : memref<16777216xf32, #tpu.memory_space<hbm>> -> memref<16777216xf32, #tpu.memory_space<hbm>>
    tpu.wait_indirect_dma semaphore(%arg11 : memref<!tpu.dma_semaphore, #tpu.memory_space<semaphore_mem>>) src(%dma_wait3A_518 : memref<16777216xf32, #tpu.memory_space<hbm>>) dst(%dma_wait3A_513 : memref<128xf32, #tpu.memory_space<vmem>>)
    %dma_wait3A_519 = arith.constant 9 : i32
    %dma_wait3A_520 = arith.constant 1152 : i32
    %dma_wait3A_521 = tpu.memref_slice %arg9[%dma_wait3A_520] : memref<2048xf32, #tpu.memory_space<vmem>> -> memref<128xf32, #tpu.memory_space<vmem>>
    %dma_wait3A_522 = arith.constant 0 : i32
    %dma_wait3A_523 = tpu.memref_slice %arg8[%dma_wait3A_519, %dma_wait3A_522] : memref<16x128xi32, #tpu.memory_space<vmem>> -> memref<1x128xi32, #tpu.memory_space<vmem>>
    %dma_wait3A_524 = tpu.memref_squeeze %dma_wait3A_523 : memref<1x128xi32, #tpu.memory_space<vmem>> -> memref<128xi32, #tpu.memory_space<vmem>>
    %dma_wait3A_525 = arith.constant 0 : i32
    %dma_wait3A_526 = tpu.memref_slice %arg5[%dma_wait3A_525] : memref<16777216xf32, #tpu.memory_space<hbm>> -> memref<16777216xf32, #tpu.memory_space<hbm>>
    tpu.wait_indirect_dma semaphore(%arg11 : memref<!tpu.dma_semaphore, #tpu.memory_space<semaphore_mem>>) src(%dma_wait3A_526 : memref<16777216xf32, #tpu.memory_space<hbm>>) dst(%dma_wait3A_521 : memref<128xf32, #tpu.memory_space<vmem>>)
    %dma_wait3A_527 = arith.constant 10 : i32
    %dma_wait3A_528 = arith.constant 1280 : i32
    %dma_wait3A_529 = tpu.memref_slice %arg9[%dma_wait3A_528] : memref<2048xf32, #tpu.memory_space<vmem>> -> memref<128xf32, #tpu.memory_space<vmem>>
    %dma_wait3A_530 = arith.constant 0 : i32
    %dma_wait3A_531 = tpu.memref_slice %arg8[%dma_wait3A_527, %dma_wait3A_530] : memref<16x128xi32, #tpu.memory_space<vmem>> -> memref<1x128xi32, #tpu.memory_space<vmem>>
    %dma_wait3A_532 = tpu.memref_squeeze %dma_wait3A_531 : memref<1x128xi32, #tpu.memory_space<vmem>> -> memref<128xi32, #tpu.memory_space<vmem>>
    %dma_wait3A_533 = arith.constant 0 : i32
    %dma_wait3A_534 = tpu.memref_slice %arg5[%dma_wait3A_533] : memref<16777216xf32, #tpu.memory_space<hbm>> -> memref<16777216xf32, #tpu.memory_space<hbm>>
    tpu.wait_indirect_dma semaphore(%arg11 : memref<!tpu.dma_semaphore, #tpu.memory_space<semaphore_mem>>) src(%dma_wait3A_534 : memref<16777216xf32, #tpu.memory_space<hbm>>) dst(%dma_wait3A_529 : memref<128xf32, #tpu.memory_space<vmem>>)
    %dma_wait3A_535 = arith.constant 11 : i32
    %dma_wait3A_536 = arith.constant 1408 : i32
    %dma_wait3A_537 = tpu.memref_slice %arg9[%dma_wait3A_536] : memref<2048xf32, #tpu.memory_space<vmem>> -> memref<128xf32, #tpu.memory_space<vmem>>
    %dma_wait3A_538 = arith.constant 0 : i32
    %dma_wait3A_539 = tpu.memref_slice %arg8[%dma_wait3A_535, %dma_wait3A_538] : memref<16x128xi32, #tpu.memory_space<vmem>> -> memref<1x128xi32, #tpu.memory_space<vmem>>
    %dma_wait3A_540 = tpu.memref_squeeze %dma_wait3A_539 : memref<1x128xi32, #tpu.memory_space<vmem>> -> memref<128xi32, #tpu.memory_space<vmem>>
    %dma_wait3A_541 = arith.constant 0 : i32
    %dma_wait3A_542 = tpu.memref_slice %arg5[%dma_wait3A_541] : memref<16777216xf32, #tpu.memory_space<hbm>> -> memref<16777216xf32, #tpu.memory_space<hbm>>
    tpu.wait_indirect_dma semaphore(%arg11 : memref<!tpu.dma_semaphore, #tpu.memory_space<semaphore_mem>>) src(%dma_wait3A_542 : memref<16777216xf32, #tpu.memory_space<hbm>>) dst(%dma_wait3A_537 : memref<128xf32, #tpu.memory_space<vmem>>)
    %dma_wait3A_543 = arith.constant 12 : i32
    %dma_wait3A_544 = arith.constant 1536 : i32
    %dma_wait3A_545 = tpu.memref_slice %arg9[%dma_wait3A_544] : memref<2048xf32, #tpu.memory_space<vmem>> -> memref<128xf32, #tpu.memory_space<vmem>>
    %dma_wait3A_546 = arith.constant 0 : i32
    %dma_wait3A_547 = tpu.memref_slice %arg8[%dma_wait3A_543, %dma_wait3A_546] : memref<16x128xi32, #tpu.memory_space<vmem>> -> memref<1x128xi32, #tpu.memory_space<vmem>>
    %dma_wait3A_548 = tpu.memref_squeeze %dma_wait3A_547 : memref<1x128xi32, #tpu.memory_space<vmem>> -> memref<128xi32, #tpu.memory_space<vmem>>
    %dma_wait3A_549 = arith.constant 0 : i32
    %dma_wait3A_550 = tpu.memref_slice %arg5[%dma_wait3A_549] : memref<16777216xf32, #tpu.memory_space<hbm>> -> memref<16777216xf32, #tpu.memory_space<hbm>>
    tpu.wait_indirect_dma semaphore(%arg11 : memref<!tpu.dma_semaphore, #tpu.memory_space<semaphore_mem>>) src(%dma_wait3A_550 : memref<16777216xf32, #tpu.memory_space<hbm>>) dst(%dma_wait3A_545 : memref<128xf32, #tpu.memory_space<vmem>>)
    %dma_wait3A_551 = arith.constant 13 : i32
    %dma_wait3A_552 = arith.constant 1664 : i32
    %dma_wait3A_553 = tpu.memref_slice %arg9[%dma_wait3A_552] : memref<2048xf32, #tpu.memory_space<vmem>> -> memref<128xf32, #tpu.memory_space<vmem>>
    %dma_wait3A_554 = arith.constant 0 : i32
    %dma_wait3A_555 = tpu.memref_slice %arg8[%dma_wait3A_551, %dma_wait3A_554] : memref<16x128xi32, #tpu.memory_space<vmem>> -> memref<1x128xi32, #tpu.memory_space<vmem>>
    %dma_wait3A_556 = tpu.memref_squeeze %dma_wait3A_555 : memref<1x128xi32, #tpu.memory_space<vmem>> -> memref<128xi32, #tpu.memory_space<vmem>>
    %dma_wait3A_557 = arith.constant 0 : i32
    %dma_wait3A_558 = tpu.memref_slice %arg5[%dma_wait3A_557] : memref<16777216xf32, #tpu.memory_space<hbm>> -> memref<16777216xf32, #tpu.memory_space<hbm>>
    tpu.wait_indirect_dma semaphore(%arg11 : memref<!tpu.dma_semaphore, #tpu.memory_space<semaphore_mem>>) src(%dma_wait3A_558 : memref<16777216xf32, #tpu.memory_space<hbm>>) dst(%dma_wait3A_553 : memref<128xf32, #tpu.memory_space<vmem>>)
    %dma_wait3A_559 = arith.constant 14 : i32
    %dma_wait3A_560 = arith.constant 1792 : i32
    %dma_wait3A_561 = tpu.memref_slice %arg9[%dma_wait3A_560] : memref<2048xf32, #tpu.memory_space<vmem>> -> memref<128xf32, #tpu.memory_space<vmem>>
    %dma_wait3A_562 = arith.constant 0 : i32
    %dma_wait3A_563 = tpu.memref_slice %arg8[%dma_wait3A_559, %dma_wait3A_562] : memref<16x128xi32, #tpu.memory_space<vmem>> -> memref<1x128xi32, #tpu.memory_space<vmem>>
    %dma_wait3A_564 = tpu.memref_squeeze %dma_wait3A_563 : memref<1x128xi32, #tpu.memory_space<vmem>> -> memref<128xi32, #tpu.memory_space<vmem>>
    %dma_wait3A_565 = arith.constant 0 : i32
    %dma_wait3A_566 = tpu.memref_slice %arg5[%dma_wait3A_565] : memref<16777216xf32, #tpu.memory_space<hbm>> -> memref<16777216xf32, #tpu.memory_space<hbm>>
    tpu.wait_indirect_dma semaphore(%arg11 : memref<!tpu.dma_semaphore, #tpu.memory_space<semaphore_mem>>) src(%dma_wait3A_566 : memref<16777216xf32, #tpu.memory_space<hbm>>) dst(%dma_wait3A_561 : memref<128xf32, #tpu.memory_space<vmem>>)
    %dma_wait3A_567 = arith.constant 15 : i32
    %dma_wait3A_568 = arith.constant 1920 : i32
    %dma_wait3A_569 = tpu.memref_slice %arg9[%dma_wait3A_568] : memref<2048xf32, #tpu.memory_space<vmem>> -> memref<128xf32, #tpu.memory_space<vmem>>
    %dma_wait3A_570 = arith.constant 0 : i32
    %dma_wait3A_571 = tpu.memref_slice %arg8[%dma_wait3A_567, %dma_wait3A_570] : memref<16x128xi32, #tpu.memory_space<vmem>> -> memref<1x128xi32, #tpu.memory_space<vmem>>
    %dma_wait3A_572 = tpu.memref_squeeze %dma_wait3A_571 : memref<1x128xi32, #tpu.memory_space<vmem>> -> memref<128xi32, #tpu.memory_space<vmem>>
    %dma_wait3A_573 = arith.constant 0 : i32
    %dma_wait3A_574 = tpu.memref_slice %arg5[%dma_wait3A_573] : memref<16777216xf32, #tpu.memory_space<hbm>> -> memref<16777216xf32, #tpu.memory_space<hbm>>
    tpu.wait_indirect_dma semaphore(%arg11 : memref<!tpu.dma_semaphore, #tpu.memory_space<semaphore_mem>>) src(%dma_wait3A_574 : memref<16777216xf32, #tpu.memory_space<hbm>>) dst(%dma_wait3A_569 : memref<128xf32, #tpu.memory_space<vmem>>)
    %scan3A = arith.constant 0 : i32
    %scan3A_575 = arith.constant 0 : i32
    %scan3A_576 = arith.constant 128 : i32
    %scan3A_577 = arith.addi %scan3A_575, %scan3A_576 : i32
    %scan3A_578 = arith.constant 1 : i32
    scf.for %scan3A_836 = %scan3A_575 to %scan3A_577 step %scan3A_578  : i32 {
      %mul3A_837 = arith.constant 16 : i32
      %mul3A_838 = arith.muli %scan3A_836, %mul3A_837 : i32
      %get3A = arith.index_cast %mul3A_838 : i32 to index
      %get3A_839 = tpu.vector_load %arg9[%get3A] {strides = array<i32>} : memref<2048xf32, #tpu.memory_space<vmem>>, vector<16xf32>,
      %get3A_840 = arith.index_cast %mul3A_838 : i32 to index
      %get3A_841 = tpu.vector_load %arg10[%get3A_840] {strides = array<i32>} : memref<2048xf32, #tpu.memory_space<vmem>>, vector<16xf32>,
      %mul3A_842 = arith.mulf %get3A_839, %get3A_841 : vector<16xf32>
      %swap3A = arith.index_cast %mul3A_838 : i32 to index
      %swap3A_843 = tpu.vector_load %arg9[%swap3A] {strides = array<i32>} : memref<2048xf32, #tpu.memory_space<vmem>>, vector<16xf32>,
      tpu.vector_store %arg9[%swap3A], %mul3A_842 {strides = array<i32>} : memref<2048xf32, #tpu.memory_space<vmem>>, vector<16xf32>,
    }
    %scan3A_579 = arith.constant 128 : i32
    %dma_start3A_580 = arith.constant 0 : i32
    %dma_start3A_581 = arith.constant 0 : i32
    %dma_start3A_582 = tpu.memref_slice %arg9[%dma_start3A_581] : memref<2048xf32, #tpu.memory_space<vmem>> -> memref<128xf32, #tpu.memory_space<vmem>>
    %dma_start3A_583 = arith.constant 0 : i32
    %dma_start3A_584 = tpu.memref_slice %arg8[%dma_start3A_580, %dma_start3A_583] : memref<16x128xi32, #tpu.memory_space<vmem>> -> memref<1x128xi32, #tpu.memory_space<vmem>>
    %dma_start3A_585 = tpu.memref_squeeze %dma_start3A_584 : memref<1x128xi32, #tpu.memory_space<vmem>> -> memref<128xi32, #tpu.memory_space<vmem>>
    %dma_start3A_586 = arith.constant 0 : i32
    %dma_start3A_587 = tpu.memref_slice %arg5[%dma_start3A_586] : memref<16777216xf32, #tpu.memory_space<hbm>> -> memref<16777216xf32, #tpu.memory_space<hbm>>
    tpu.enqueue_indirect_dma source(%dma_start3A_582 : memref<128xf32, #tpu.memory_space<vmem>>) target(%dma_start3A_587 : memref<16777216xf32, #tpu.memory_space<hbm>>) offsets(%dma_start3A_585 : memref<128xi32, #tpu.memory_space<vmem>>) semaphore(%arg11 : memref<!tpu.dma_semaphore, #tpu.memory_space<semaphore_mem>>)
    %dma_start3A_588 = arith.constant 1 : i32
    %dma_start3A_589 = arith.constant 128 : i32
    %dma_start3A_590 = tpu.memref_slice %arg9[%dma_start3A_589] : memref<2048xf32, #tpu.memory_space<vmem>> -> memref<128xf32, #tpu.memory_space<vmem>>
    %dma_start3A_591 = arith.constant 0 : i32
    %dma_start3A_592 = tpu.memref_slice %arg8[%dma_start3A_588, %dma_start3A_591] : memref<16x128xi32, #tpu.memory_space<vmem>> -> memref<1x128xi32, #tpu.memory_space<vmem>>
    %dma_start3A_593 = tpu.memref_squeeze %dma_start3A_592 : memref<1x128xi32, #tpu.memory_space<vmem>> -> memref<128xi32, #tpu.memory_space<vmem>>
    %dma_start3A_594 = arith.constant 0 : i32
    %dma_start3A_595 = tpu.memref_slice %arg5[%dma_start3A_594] : memref<16777216xf32, #tpu.memory_space<hbm>> -> memref<16777216xf32, #tpu.memory_space<hbm>>
    tpu.enqueue_indirect_dma source(%dma_start3A_590 : memref<128xf32, #tpu.memory_space<vmem>>) target(%dma_start3A_595 : memref<16777216xf32, #tpu.memory_space<hbm>>) offsets(%dma_start3A_593 : memref<128xi32, #tpu.memory_space<vmem>>) semaphore(%arg11 : memref<!tpu.dma_semaphore, #tpu.memory_space<semaphore_mem>>)
    %dma_start3A_596 = arith.constant 2 : i32
    %dma_start3A_597 = arith.constant 256 : i32
    %dma_start3A_598 = tpu.memref_slice %arg9[%dma_start3A_597] : memref<2048xf32, #tpu.memory_space<vmem>> -> memref<128xf32, #tpu.memory_space<vmem>>
    %dma_start3A_599 = arith.constant 0 : i32
    %dma_start3A_600 = tpu.memref_slice %arg8[%dma_start3A_596, %dma_start3A_599] : memref<16x128xi32, #tpu.memory_space<vmem>> -> memref<1x128xi32, #tpu.memory_space<vmem>>
    %dma_start3A_601 = tpu.memref_squeeze %dma_start3A_600 : memref<1x128xi32, #tpu.memory_space<vmem>> -> memref<128xi32, #tpu.memory_space<vmem>>
    %dma_start3A_602 = arith.constant 0 : i32
    %dma_start3A_603 = tpu.memref_slice %arg5[%dma_start3A_602] : memref<16777216xf32, #tpu.memory_space<hbm>> -> memref<16777216xf32, #tpu.memory_space<hbm>>
    tpu.enqueue_indirect_dma source(%dma_start3A_598 : memref<128xf32, #tpu.memory_space<vmem>>) target(%dma_start3A_603 : memref<16777216xf32, #tpu.memory_space<hbm>>) offsets(%dma_start3A_601 : memref<128xi32, #tpu.memory_space<vmem>>) semaphore(%arg11 : memref<!tpu.dma_semaphore, #tpu.memory_space<semaphore_mem>>)
    %dma_start3A_604 = arith.constant 3 : i32
    %dma_start3A_605 = arith.constant 384 : i32
    %dma_start3A_606 = tpu.memref_slice %arg9[%dma_start3A_605] : memref<2048xf32, #tpu.memory_space<vmem>> -> memref<128xf32, #tpu.memory_space<vmem>>
    %dma_start3A_607 = arith.constant 0 : i32
    %dma_start3A_608 = tpu.memref_slice %arg8[%dma_start3A_604, %dma_start3A_607] : memref<16x128xi32, #tpu.memory_space<vmem>> -> memref<1x128xi32, #tpu.memory_space<vmem>>
    %dma_start3A_609 = tpu.memref_squeeze %dma_start3A_608 : memref<1x128xi32, #tpu.memory_space<vmem>> -> memref<128xi32, #tpu.memory_space<vmem>>
    %dma_start3A_610 = arith.constant 0 : i32
    %dma_start3A_611 = tpu.memref_slice %arg5[%dma_start3A_610] : memref<16777216xf32, #tpu.memory_space<hbm>> -> memref<16777216xf32, #tpu.memory_space<hbm>>
    tpu.enqueue_indirect_dma source(%dma_start3A_606 : memref<128xf32, #tpu.memory_space<vmem>>) target(%dma_start3A_611 : memref<16777216xf32, #tpu.memory_space<hbm>>) offsets(%dma_start3A_609 : memref<128xi32, #tpu.memory_space<vmem>>) semaphore(%arg11 : memref<!tpu.dma_semaphore, #tpu.memory_space<semaphore_mem>>)
    %dma_start3A_612 = arith.constant 4 : i32
    %dma_start3A_613 = arith.constant 512 : i32
    %dma_start3A_614 = tpu.memref_slice %arg9[%dma_start3A_613] : memref<2048xf32, #tpu.memory_space<vmem>> -> memref<128xf32, #tpu.memory_space<vmem>>
    %dma_start3A_615 = arith.constant 0 : i32
    %dma_start3A_616 = tpu.memref_slice %arg8[%dma_start3A_612, %dma_start3A_615] : memref<16x128xi32, #tpu.memory_space<vmem>> -> memref<1x128xi32, #tpu.memory_space<vmem>>
    %dma_start3A_617 = tpu.memref_squeeze %dma_start3A_616 : memref<1x128xi32, #tpu.memory_space<vmem>> -> memref<128xi32, #tpu.memory_space<vmem>>
    %dma_start3A_618 = arith.constant 0 : i32
    %dma_start3A_619 = tpu.memref_slice %arg5[%dma_start3A_618] : memref<16777216xf32, #tpu.memory_space<hbm>> -> memref<16777216xf32, #tpu.memory_space<hbm>>
    tpu.enqueue_indirect_dma source(%dma_start3A_614 : memref<128xf32, #tpu.memory_space<vmem>>) target(%dma_start3A_619 : memref<16777216xf32, #tpu.memory_space<hbm>>) offsets(%dma_start3A_617 : memref<128xi32, #tpu.memory_space<vmem>>) semaphore(%arg11 : memref<!tpu.dma_semaphore, #tpu.memory_space<semaphore_mem>>)
    %dma_start3A_620 = arith.constant 5 : i32
    %dma_start3A_621 = arith.constant 640 : i32
    %dma_start3A_622 = tpu.memref_slice %arg9[%dma_start3A_621] : memref<2048xf32, #tpu.memory_space<vmem>> -> memref<128xf32, #tpu.memory_space<vmem>>
    %dma_start3A_623 = arith.constant 0 : i32
    %dma_start3A_624 = tpu.memref_slice %arg8[%dma_start3A_620, %dma_start3A_623] : memref<16x128xi32, #tpu.memory_space<vmem>> -> memref<1x128xi32, #tpu.memory_space<vmem>>
    %dma_start3A_625 = tpu.memref_squeeze %dma_start3A_624 : memref<1x128xi32, #tpu.memory_space<vmem>> -> memref<128xi32, #tpu.memory_space<vmem>>
    %dma_start3A_626 = arith.constant 0 : i32
    %dma_start3A_627 = tpu.memref_slice %arg5[%dma_start3A_626] : memref<16777216xf32, #tpu.memory_space<hbm>> -> memref<16777216xf32, #tpu.memory_space<hbm>>
    tpu.enqueue_indirect_dma source(%dma_start3A_622 : memref<128xf32, #tpu.memory_space<vmem>>) target(%dma_start3A_627 : memref<16777216xf32, #tpu.memory_space<hbm>>) offsets(%dma_start3A_625 : memref<128xi32, #tpu.memory_space<vmem>>) semaphore(%arg11 : memref<!tpu.dma_semaphore, #tpu.memory_space<semaphore_mem>>)
    %dma_start3A_628 = arith.constant 6 : i32
    %dma_start3A_629 = arith.constant 768 : i32
    %dma_start3A_630 = tpu.memref_slice %arg9[%dma_start3A_629] : memref<2048xf32, #tpu.memory_space<vmem>> -> memref<128xf32, #tpu.memory_space<vmem>>
    %dma_start3A_631 = arith.constant 0 : i32
    %dma_start3A_632 = tpu.memref_slice %arg8[%dma_start3A_628, %dma_start3A_631] : memref<16x128xi32, #tpu.memory_space<vmem>> -> memref<1x128xi32, #tpu.memory_space<vmem>>
    %dma_start3A_633 = tpu.memref_squeeze %dma_start3A_632 : memref<1x128xi32, #tpu.memory_space<vmem>> -> memref<128xi32, #tpu.memory_space<vmem>>
    %dma_start3A_634 = arith.constant 0 : i32
    %dma_start3A_635 = tpu.memref_slice %arg5[%dma_start3A_634] : memref<16777216xf32, #tpu.memory_space<hbm>> -> memref<16777216xf32, #tpu.memory_space<hbm>>
    tpu.enqueue_indirect_dma source(%dma_start3A_630 : memref<128xf32, #tpu.memory_space<vmem>>) target(%dma_start3A_635 : memref<16777216xf32, #tpu.memory_space<hbm>>) offsets(%dma_start3A_633 : memref<128xi32, #tpu.memory_space<vmem>>) semaphore(%arg11 : memref<!tpu.dma_semaphore, #tpu.memory_space<semaphore_mem>>)
    %dma_start3A_636 = arith.constant 7 : i32
    %dma_start3A_637 = arith.constant 896 : i32
    %dma_start3A_638 = tpu.memref_slice %arg9[%dma_start3A_637] : memref<2048xf32, #tpu.memory_space<vmem>> -> memref<128xf32, #tpu.memory_space<vmem>>
    %dma_start3A_639 = arith.constant 0 : i32
    %dma_start3A_640 = tpu.memref_slice %arg8[%dma_start3A_636, %dma_start3A_639] : memref<16x128xi32, #tpu.memory_space<vmem>> -> memref<1x128xi32, #tpu.memory_space<vmem>>
    %dma_start3A_641 = tpu.memref_squeeze %dma_start3A_640 : memref<1x128xi32, #tpu.memory_space<vmem>> -> memref<128xi32, #tpu.memory_space<vmem>>
    %dma_start3A_642 = arith.constant 0 : i32
    %dma_start3A_643 = tpu.memref_slice %arg5[%dma_start3A_642] : memref<16777216xf32, #tpu.memory_space<hbm>> -> memref<16777216xf32, #tpu.memory_space<hbm>>
    tpu.enqueue_indirect_dma source(%dma_start3A_638 : memref<128xf32, #tpu.memory_space<vmem>>) target(%dma_start3A_643 : memref<16777216xf32, #tpu.memory_space<hbm>>) offsets(%dma_start3A_641 : memref<128xi32, #tpu.memory_space<vmem>>) semaphore(%arg11 : memref<!tpu.dma_semaphore, #tpu.memory_space<semaphore_mem>>)
    %dma_start3A_644 = arith.constant 8 : i32
    %dma_start3A_645 = arith.constant 1024 : i32
    %dma_start3A_646 = tpu.memref_slice %arg9[%dma_start3A_645] : memref<2048xf32, #tpu.memory_space<vmem>> -> memref<128xf32, #tpu.memory_space<vmem>>
    %dma_start3A_647 = arith.constant 0 : i32
    %dma_start3A_648 = tpu.memref_slice %arg8[%dma_start3A_644, %dma_start3A_647] : memref<16x128xi32, #tpu.memory_space<vmem>> -> memref<1x128xi32, #tpu.memory_space<vmem>>
    %dma_start3A_649 = tpu.memref_squeeze %dma_start3A_648 : memref<1x128xi32, #tpu.memory_space<vmem>> -> memref<128xi32, #tpu.memory_space<vmem>>
    %dma_start3A_650 = arith.constant 0 : i32
    %dma_start3A_651 = tpu.memref_slice %arg5[%dma_start3A_650] : memref<16777216xf32, #tpu.memory_space<hbm>> -> memref<16777216xf32, #tpu.memory_space<hbm>>
    tpu.enqueue_indirect_dma source(%dma_start3A_646 : memref<128xf32, #tpu.memory_space<vmem>>) target(%dma_start3A_651 : memref<16777216xf32, #tpu.memory_space<hbm>>) offsets(%dma_start3A_649 : memref<128xi32, #tpu.memory_space<vmem>>) semaphore(%arg11 : memref<!tpu.dma_semaphore, #tpu.memory_space<semaphore_mem>>)
    %dma_start3A_652 = arith.constant 9 : i32
    %dma_start3A_653 = arith.constant 1152 : i32
    %dma_start3A_654 = tpu.memref_slice %arg9[%dma_start3A_653] : memref<2048xf32, #tpu.memory_space<vmem>> -> memref<128xf32, #tpu.memory_space<vmem>>
    %dma_start3A_655 = arith.constant 0 : i32
    %dma_start3A_656 = tpu.memref_slice %arg8[%dma_start3A_652, %dma_start3A_655] : memref<16x128xi32, #tpu.memory_space<vmem>> -> memref<1x128xi32, #tpu.memory_space<vmem>>
    %dma_start3A_657 = tpu.memref_squeeze %dma_start3A_656 : memref<1x128xi32, #tpu.memory_space<vmem>> -> memref<128xi32, #tpu.memory_space<vmem>>
    %dma_start3A_658 = arith.constant 0 : i32
    %dma_start3A_659 = tpu.memref_slice %arg5[%dma_start3A_658] : memref<16777216xf32, #tpu.memory_space<hbm>> -> memref<16777216xf32, #tpu.memory_space<hbm>>
    tpu.enqueue_indirect_dma source(%dma_start3A_654 : memref<128xf32, #tpu.memory_space<vmem>>) target(%dma_start3A_659 : memref<16777216xf32, #tpu.memory_space<hbm>>) offsets(%dma_start3A_657 : memref<128xi32, #tpu.memory_space<vmem>>) semaphore(%arg11 : memref<!tpu.dma_semaphore, #tpu.memory_space<semaphore_mem>>)
    %dma_start3A_660 = arith.constant 10 : i32
    %dma_start3A_661 = arith.constant 1280 : i32
    %dma_start3A_662 = tpu.memref_slice %arg9[%dma_start3A_661] : memref<2048xf32, #tpu.memory_space<vmem>> -> memref<128xf32, #tpu.memory_space<vmem>>
    %dma_start3A_663 = arith.constant 0 : i32
    %dma_start3A_664 = tpu.memref_slice %arg8[%dma_start3A_660, %dma_start3A_663] : memref<16x128xi32, #tpu.memory_space<vmem>> -> memref<1x128xi32, #tpu.memory_space<vmem>>
    %dma_start3A_665 = tpu.memref_squeeze %dma_start3A_664 : memref<1x128xi32, #tpu.memory_space<vmem>> -> memref<128xi32, #tpu.memory_space<vmem>>
    %dma_start3A_666 = arith.constant 0 : i32
    %dma_start3A_667 = tpu.memref_slice %arg5[%dma_start3A_666] : memref<16777216xf32, #tpu.memory_space<hbm>> -> memref<16777216xf32, #tpu.memory_space<hbm>>
    tpu.enqueue_indirect_dma source(%dma_start3A_662 : memref<128xf32, #tpu.memory_space<vmem>>) target(%dma_start3A_667 : memref<16777216xf32, #tpu.memory_space<hbm>>) offsets(%dma_start3A_665 : memref<128xi32, #tpu.memory_space<vmem>>) semaphore(%arg11 : memref<!tpu.dma_semaphore, #tpu.memory_space<semaphore_mem>>)
    %dma_start3A_668 = arith.constant 11 : i32
    %dma_start3A_669 = arith.constant 1408 : i32
    %dma_start3A_670 = tpu.memref_slice %arg9[%dma_start3A_669] : memref<2048xf32, #tpu.memory_space<vmem>> -> memref<128xf32, #tpu.memory_space<vmem>>
    %dma_start3A_671 = arith.constant 0 : i32
    %dma_start3A_672 = tpu.memref_slice %arg8[%dma_start3A_668, %dma_start3A_671] : memref<16x128xi32, #tpu.memory_space<vmem>> -> memref<1x128xi32, #tpu.memory_space<vmem>>
    %dma_start3A_673 = tpu.memref_squeeze %dma_start3A_672 : memref<1x128xi32, #tpu.memory_space<vmem>> -> memref<128xi32, #tpu.memory_space<vmem>>
    %dma_start3A_674 = arith.constant 0 : i32
    %dma_start3A_675 = tpu.memref_slice %arg5[%dma_start3A_674] : memref<16777216xf32, #tpu.memory_space<hbm>> -> memref<16777216xf32, #tpu.memory_space<hbm>>
    tpu.enqueue_indirect_dma source(%dma_start3A_670 : memref<128xf32, #tpu.memory_space<vmem>>) target(%dma_start3A_675 : memref<16777216xf32, #tpu.memory_space<hbm>>) offsets(%dma_start3A_673 : memref<128xi32, #tpu.memory_space<vmem>>) semaphore(%arg11 : memref<!tpu.dma_semaphore, #tpu.memory_space<semaphore_mem>>)
    %dma_start3A_676 = arith.constant 12 : i32
    %dma_start3A_677 = arith.constant 1536 : i32
    %dma_start3A_678 = tpu.memref_slice %arg9[%dma_start3A_677] : memref<2048xf32, #tpu.memory_space<vmem>> -> memref<128xf32, #tpu.memory_space<vmem>>
    %dma_start3A_679 = arith.constant 0 : i32
    %dma_start3A_680 = tpu.memref_slice %arg8[%dma_start3A_676, %dma_start3A_679] : memref<16x128xi32, #tpu.memory_space<vmem>> -> memref<1x128xi32, #tpu.memory_space<vmem>>
    %dma_start3A_681 = tpu.memref_squeeze %dma_start3A_680 : memref<1x128xi32, #tpu.memory_space<vmem>> -> memref<128xi32, #tpu.memory_space<vmem>>
    %dma_start3A_682 = arith.constant 0 : i32
    %dma_start3A_683 = tpu.memref_slice %arg5[%dma_start3A_682] : memref<16777216xf32, #tpu.memory_space<hbm>> -> memref<16777216xf32, #tpu.memory_space<hbm>>
    tpu.enqueue_indirect_dma source(%dma_start3A_678 : memref<128xf32, #tpu.memory_space<vmem>>) target(%dma_start3A_683 : memref<16777216xf32, #tpu.memory_space<hbm>>) offsets(%dma_start3A_681 : memref<128xi32, #tpu.memory_space<vmem>>) semaphore(%arg11 : memref<!tpu.dma_semaphore, #tpu.memory_space<semaphore_mem>>)
    %dma_start3A_684 = arith.constant 13 : i32
    %dma_start3A_685 = arith.constant 1664 : i32
    %dma_start3A_686 = tpu.memref_slice %arg9[%dma_start3A_685] : memref<2048xf32, #tpu.memory_space<vmem>> -> memref<128xf32, #tpu.memory_space<vmem>>
    %dma_start3A_687 = arith.constant 0 : i32
    %dma_start3A_688 = tpu.memref_slice %arg8[%dma_start3A_684, %dma_start3A_687] : memref<16x128xi32, #tpu.memory_space<vmem>> -> memref<1x128xi32, #tpu.memory_space<vmem>>
    %dma_start3A_689 = tpu.memref_squeeze %dma_start3A_688 : memref<1x128xi32, #tpu.memory_space<vmem>> -> memref<128xi32, #tpu.memory_space<vmem>>
    %dma_start3A_690 = arith.constant 0 : i32
    %dma_start3A_691 = tpu.memref_slice %arg5[%dma_start3A_690] : memref<16777216xf32, #tpu.memory_space<hbm>> -> memref<16777216xf32, #tpu.memory_space<hbm>>
    tpu.enqueue_indirect_dma source(%dma_start3A_686 : memref<128xf32, #tpu.memory_space<vmem>>) target(%dma_start3A_691 : memref<16777216xf32, #tpu.memory_space<hbm>>) offsets(%dma_start3A_689 : memref<128xi32, #tpu.memory_space<vmem>>) semaphore(%arg11 : memref<!tpu.dma_semaphore, #tpu.memory_space<semaphore_mem>>)
    %dma_start3A_692 = arith.constant 14 : i32
    %dma_start3A_693 = arith.constant 1792 : i32
    %dma_start3A_694 = tpu.memref_slice %arg9[%dma_start3A_693] : memref<2048xf32, #tpu.memory_space<vmem>> -> memref<128xf32, #tpu.memory_space<vmem>>
    %dma_start3A_695 = arith.constant 0 : i32
    %dma_start3A_696 = tpu.memref_slice %arg8[%dma_start3A_692, %dma_start3A_695] : memref<16x128xi32, #tpu.memory_space<vmem>> -> memref<1x128xi32, #tpu.memory_space<vmem>>
    %dma_start3A_697 = tpu.memref_squeeze %dma_start3A_696 : memref<1x128xi32, #tpu.memory_space<vmem>> -> memref<128xi32, #tpu.memory_space<vmem>>
    %dma_start3A_698 = arith.constant 0 : i32
    %dma_start3A_699 = tpu.memref_slice %arg5[%dma_start3A_698] : memref<16777216xf32, #tpu.memory_space<hbm>> -> memref<16777216xf32, #tpu.memory_space<hbm>>
    tpu.enqueue_indirect_dma source(%dma_start3A_694 : memref<128xf32, #tpu.memory_space<vmem>>) target(%dma_start3A_699 : memref<16777216xf32, #tpu.memory_space<hbm>>) offsets(%dma_start3A_697 : memref<128xi32, #tpu.memory_space<vmem>>) semaphore(%arg11 : memref<!tpu.dma_semaphore, #tpu.memory_space<semaphore_mem>>)
    %dma_start3A_700 = arith.constant 15 : i32
    %dma_start3A_701 = arith.constant 1920 : i32
    %dma_start3A_702 = tpu.memref_slice %arg9[%dma_start3A_701] : memref<2048xf32, #tpu.memory_space<vmem>> -> memref<128xf32, #tpu.memory_space<vmem>>
    %dma_start3A_703 = arith.constant 0 : i32
    %dma_start3A_704 = tpu.memref_slice %arg8[%dma_start3A_700, %dma_start3A_703] : memref<16x128xi32, #tpu.memory_space<vmem>> -> memref<1x128xi32, #tpu.memory_space<vmem>>
    %dma_start3A_705 = tpu.memref_squeeze %dma_start3A_704 : memref<1x128xi32, #tpu.memory_space<vmem>> -> memref<128xi32, #tpu.memory_space<vmem>>
    %dma_start3A_706 = arith.constant 0 : i32
    %dma_start3A_707 = tpu.memref_slice %arg5[%dma_start3A_706] : memref<16777216xf32, #tpu.memory_space<hbm>> -> memref<16777216xf32, #tpu.memory_space<hbm>>
    tpu.enqueue_indirect_dma source(%dma_start3A_702 : memref<128xf32, #tpu.memory_space<vmem>>) target(%dma_start3A_707 : memref<16777216xf32, #tpu.memory_space<hbm>>) offsets(%dma_start3A_705 : memref<128xi32, #tpu.memory_space<vmem>>) semaphore(%arg11 : memref<!tpu.dma_semaphore, #tpu.memory_space<semaphore_mem>>)
    %dma_wait3A_708 = arith.constant 0 : i32
    %dma_wait3A_709 = arith.constant 0 : i32
    %dma_wait3A_710 = tpu.memref_slice %arg9[%dma_wait3A_709] : memref<2048xf32, #tpu.memory_space<vmem>> -> memref<128xf32, #tpu.memory_space<vmem>>
    %dma_wait3A_711 = arith.constant 0 : i32
    %dma_wait3A_712 = tpu.memref_slice %arg8[%dma_wait3A_708, %dma_wait3A_711] : memref<16x128xi32, #tpu.memory_space<vmem>> -> memref<1x128xi32, #tpu.memory_space<vmem>>
    %dma_wait3A_713 = tpu.memref_squeeze %dma_wait3A_712 : memref<1x128xi32, #tpu.memory_space<vmem>> -> memref<128xi32, #tpu.memory_space<vmem>>
    %dma_wait3A_714 = arith.constant 0 : i32
    %dma_wait3A_715 = tpu.memref_slice %arg5[%dma_wait3A_714] : memref<16777216xf32, #tpu.memory_space<hbm>> -> memref<16777216xf32, #tpu.memory_space<hbm>>
    tpu.wait_indirect_dma semaphore(%arg11 : memref<!tpu.dma_semaphore, #tpu.memory_space<semaphore_mem>>) src(%dma_wait3A_710 : memref<128xf32, #tpu.memory_space<vmem>>) dst(%dma_wait3A_715 : memref<16777216xf32, #tpu.memory_space<hbm>>)
    %dma_wait3A_716 = arith.constant 1 : i32
    %dma_wait3A_717 = arith.constant 128 : i32
    %dma_wait3A_718 = tpu.memref_slice %arg9[%dma_wait3A_717] : memref<2048xf32, #tpu.memory_space<vmem>> -> memref<128xf32, #tpu.memory_space<vmem>>
    %dma_wait3A_719 = arith.constant 0 : i32
    %dma_wait3A_720 = tpu.memref_slice %arg8[%dma_wait3A_716, %dma_wait3A_719] : memref<16x128xi32, #tpu.memory_space<vmem>> -> memref<1x128xi32, #tpu.memory_space<vmem>>
    %dma_wait3A_721 = tpu.memref_squeeze %dma_wait3A_720 : memref<1x128xi32, #tpu.memory_space<vmem>> -> memref<128xi32, #tpu.memory_space<vmem>>
    %dma_wait3A_722 = arith.constant 0 : i32
    %dma_wait3A_723 = tpu.memref_slice %arg5[%dma_wait3A_722] : memref<16777216xf32, #tpu.memory_space<hbm>> -> memref<16777216xf32, #tpu.memory_space<hbm>>
    tpu.wait_indirect_dma semaphore(%arg11 : memref<!tpu.dma_semaphore, #tpu.memory_space<semaphore_mem>>) src(%dma_wait3A_718 : memref<128xf32, #tpu.memory_space<vmem>>) dst(%dma_wait3A_723 : memref<16777216xf32, #tpu.memory_space<hbm>>)
    %dma_wait3A_724 = arith.constant 2 : i32
    %dma_wait3A_725 = arith.constant 256 : i32
    %dma_wait3A_726 = tpu.memref_slice %arg9[%dma_wait3A_725] : memref<2048xf32, #tpu.memory_space<vmem>> -> memref<128xf32, #tpu.memory_space<vmem>>
    %dma_wait3A_727 = arith.constant 0 : i32
    %dma_wait3A_728 = tpu.memref_slice %arg8[%dma_wait3A_724, %dma_wait3A_727] : memref<16x128xi32, #tpu.memory_space<vmem>> -> memref<1x128xi32, #tpu.memory_space<vmem>>
    %dma_wait3A_729 = tpu.memref_squeeze %dma_wait3A_728 : memref<1x128xi32, #tpu.memory_space<vmem>> -> memref<128xi32, #tpu.memory_space<vmem>>
    %dma_wait3A_730 = arith.constant 0 : i32
    %dma_wait3A_731 = tpu.memref_slice %arg5[%dma_wait3A_730] : memref<16777216xf32, #tpu.memory_space<hbm>> -> memref<16777216xf32, #tpu.memory_space<hbm>>
    tpu.wait_indirect_dma semaphore(%arg11 : memref<!tpu.dma_semaphore, #tpu.memory_space<semaphore_mem>>) src(%dma_wait3A_726 : memref<128xf32, #tpu.memory_space<vmem>>) dst(%dma_wait3A_731 : memref<16777216xf32, #tpu.memory_space<hbm>>)
    %dma_wait3A_732 = arith.constant 3 : i32
    %dma_wait3A_733 = arith.constant 384 : i32
    %dma_wait3A_734 = tpu.memref_slice %arg9[%dma_wait3A_733] : memref<2048xf32, #tpu.memory_space<vmem>> -> memref<128xf32, #tpu.memory_space<vmem>>
    %dma_wait3A_735 = arith.constant 0 : i32
    %dma_wait3A_736 = tpu.memref_slice %arg8[%dma_wait3A_732, %dma_wait3A_735] : memref<16x128xi32, #tpu.memory_space<vmem>> -> memref<1x128xi32, #tpu.memory_space<vmem>>
    %dma_wait3A_737 = tpu.memref_squeeze %dma_wait3A_736 : memref<1x128xi32, #tpu.memory_space<vmem>> -> memref<128xi32, #tpu.memory_space<vmem>>
    %dma_wait3A_738 = arith.constant 0 : i32
    %dma_wait3A_739 = tpu.memref_slice %arg5[%dma_wait3A_738] : memref<16777216xf32, #tpu.memory_space<hbm>> -> memref<16777216xf32, #tpu.memory_space<hbm>>
    tpu.wait_indirect_dma semaphore(%arg11 : memref<!tpu.dma_semaphore, #tpu.memory_space<semaphore_mem>>) src(%dma_wait3A_734 : memref<128xf32, #tpu.memory_space<vmem>>) dst(%dma_wait3A_739 : memref<16777216xf32, #tpu.memory_space<hbm>>)
    %dma_wait3A_740 = arith.constant 4 : i32
    %dma_wait3A_741 = arith.constant 512 : i32
    %dma_wait3A_742 = tpu.memref_slice %arg9[%dma_wait3A_741] : memref<2048xf32, #tpu.memory_space<vmem>> -> memref<128xf32, #tpu.memory_space<vmem>>
    %dma_wait3A_743 = arith.constant 0 : i32
    %dma_wait3A_744 = tpu.memref_slice %arg8[%dma_wait3A_740, %dma_wait3A_743] : memref<16x128xi32, #tpu.memory_space<vmem>> -> memref<1x128xi32, #tpu.memory_space<vmem>>
    %dma_wait3A_745 = tpu.memref_squeeze %dma_wait3A_744 : memref<1x128xi32, #tpu.memory_space<vmem>> -> memref<128xi32, #tpu.memory_space<vmem>>
    %dma_wait3A_746 = arith.constant 0 : i32
    %dma_wait3A_747 = tpu.memref_slice %arg5[%dma_wait3A_746] : memref<16777216xf32, #tpu.memory_space<hbm>> -> memref<16777216xf32, #tpu.memory_space<hbm>>
    tpu.wait_indirect_dma semaphore(%arg11 : memref<!tpu.dma_semaphore, #tpu.memory_space<semaphore_mem>>) src(%dma_wait3A_742 : memref<128xf32, #tpu.memory_space<vmem>>) dst(%dma_wait3A_747 : memref<16777216xf32, #tpu.memory_space<hbm>>)
    %dma_wait3A_748 = arith.constant 5 : i32
    %dma_wait3A_749 = arith.constant 640 : i32
    %dma_wait3A_750 = tpu.memref_slice %arg9[%dma_wait3A_749] : memref<2048xf32, #tpu.memory_space<vmem>> -> memref<128xf32, #tpu.memory_space<vmem>>
    %dma_wait3A_751 = arith.constant 0 : i32
    %dma_wait3A_752 = tpu.memref_slice %arg8[%dma_wait3A_748, %dma_wait3A_751] : memref<16x128xi32, #tpu.memory_space<vmem>> -> memref<1x128xi32, #tpu.memory_space<vmem>>
    %dma_wait3A_753 = tpu.memref_squeeze %dma_wait3A_752 : memref<1x128xi32, #tpu.memory_space<vmem>> -> memref<128xi32, #tpu.memory_space<vmem>>
    %dma_wait3A_754 = arith.constant 0 : i32
    %dma_wait3A_755 = tpu.memref_slice %arg5[%dma_wait3A_754] : memref<16777216xf32, #tpu.memory_space<hbm>> -> memref<16777216xf32, #tpu.memory_space<hbm>>
    tpu.wait_indirect_dma semaphore(%arg11 : memref<!tpu.dma_semaphore, #tpu.memory_space<semaphore_mem>>) src(%dma_wait3A_750 : memref<128xf32, #tpu.memory_space<vmem>>) dst(%dma_wait3A_755 : memref<16777216xf32, #tpu.memory_space<hbm>>)
    %dma_wait3A_756 = arith.constant 6 : i32
    %dma_wait3A_757 = arith.constant 768 : i32
    %dma_wait3A_758 = tpu.memref_slice %arg9[%dma_wait3A_757] : memref<2048xf32, #tpu.memory_space<vmem>> -> memref<128xf32, #tpu.memory_space<vmem>>
    %dma_wait3A_759 = arith.constant 0 : i32
    %dma_wait3A_760 = tpu.memref_slice %arg8[%dma_wait3A_756, %dma_wait3A_759] : memref<16x128xi32, #tpu.memory_space<vmem>> -> memref<1x128xi32, #tpu.memory_space<vmem>>
    %dma_wait3A_761 = tpu.memref_squeeze %dma_wait3A_760 : memref<1x128xi32, #tpu.memory_space<vmem>> -> memref<128xi32, #tpu.memory_space<vmem>>
    %dma_wait3A_762 = arith.constant 0 : i32
    %dma_wait3A_763 = tpu.memref_slice %arg5[%dma_wait3A_762] : memref<16777216xf32, #tpu.memory_space<hbm>> -> memref<16777216xf32, #tpu.memory_space<hbm>>
    tpu.wait_indirect_dma semaphore(%arg11 : memref<!tpu.dma_semaphore, #tpu.memory_space<semaphore_mem>>) src(%dma_wait3A_758 : memref<128xf32, #tpu.memory_space<vmem>>) dst(%dma_wait3A_763 : memref<16777216xf32, #tpu.memory_space<hbm>>)
    %dma_wait3A_764 = arith.constant 7 : i32
    %dma_wait3A_765 = arith.constant 896 : i32
    %dma_wait3A_766 = tpu.memref_slice %arg9[%dma_wait3A_765] : memref<2048xf32, #tpu.memory_space<vmem>> -> memref<128xf32, #tpu.memory_space<vmem>>
    %dma_wait3A_767 = arith.constant 0 : i32
    %dma_wait3A_768 = tpu.memref_slice %arg8[%dma_wait3A_764, %dma_wait3A_767] : memref<16x128xi32, #tpu.memory_space<vmem>> -> memref<1x128xi32, #tpu.memory_space<vmem>>
    %dma_wait3A_769 = tpu.memref_squeeze %dma_wait3A_768 : memref<1x128xi32, #tpu.memory_space<vmem>> -> memref<128xi32, #tpu.memory_space<vmem>>
    %dma_wait3A_770 = arith.constant 0 : i32
    %dma_wait3A_771 = tpu.memref_slice %arg5[%dma_wait3A_770] : memref<16777216xf32, #tpu.memory_space<hbm>> -> memref<16777216xf32, #tpu.memory_space<hbm>>
    tpu.wait_indirect_dma semaphore(%arg11 : memref<!tpu.dma_semaphore, #tpu.memory_space<semaphore_mem>>) src(%dma_wait3A_766 : memref<128xf32, #tpu.memory_space<vmem>>) dst(%dma_wait3A_771 : memref<16777216xf32, #tpu.memory_space<hbm>>)
    %dma_wait3A_772 = arith.constant 8 : i32
    %dma_wait3A_773 = arith.constant 1024 : i32
    %dma_wait3A_774 = tpu.memref_slice %arg9[%dma_wait3A_773] : memref<2048xf32, #tpu.memory_space<vmem>> -> memref<128xf32, #tpu.memory_space<vmem>>
    %dma_wait3A_775 = arith.constant 0 : i32
    %dma_wait3A_776 = tpu.memref_slice %arg8[%dma_wait3A_772, %dma_wait3A_775] : memref<16x128xi32, #tpu.memory_space<vmem>> -> memref<1x128xi32, #tpu.memory_space<vmem>>
    %dma_wait3A_777 = tpu.memref_squeeze %dma_wait3A_776 : memref<1x128xi32, #tpu.memory_space<vmem>> -> memref<128xi32, #tpu.memory_space<vmem>>
    %dma_wait3A_778 = arith.constant 0 : i32
    %dma_wait3A_779 = tpu.memref_slice %arg5[%dma_wait3A_778] : memref<16777216xf32, #tpu.memory_space<hbm>> -> memref<16777216xf32, #tpu.memory_space<hbm>>
    tpu.wait_indirect_dma semaphore(%arg11 : memref<!tpu.dma_semaphore, #tpu.memory_space<semaphore_mem>>) src(%dma_wait3A_774 : memref<128xf32, #tpu.memory_space<vmem>>) dst(%dma_wait3A_779 : memref<16777216xf32, #tpu.memory_space<hbm>>)
    %dma_wait3A_780 = arith.constant 9 : i32
    %dma_wait3A_781 = arith.constant 1152 : i32
    %dma_wait3A_782 = tpu.memref_slice %arg9[%dma_wait3A_781] : memref<2048xf32, #tpu.memory_space<vmem>> -> memref<128xf32, #tpu.memory_space<vmem>>
    %dma_wait3A_783 = arith.constant 0 : i32
    %dma_wait3A_784 = tpu.memref_slice %arg8[%dma_wait3A_780, %dma_wait3A_783] : memref<16x128xi32, #tpu.memory_space<vmem>> -> memref<1x128xi32, #tpu.memory_space<vmem>>
    %dma_wait3A_785 = tpu.memref_squeeze %dma_wait3A_784 : memref<1x128xi32, #tpu.memory_space<vmem>> -> memref<128xi32, #tpu.memory_space<vmem>>
    %dma_wait3A_786 = arith.constant 0 : i32
    %dma_wait3A_787 = tpu.memref_slice %arg5[%dma_wait3A_786] : memref<16777216xf32, #tpu.memory_space<hbm>> -> memref<16777216xf32, #tpu.memory_space<hbm>>
    tpu.wait_indirect_dma semaphore(%arg11 : memref<!tpu.dma_semaphore, #tpu.memory_space<semaphore_mem>>) src(%dma_wait3A_782 : memref<128xf32, #tpu.memory_space<vmem>>) dst(%dma_wait3A_787 : memref<16777216xf32, #tpu.memory_space<hbm>>)
    %dma_wait3A_788 = arith.constant 10 : i32
    %dma_wait3A_789 = arith.constant 1280 : i32
    %dma_wait3A_790 = tpu.memref_slice %arg9[%dma_wait3A_789] : memref<2048xf32, #tpu.memory_space<vmem>> -> memref<128xf32, #tpu.memory_space<vmem>>
    %dma_wait3A_791 = arith.constant 0 : i32
    %dma_wait3A_792 = tpu.memref_slice %arg8[%dma_wait3A_788, %dma_wait3A_791] : memref<16x128xi32, #tpu.memory_space<vmem>> -> memref<1x128xi32, #tpu.memory_space<vmem>>
    %dma_wait3A_793 = tpu.memref_squeeze %dma_wait3A_792 : memref<1x128xi32, #tpu.memory_space<vmem>> -> memref<128xi32, #tpu.memory_space<vmem>>
    %dma_wait3A_794 = arith.constant 0 : i32
    %dma_wait3A_795 = tpu.memref_slice %arg5[%dma_wait3A_794] : memref<16777216xf32, #tpu.memory_space<hbm>> -> memref<16777216xf32, #tpu.memory_space<hbm>>
    tpu.wait_indirect_dma semaphore(%arg11 : memref<!tpu.dma_semaphore, #tpu.memory_space<semaphore_mem>>) src(%dma_wait3A_790 : memref<128xf32, #tpu.memory_space<vmem>>) dst(%dma_wait3A_795 : memref<16777216xf32, #tpu.memory_space<hbm>>)
    %dma_wait3A_796 = arith.constant 11 : i32
    %dma_wait3A_797 = arith.constant 1408 : i32
    %dma_wait3A_798 = tpu.memref_slice %arg9[%dma_wait3A_797] : memref<2048xf32, #tpu.memory_space<vmem>> -> memref<128xf32, #tpu.memory_space<vmem>>
    %dma_wait3A_799 = arith.constant 0 : i32
    %dma_wait3A_800 = tpu.memref_slice %arg8[%dma_wait3A_796, %dma_wait3A_799] : memref<16x128xi32, #tpu.memory_space<vmem>> -> memref<1x128xi32, #tpu.memory_space<vmem>>
    %dma_wait3A_801 = tpu.memref_squeeze %dma_wait3A_800 : memref<1x128xi32, #tpu.memory_space<vmem>> -> memref<128xi32, #tpu.memory_space<vmem>>
    %dma_wait3A_802 = arith.constant 0 : i32
    %dma_wait3A_803 = tpu.memref_slice %arg5[%dma_wait3A_802] : memref<16777216xf32, #tpu.memory_space<hbm>> -> memref<16777216xf32, #tpu.memory_space<hbm>>
    tpu.wait_indirect_dma semaphore(%arg11 : memref<!tpu.dma_semaphore, #tpu.memory_space<semaphore_mem>>) src(%dma_wait3A_798 : memref<128xf32, #tpu.memory_space<vmem>>) dst(%dma_wait3A_803 : memref<16777216xf32, #tpu.memory_space<hbm>>)
    %dma_wait3A_804 = arith.constant 12 : i32
    %dma_wait3A_805 = arith.constant 1536 : i32
    %dma_wait3A_806 = tpu.memref_slice %arg9[%dma_wait3A_805] : memref<2048xf32, #tpu.memory_space<vmem>> -> memref<128xf32, #tpu.memory_space<vmem>>
    %dma_wait3A_807 = arith.constant 0 : i32
    %dma_wait3A_808 = tpu.memref_slice %arg8[%dma_wait3A_804, %dma_wait3A_807] : memref<16x128xi32, #tpu.memory_space<vmem>> -> memref<1x128xi32, #tpu.memory_space<vmem>>
    %dma_wait3A_809 = tpu.memref_squeeze %dma_wait3A_808 : memref<1x128xi32, #tpu.memory_space<vmem>> -> memref<128xi32, #tpu.memory_space<vmem>>
    %dma_wait3A_810 = arith.constant 0 : i32
    %dma_wait3A_811 = tpu.memref_slice %arg5[%dma_wait3A_810] : memref<16777216xf32, #tpu.memory_space<hbm>> -> memref<16777216xf32, #tpu.memory_space<hbm>>
    tpu.wait_indirect_dma semaphore(%arg11 : memref<!tpu.dma_semaphore, #tpu.memory_space<semaphore_mem>>) src(%dma_wait3A_806 : memref<128xf32, #tpu.memory_space<vmem>>) dst(%dma_wait3A_811 : memref<16777216xf32, #tpu.memory_space<hbm>>)
    %dma_wait3A_812 = arith.constant 13 : i32
    %dma_wait3A_813 = arith.constant 1664 : i32
    %dma_wait3A_814 = tpu.memref_slice %arg9[%dma_wait3A_813] : memref<2048xf32, #tpu.memory_space<vmem>> -> memref<128xf32, #tpu.memory_space<vmem>>
    %dma_wait3A_815 = arith.constant 0 : i32
    %dma_wait3A_816 = tpu.memref_slice %arg8[%dma_wait3A_812, %dma_wait3A_815] : memref<16x128xi32, #tpu.memory_space<vmem>> -> memref<1x128xi32, #tpu.memory_space<vmem>>
    %dma_wait3A_817 = tpu.memref_squeeze %dma_wait3A_816 : memref<1x128xi32, #tpu.memory_space<vmem>> -> memref<128xi32, #tpu.memory_space<vmem>>
    %dma_wait3A_818 = arith.constant 0 : i32
    %dma_wait3A_819 = tpu.memref_slice %arg5[%dma_wait3A_818] : memref<16777216xf32, #tpu.memory_space<hbm>> -> memref<16777216xf32, #tpu.memory_space<hbm>>
    tpu.wait_indirect_dma semaphore(%arg11 : memref<!tpu.dma_semaphore, #tpu.memory_space<semaphore_mem>>) src(%dma_wait3A_814 : memref<128xf32, #tpu.memory_space<vmem>>) dst(%dma_wait3A_819 : memref<16777216xf32, #tpu.memory_space<hbm>>)
    %dma_wait3A_820 = arith.constant 14 : i32
    %dma_wait3A_821 = arith.constant 1792 : i32
    %dma_wait3A_822 = tpu.memref_slice %arg9[%dma_wait3A_821] : memref<2048xf32, #tpu.memory_space<vmem>> -> memref<128xf32, #tpu.memory_space<vmem>>
    %dma_wait3A_823 = arith.constant 0 : i32
    %dma_wait3A_824 = tpu.memref_slice %arg8[%dma_wait3A_820, %dma_wait3A_823] : memref<16x128xi32, #tpu.memory_space<vmem>> -> memref<1x128xi32, #tpu.memory_space<vmem>>
    %dma_wait3A_825 = tpu.memref_squeeze %dma_wait3A_824 : memref<1x128xi32, #tpu.memory_space<vmem>> -> memref<128xi32, #tpu.memory_space<vmem>>
    %dma_wait3A_826 = arith.constant 0 : i32
    %dma_wait3A_827 = tpu.memref_slice %arg5[%dma_wait3A_826] : memref<16777216xf32, #tpu.memory_space<hbm>> -> memref<16777216xf32, #tpu.memory_space<hbm>>
    tpu.wait_indirect_dma semaphore(%arg11 : memref<!tpu.dma_semaphore, #tpu.memory_space<semaphore_mem>>) src(%dma_wait3A_822 : memref<128xf32, #tpu.memory_space<vmem>>) dst(%dma_wait3A_827 : memref<16777216xf32, #tpu.memory_space<hbm>>)
    %dma_wait3A_828 = arith.constant 15 : i32
    %dma_wait3A_829 = arith.constant 1920 : i32
    %dma_wait3A_830 = tpu.memref_slice %arg9[%dma_wait3A_829] : memref<2048xf32, #tpu.memory_space<vmem>> -> memref<128xf32, #tpu.memory_space<vmem>>
    %dma_wait3A_831 = arith.constant 0 : i32
    %dma_wait3A_832 = tpu.memref_slice %arg8[%dma_wait3A_828, %dma_wait3A_831] : memref<16x128xi32, #tpu.memory_space<vmem>> -> memref<1x128xi32, #tpu.memory_space<vmem>>
    %dma_wait3A_833 = tpu.memref_squeeze %dma_wait3A_832 : memref<1x128xi32, #tpu.memory_space<vmem>> -> memref<128xi32, #tpu.memory_space<vmem>>
    %dma_wait3A_834 = arith.constant 0 : i32
    %dma_wait3A_835 = tpu.memref_slice %arg5[%dma_wait3A_834] : memref<16777216xf32, #tpu.memory_space<hbm>> -> memref<16777216xf32, #tpu.memory_space<hbm>>
    tpu.wait_indirect_dma semaphore(%arg11 : memref<!tpu.dma_semaphore, #tpu.memory_space<semaphore_mem>>) src(%dma_wait3A_830 : memref<128xf32, #tpu.memory_space<vmem>>) dst(%dma_wait3A_835 : memref<16777216xf32, #tpu.memory_space<hbm>>)
    return
  }
}

#map = affine_map<(d0, d1) -> (0)>
#map1 = affine_map<(d0, d1) -> (0, 0)>
module attributes {stable_mosaic.version = 14 : i64} {
  func.func @_hist_body(%arg0: i32, %arg1: i32, %arg2: memref<16777216xi32, #tpu.memory_space<hbm>>, %arg3: memref<32x65536xi32, #tpu.memory_space<hbm>>, %arg4: memref<65536xi32, #tpu.memory_space<vmem>>, %arg5: memref<8192xi32, #tpu.memory_space<vmem>>, %arg6: memref<!tpu.dma_semaphore, #tpu.memory_space<semaphore_mem>>) attributes {dimension_semantics = [#tpu.dimension_semantics<core_parallel>, #tpu.dimension_semantics<subcore_parallel>], iteration_bounds = array<i64: 2, 16>, scalar_prefetch = 0 : i64, scratch_operands = 3 : i64, tpu.core_type = #tpu.core_type<sc_vector_subcore>, window_params = [{transform_indices = #map}, {transform_indices = #map1}]} {
    %mul3A = arith.constant 2 : i32
    %mul3A_0 = arith.muli %arg1, %mul3A : i32
    %add3A = arith.addi %mul3A_0, %arg0 : i32
    %mul3A_1 = arith.constant 524288 : i32
    %mul3A_2 = arith.muli %add3A, %mul3A_1 : i32
    %broadcast_in_dim3A = arith.constant 0 : i32
    %broadcast_in_dim3A_3 = vector.broadcast %broadcast_in_dim3A : i32 to vector<16xi32>
    %scan3A = arith.constant 0 : i32
    %scan3A_4 = arith.constant 0 : i32
    %scan3A_5 = arith.constant 4096 : i32
    %scan3A_6 = arith.addi %scan3A_4, %scan3A_5 : i32
    %scan3A_7 = arith.constant 1 : i32
    scf.for %scan3A_18 = %scan3A_4 to %scan3A_6 step %scan3A_7  : i32 {
      %mul3A_19 = arith.constant 16 : i32
      %mul3A_20 = arith.muli %scan3A_18, %mul3A_19 : i32
      %swap3A = arith.index_cast %mul3A_20 : i32 to index
      %swap3A_21 = tpu.vector_load %arg4[%swap3A] {strides = array<i32>} : memref<65536xi32, #tpu.memory_space<vmem>>, vector<16xi32>,
      tpu.vector_store %arg4[%swap3A], %broadcast_in_dim3A_3 {strides = array<i32>} : memref<65536xi32, #tpu.memory_space<vmem>>, vector<16xi32>,
    }
    %scan3A_8 = arith.constant 4096 : i32
    %scan3A_9 = arith.constant 0 : i32
    %scan3A_10 = arith.constant 0 : i32
    %scan3A_11 = arith.constant 64 : i32
    %scan3A_12 = arith.addi %scan3A_10, %scan3A_11 : i32
    %scan3A_13 = arith.constant 1 : i32
    scf.for %scan3A_18 = %scan3A_10 to %scan3A_12 step %scan3A_13  : i32 {
      %mul3A_19 = arith.constant 8192 : i32
      %mul3A_20 = arith.muli %scan3A_18, %mul3A_19 : i32
      %add3A_21 = arith.addi %mul3A_2, %mul3A_20 : i32
      "tpu.region"() ({
        %run_scoped3A = tpu.sem_alloc : memref<!tpu.dma_semaphore, #tpu.memory_space<semaphore_mem>>
        %dma_start3A = tpu.memref_slice %arg2[%add3A_21] : memref<16777216xi32, #tpu.memory_space<hbm>> -> memref<8192xi32, #tpu.memory_space<hbm>>
        %dma_start3A_27 = tpu.memref_slice %arg2[%add3A_21] : memref<16777216xi32, #tpu.memory_space<hbm>> -> memref<8192xi32, #tpu.memory_space<hbm>>
        tpu.enqueue_dma source(%dma_start3A_27 : memref<8192xi32, #tpu.memory_space<hbm>>) target(%arg5 : memref<8192xi32, #tpu.memory_space<vmem>>) target_semaphore(%run_scoped3A : memref<!tpu.dma_semaphore, #tpu.memory_space<semaphore_mem>>)
        %dma_wait3A = tpu.memref_slice %arg2[%add3A_21] : memref<16777216xi32, #tpu.memory_space<hbm>> -> memref<8192xi32, #tpu.memory_space<hbm>>
        %dma_wait3A_28 = tpu.memref_slice %arg2[%add3A_21] : memref<16777216xi32, #tpu.memory_space<hbm>> -> memref<8192xi32, #tpu.memory_space<hbm>>
        tpu.wait_dma2 semaphore(%run_scoped3A : memref<!tpu.dma_semaphore, #tpu.memory_space<semaphore_mem>>) src(%dma_wait3A_28 : memref<8192xi32, #tpu.memory_space<hbm>>) dst(%arg5 : memref<8192xi32, #tpu.memory_space<vmem>>)
        tpu.yield
      }) : () -> ()
      %scan3A_22 = arith.constant 0 : i32
      %scan3A_23 = arith.constant 512 : i32
      %scan3A_24 = arith.addi %scan3A_22, %scan3A_23 : i32
      %scan3A_25 = arith.constant 1 : i32
      scf.for %scan3A_27 = %scan3A_22 to %scan3A_24 step %scan3A_25  : i32 {
        %mul3A_28 = arith.constant 16 : i32
        %mul3A_29 = arith.muli %scan3A_27, %mul3A_28 : i32
        %get3A = arith.index_cast %mul3A_29 : i32 to index
        %get3A_30 = tpu.vector_load %arg5[%get3A] {strides = array<i32>} : memref<8192xi32, #tpu.memory_space<vmem>>, vector<16xi32>,
        %shift_right_logical3A = arith.constant 16 : i32
        %shift_right_logical3A_31 = vector.broadcast %shift_right_logical3A : i32 to vector<16xi32>
        %shift_right_logical3A_32 = arith.shrui %get3A_30, %shift_right_logical3A_31 : vector<16xi32>
        %broadcast_in_dim3A_33 = arith.constant true
        %broadcast_in_dim3A_34 = vector.broadcast %broadcast_in_dim3A_33 : i1 to vector<16xi1>
        %unique3A, %unique3A_35 = tpu.scan_count mask(%broadcast_in_dim3A_34 : vector<16xi1>) value(%shift_right_logical3A_32 : vector<16xi32>) : vector<16xi1>, vector<16xi32>
        tpu.vector_store_idx %arg4[%shift_right_logical3A_32], %unique3A_35 masked %unique3A {add = true} : memref<65536xi32, #tpu.memory_space<vmem>>[vector<16xi32>], vector<16xi32>, vector<16xi1>
      }
      %scan3A_26 = arith.constant 512 : i32
    }
    %scan3A_14 = arith.constant 64 : i32
    %mul3A_15 = arith.constant 2 : i32
    %mul3A_16 = arith.muli %arg1, %mul3A_15 : i32
    %add3A_17 = arith.addi %mul3A_16, %arg0 : i32
    "tpu.region"() ({
      %run_scoped3A = tpu.sem_alloc : memref<!tpu.dma_semaphore, #tpu.memory_space<semaphore_mem>>
      %dma_start3A = arith.constant 0 : i32
      %dma_start3A_18 = tpu.memref_slice %arg3[%add3A_17, %dma_start3A] : memref<32x65536xi32, #tpu.memory_space<hbm>> -> memref<1x65536xi32, #tpu.memory_space<hbm>>
      %dma_start3A_19 = tpu.memref_squeeze %dma_start3A_18 : memref<1x65536xi32, #tpu.memory_space<hbm>> -> memref<65536xi32, #tpu.memory_space<hbm>>
      %dma_start3A_20 = arith.constant 0 : i32
      %dma_start3A_21 = tpu.memref_slice %arg3[%add3A_17, %dma_start3A_20] : memref<32x65536xi32, #tpu.memory_space<hbm>> -> memref<1x65536xi32, #tpu.memory_space<hbm>>
      %dma_start3A_22 = tpu.memref_squeeze %dma_start3A_21 : memref<1x65536xi32, #tpu.memory_space<hbm>> -> memref<65536xi32, #tpu.memory_space<hbm>>
      tpu.enqueue_dma source(%arg4 : memref<65536xi32, #tpu.memory_space<vmem>>) target(%dma_start3A_22 : memref<65536xi32, #tpu.memory_space<hbm>>) target_semaphore(%run_scoped3A : memref<!tpu.dma_semaphore, #tpu.memory_space<semaphore_mem>>)
      %dma_wait3A = arith.constant 0 : i32
      %dma_wait3A_23 = tpu.memref_slice %arg3[%add3A_17, %dma_wait3A] : memref<32x65536xi32, #tpu.memory_space<hbm>> -> memref<1x65536xi32, #tpu.memory_space<hbm>>
      %dma_wait3A_24 = tpu.memref_squeeze %dma_wait3A_23 : memref<1x65536xi32, #tpu.memory_space<hbm>> -> memref<65536xi32, #tpu.memory_space<hbm>>
      %dma_wait3A_25 = arith.constant 0 : i32
      %dma_wait3A_26 = tpu.memref_slice %arg3[%add3A_17, %dma_wait3A_25] : memref<32x65536xi32, #tpu.memory_space<hbm>> -> memref<1x65536xi32, #tpu.memory_space<hbm>>
      %dma_wait3A_27 = tpu.memref_squeeze %dma_wait3A_26 : memref<1x65536xi32, #tpu.memory_space<hbm>> -> memref<65536xi32, #tpu.memory_space<hbm>>
      tpu.wait_dma2 semaphore(%run_scoped3A : memref<!tpu.dma_semaphore, #tpu.memory_space<semaphore_mem>>) src(%arg4 : memref<65536xi32, #tpu.memory_space<vmem>>) dst(%dma_wait3A_27 : memref<65536xi32, #tpu.memory_space<hbm>>)
      tpu.yield
    }) : () -> ()
    return
  }
}

#map = affine_map<(d0, d1) -> (0)>
#map1 = affine_map<(d0, d1) -> (0, 0)>
module attributes {stable_mosaic.version = 14 : i64} {
  func.func @_compact_body(%arg0: i32, %arg1: i32, %arg2: memref<16777216xi32, #tpu.memory_space<hbm>>, %arg3: memref<16xi32, #tpu.memory_space<hbm>>, %arg4: memref<32x4096xi32, #tpu.memory_space<hbm>>, %arg5: memref<32x4096xi32, #tpu.memory_space<hbm>>, %arg6: memref<4096xi32, #tpu.memory_space<vmem>>, %arg7: memref<4096xi32, #tpu.memory_space<vmem>>, %arg8: memref<8192xi32, #tpu.memory_space<vmem>>, %arg9: memref<16xi32, #tpu.memory_space<vmem>>, %arg10: memref<!tpu.dma_semaphore, #tpu.memory_space<semaphore_mem>>) attributes {dimension_semantics = [#tpu.dimension_semantics<core_parallel>, #tpu.dimension_semantics<subcore_parallel>], iteration_bounds = array<i64: 2, 16>, scalar_prefetch = 0 : i64, scratch_operands = 5 : i64, tpu.core_type = #tpu.core_type<sc_vector_subcore>, window_params = [{transform_indices = #map}, {transform_indices = #map}, {transform_indices = #map1}, {transform_indices = #map1}]} {
    %mul3A = arith.constant 2 : i32
    %mul3A_0 = arith.muli %arg1, %mul3A : i32
    %add3A = arith.addi %mul3A_0, %arg0 : i32
    %mul3A_1 = arith.constant 524288 : i32
    %mul3A_2 = arith.muli %add3A, %mul3A_1 : i32
    "tpu.region"() ({
      %run_scoped3A = tpu.sem_alloc : memref<!tpu.dma_semaphore, #tpu.memory_space<semaphore_mem>>
      tpu.enqueue_dma source(%arg3 : memref<16xi32, #tpu.memory_space<hbm>>) target(%arg9 : memref<16xi32, #tpu.memory_space<vmem>>) target_semaphore(%run_scoped3A : memref<!tpu.dma_semaphore, #tpu.memory_space<semaphore_mem>>)
      tpu.wait_dma2 semaphore(%run_scoped3A : memref<!tpu.dma_semaphore, #tpu.memory_space<semaphore_mem>>) src(%arg3 : memref<16xi32, #tpu.memory_space<hbm>>) dst(%arg9 : memref<16xi32, #tpu.memory_space<vmem>>)
      tpu.yield
    }) : () -> ()
    %get3A = arith.constant 0 : index
    %get3A_3 = tpu.vector_load %arg9[%get3A] {strides = array<i32>} : memref<16xi32, #tpu.memory_space<vmem>>, vector<16xi32>,
    %broadcast_in_dim3A = arith.constant 0 : i32
    %broadcast_in_dim3A_4 = vector.broadcast %broadcast_in_dim3A : i32 to vector<16xi32>
    %iota3A = tpu.iota {dimensions = array<i32: 0>} : vector<16xi32>
    %sub3A = arith.constant 1 : i32
    %sub3A_5 = vector.broadcast %sub3A : i32 to vector<16xi32>
    %sub3A_6 = arith.subi %broadcast_in_dim3A_4, %sub3A_5 : vector<16xi32>
    %scan3A = arith.constant 0 : i32
    %scan3A_7 = arith.constant 0 : i32
    %scan3A_8 = arith.constant 256 : i32
    %scan3A_9 = arith.addi %scan3A_7, %scan3A_8 : i32
    %scan3A_10 = arith.constant 1 : i32
    scf.for %scan3A_19 = %scan3A_7 to %scan3A_9 step %scan3A_10  : i32 {
      %mul3A_20 = arith.constant 16 : i32
      %mul3A_21 = arith.muli %scan3A_19, %mul3A_20 : i32
      %swap3A = arith.index_cast %mul3A_21 : i32 to index
      %swap3A_22 = tpu.vector_load %arg6[%swap3A] {strides = array<i32>} : memref<4096xi32, #tpu.memory_space<vmem>>, vector<16xi32>,
      tpu.vector_store %arg6[%swap3A], %sub3A_6 {strides = array<i32>} : memref<4096xi32, #tpu.memory_space<vmem>>, vector<16xi32>,
      %mul3A_23 = arith.constant 16 : i32
      %mul3A_24 = arith.muli %scan3A_19, %mul3A_23 : i32
      %swap3A_25 = arith.index_cast %mul3A_24 : i32 to index
      %swap3A_26 = tpu.vector_load %arg7[%swap3A_25] {strides = array<i32>} : memref<4096xi32, #tpu.memory_space<vmem>>, vector<16xi32>,
      tpu.vector_store %arg7[%swap3A_25], %broadcast_in_dim3A_4 {strides = array<i32>} : memref<4096xi32, #tpu.memory_space<vmem>>, vector<16xi32>,
    }
    %scan3A_11 = arith.constant 256 : i32
    %scan3A_12 = arith.constant 0 : i32
    %scan3A_13 = arith.constant 0 : i32
    %scan3A_14 = arith.constant 64 : i32
    %scan3A_15 = arith.addi %scan3A_13, %scan3A_14 : i32
    %scan3A_16 = arith.constant 1 : i32
    %scan3A_17 = scf.for %scan3A_19 = %scan3A_13 to %scan3A_15 step %scan3A_16 iter_args(%scan3A_20 = %scan3A_12) -> (i32)  : i32 {
      %mul3A_21 = arith.constant 8192 : i32
      %mul3A_22 = arith.muli %scan3A_19, %mul3A_21 : i32
      %add3A_23 = arith.addi %mul3A_2, %mul3A_22 : i32
      "tpu.region"() ({
        %run_scoped3A = tpu.sem_alloc : memref<!tpu.dma_semaphore, #tpu.memory_space<semaphore_mem>>
        %dma_start3A = tpu.memref_slice %arg2[%add3A_23] : memref<16777216xi32, #tpu.memory_space<hbm>> -> memref<8192xi32, #tpu.memory_space<hbm>>
        %dma_start3A_30 = tpu.memref_slice %arg2[%add3A_23] : memref<16777216xi32, #tpu.memory_space<hbm>> -> memref<8192xi32, #tpu.memory_space<hbm>>
        tpu.enqueue_dma source(%dma_start3A_30 : memref<8192xi32, #tpu.memory_space<hbm>>) target(%arg8 : memref<8192xi32, #tpu.memory_space<vmem>>) target_semaphore(%run_scoped3A : memref<!tpu.dma_semaphore, #tpu.memory_space<semaphore_mem>>)
        %dma_wait3A = tpu.memref_slice %arg2[%add3A_23] : memref<16777216xi32, #tpu.memory_space<hbm>> -> memref<8192xi32, #tpu.memory_space<hbm>>
        %dma_wait3A_31 = tpu.memref_slice %arg2[%add3A_23] : memref<16777216xi32, #tpu.memory_space<hbm>> -> memref<8192xi32, #tpu.memory_space<hbm>>
        tpu.wait_dma2 semaphore(%run_scoped3A : memref<!tpu.dma_semaphore, #tpu.memory_space<semaphore_mem>>) src(%dma_wait3A_31 : memref<8192xi32, #tpu.memory_space<hbm>>) dst(%arg8 : memref<8192xi32, #tpu.memory_space<vmem>>)
        tpu.yield
      }) : () -> ()
      %scan3A_24 = arith.constant 0 : i32
      %scan3A_25 = arith.constant 512 : i32
      %scan3A_26 = arith.addi %scan3A_24, %scan3A_25 : i32
      %scan3A_27 = arith.constant 1 : i32
      %scan3A_28 = scf.for %scan3A_30 = %scan3A_24 to %scan3A_26 step %scan3A_27 iter_args(%scan3A_31 = %scan3A_20) -> (i32)  : i32 {
        %mul3A_32 = arith.constant 16 : i32
        %mul3A_33 = arith.muli %scan3A_30, %mul3A_32 : i32
        %get3A_34 = arith.index_cast %mul3A_33 : i32 to index
        %get3A_35 = tpu.vector_load %arg8[%get3A_34] {strides = array<i32>} : memref<8192xi32, #tpu.memory_space<vmem>>, vector<16xi32>,
        %shift_right_logical3A = arith.constant 16 : i32
        %shift_right_logical3A_36 = vector.broadcast %shift_right_logical3A : i32 to vector<16xi32>
        %shift_right_logical3A_37 = arith.shrui %get3A_35, %shift_right_logical3A_36 : vector<16xi32>
        %le3A = arith.cmpi sle, %shift_right_logical3A_37, %get3A_3 : vector<16xi32>
        %jit3A = arith.constant 1 : i32
        %jit3A_38 = arith.constant 0 : i32
        %broadcast_in_dim3A_39 = vector.broadcast %jit3A : i32 to vector<16xi32>
        %broadcast_in_dim3A_40 = vector.broadcast %jit3A_38 : i32 to vector<16xi32>
        %select_n3A = arith.select %le3A, %broadcast_in_dim3A_39, %broadcast_in_dim3A_40 : vector<16xi1>, vector<16xi32>
        %broadcast_in_dim3A_41 = arith.constant true
        %broadcast_in_dim3A_42 = vector.broadcast %broadcast_in_dim3A_41 : i1 to vector<16xi1>
        %masked_cumsum3A = tpu.scan <sum>, %select_n3A masked %broadcast_in_dim3A_42 : vector<16xi32>, vector<16xi1> -> vector<16xi32>
        %add3A_43 = vector.broadcast %scan3A_31 : i32 to vector<16xi32>
        %add3A_44 = arith.addi %add3A_43, %masked_cumsum3A : vector<16xi32>
        %sub3A_45 = arith.constant 1 : i32
        %sub3A_46 = vector.broadcast %sub3A_45 : i32 to vector<16xi32>
        %sub3A_47 = arith.subi %add3A_44, %sub3A_46 : vector<16xi32>
        %lt3A = arith.constant 4096 : i32
        %lt3A_48 = vector.broadcast %lt3A : i32 to vector<16xi32>
        %lt3A_49 = arith.cmpi slt, %sub3A_47, %lt3A_48 : vector<16xi32>
        %and3A = arith.andi %le3A, %lt3A_49 : vector<16xi1>
        tpu.vector_store_idx %arg6[%sub3A_47], %get3A_35 masked %and3A : memref<4096xi32, #tpu.memory_space<vmem>>[vector<16xi32>], vector<16xi32>, vector<16xi1>
        %mul3A_50 = arith.constant 8192 : i32
        %mul3A_51 = arith.muli %scan3A_19, %mul3A_50 : i32
        %add3A_52 = arith.addi %mul3A_2, %mul3A_51 : i32
        %mul3A_53 = arith.constant 16 : i32
        %mul3A_54 = arith.muli %scan3A_30, %mul3A_53 : i32
        %add3A_55 = arith.addi %add3A_52, %mul3A_54 : i32
        %add3A_56 = vector.broadcast %add3A_55 : i32 to vector<16xi32>
        %add3A_57 = arith.addi %add3A_56, %iota3A : vector<16xi32>
        tpu.vector_store_idx %arg7[%sub3A_47], %add3A_57 masked %and3A : memref<4096xi32, #tpu.memory_space<vmem>>[vector<16xi32>], vector<16xi32>, vector<16xi1>
        %reduce_sum3A = arith.constant true
        %reduce_sum3A_58 = vector.broadcast %reduce_sum3A : i1 to vector<16xi1>
        %reduce_sum3A_59 = tpu.scan <sum>, %select_n3A masked %reduce_sum3A_58 : vector<16xi32>, vector<16xi1> -> vector<16xi32>
        %reduce_sum3A_60 = vector.extract %reduce_sum3A_59[15] : i32 from vector<16xi32>
        %add3A_61 = arith.addi %scan3A_31, %reduce_sum3A_60 : i32
        scf.yield %add3A_61 : i32
      }
      %scan3A_29 = arith.constant 512 : i32
      scf.yield %scan3A_28 : i32
    }
    %scan3A_18 = arith.constant 64 : i32
    "tpu.region"() ({
      %run_scoped3A = tpu.sem_alloc : memref<!tpu.dma_semaphore, #tpu.memory_space<semaphore_mem>>
      %dma_start3A = arith.constant 0 : i32
      %dma_start3A_19 = tpu.memref_slice %arg4[%add3A, %dma_start3A] : memref<32x4096xi32, #tpu.memory_space<hbm>> -> memref<1x4096xi32, #tpu.memory_space<hbm>>
      %dma_start3A_20 = tpu.memref_squeeze %dma_start3A_19 : memref<1x4096xi32, #tpu.memory_space<hbm>> -> memref<4096xi32, #tpu.memory_space<hbm>>
      %dma_start3A_21 = arith.constant 0 : i32
      %dma_start3A_22 = tpu.memref_slice %arg4[%add3A, %dma_start3A_21] : memref<32x4096xi32, #tpu.memory_space<hbm>> -> memref<1x4096xi32, #tpu.memory_space<hbm>>
      %dma_start3A_23 = tpu.memref_squeeze %dma_start3A_22 : memref<1x4096xi32, #tpu.memory_space<hbm>> -> memref<4096xi32, #tpu.memory_space<hbm>>
      tpu.enqueue_dma source(%arg6 : memref<4096xi32, #tpu.memory_space<vmem>>) target(%dma_start3A_23 : memref<4096xi32, #tpu.memory_space<hbm>>) target_semaphore(%run_scoped3A : memref<!tpu.dma_semaphore, #tpu.memory_space<semaphore_mem>>)
      %dma_wait3A = arith.constant 0 : i32
      %dma_wait3A_24 = tpu.memref_slice %arg4[%add3A, %dma_wait3A] : memref<32x4096xi32, #tpu.memory_space<hbm>> -> memref<1x4096xi32, #tpu.memory_space<hbm>>
      %dma_wait3A_25 = tpu.memref_squeeze %dma_wait3A_24 : memref<1x4096xi32, #tpu.memory_space<hbm>> -> memref<4096xi32, #tpu.memory_space<hbm>>
      %dma_wait3A_26 = arith.constant 0 : i32
      %dma_wait3A_27 = tpu.memref_slice %arg4[%add3A, %dma_wait3A_26] : memref<32x4096xi32, #tpu.memory_space<hbm>> -> memref<1x4096xi32, #tpu.memory_space<hbm>>
      %dma_wait3A_28 = tpu.memref_squeeze %dma_wait3A_27 : memref<1x4096xi32, #tpu.memory_space<hbm>> -> memref<4096xi32, #tpu.memory_space<hbm>>
      tpu.wait_dma2 semaphore(%run_scoped3A : memref<!tpu.dma_semaphore, #tpu.memory_space<semaphore_mem>>) src(%arg6 : memref<4096xi32, #tpu.memory_space<vmem>>) dst(%dma_wait3A_28 : memref<4096xi32, #tpu.memory_space<hbm>>)
      tpu.yield
    }) : () -> ()
    "tpu.region"() ({
      %run_scoped3A = tpu.sem_alloc : memref<!tpu.dma_semaphore, #tpu.memory_space<semaphore_mem>>
      %dma_start3A = arith.constant 0 : i32
      %dma_start3A_19 = tpu.memref_slice %arg5[%add3A, %dma_start3A] : memref<32x4096xi32, #tpu.memory_space<hbm>> -> memref<1x4096xi32, #tpu.memory_space<hbm>>
      %dma_start3A_20 = tpu.memref_squeeze %dma_start3A_19 : memref<1x4096xi32, #tpu.memory_space<hbm>> -> memref<4096xi32, #tpu.memory_space<hbm>>
      %dma_start3A_21 = arith.constant 0 : i32
      %dma_start3A_22 = tpu.memref_slice %arg5[%add3A, %dma_start3A_21] : memref<32x4096xi32, #tpu.memory_space<hbm>> -> memref<1x4096xi32, #tpu.memory_space<hbm>>
      %dma_start3A_23 = tpu.memref_squeeze %dma_start3A_22 : memref<1x4096xi32, #tpu.memory_space<hbm>> -> memref<4096xi32, #tpu.memory_space<hbm>>
      tpu.enqueue_dma source(%arg7 : memref<4096xi32, #tpu.memory_space<vmem>>) target(%dma_start3A_23 : memref<4096xi32, #tpu.memory_space<hbm>>) target_semaphore(%run_scoped3A : memref<!tpu.dma_semaphore, #tpu.memory_space<semaphore_mem>>)
      %dma_wait3A = arith.constant 0 : i32
      %dma_wait3A_24 = tpu.memref_slice %arg5[%add3A, %dma_wait3A] : memref<32x4096xi32, #tpu.memory_space<hbm>> -> memref<1x4096xi32, #tpu.memory_space<hbm>>
      %dma_wait3A_25 = tpu.memref_squeeze %dma_wait3A_24 : memref<1x4096xi32, #tpu.memory_space<hbm>> -> memref<4096xi32, #tpu.memory_space<hbm>>
      %dma_wait3A_26 = arith.constant 0 : i32
      %dma_wait3A_27 = tpu.memref_slice %arg5[%add3A, %dma_wait3A_26] : memref<32x4096xi32, #tpu.memory_space<hbm>> -> memref<1x4096xi32, #tpu.memory_space<hbm>>
      %dma_wait3A_28 = tpu.memref_squeeze %dma_wait3A_27 : memref<1x4096xi32, #tpu.memory_space<hbm>> -> memref<4096xi32, #tpu.memory_space<hbm>>
      tpu.wait_dma2 semaphore(%run_scoped3A : memref<!tpu.dma_semaphore, #tpu.memory_space<semaphore_mem>>) src(%arg7 : memref<4096xi32, #tpu.memory_space<vmem>>) dst(%dma_wait3A_28 : memref<4096xi32, #tpu.memory_space<hbm>>)
      tpu.yield
    }) : () -> ()
    return
  }
}

</mosaic_0001>

<sc_bundles>
// kernel: kernel.15.cloned.1.call-start
scs
__scs_entry_jumppad:
0x0: {  	(pc) =	sbr.rel $0x88, $3  }
0x1: {  	(tag) =	ssettag $0x0;
	lr =	simm.s32 $0x1  }
0x2: {  	[smem:$0x3F9F] =	sst lr;
	_ =	strace $0xD0000000  }
0x3: {  	_ = 	snop  }
0x4: {  	_ = 	snop  }
0x5: {  	_ = 	snop  }
0x6: {  	_ = 	snop  }
0x7: {  	_ = 	snop  }
__scs_overlays_trampoline_lowered:
0x8: {  	[smem:$0x3FAE] =	sst s0  }
0x9: {  	[smem:$0x3FAF] =	sst s1  }
0xa: {  	[smem:$0x3FB0] =	sst s2  }
0xb: {  	[smem:$0x3FB1] =	sst s3  }
0xc: {  	[smem:$0x3FB2] =	sst s4  }
0xd: {  	[smem:$0x3FB3] =	sst s5  }
0xe: {  	[smem:$0x3FB4] =	sst s6  }
0xf: {  	[smem:$0x3FB5] =	sst s7  }
0x10: {  	[smem:$0x3FB6] =	sst s8  }
0x11: {  	[smem:$0x3FB7] =	sst s9;
	s0 =	simm.s32 @!p0 $0x0  }
0x12: {  	s1 =	sld [smem:$0x3F9D];
	s0 =	simm.s32 @p0 $0x1  }
0x13: {  	[smem:$0x3FB8] =	sst s0;
	s0 =	simm.s32 @!p1 $0x0  }
0x14: {  	s2 =	sld [smem:$0x3F9C];
	s0 =	simm.s32 @p1 $0x1  }
0x15: {  	[smem:$0x3FB9] =	sst s0;
	s0 =	simm.s32 @!p2 $0x0  }
0x16: {  	s3 =	sld [smem:$0x3FDB];
	s0 =	simm.s32 @p2 $0x1  }
0x17: {  	s4 =	simm.s32 $0x1BF5;
	[smem:$0x3FBB] =	sst s0  }
0x18: {  	s0 =	sld [smem:$0x3F9E];
	_ =	swait.ge [sflag:s4], $0x0  }
0x19: {  	s7 =	sld [smem:$0x3F9F]  }
0x1a: {  	s8 =	sadd.s32 $0xFFFFE003, lr  }
0x1b: {  	s9 =	sadd.s32 $0xFFFFFEF7, lr;
	s5 =	simm.s32 $0xFFFFFFFF;
	p2 =	slt.u32 s8, $0xFFFFF086  }
0x1c: {  	p1 =	slt.u32 s9, $0xF7A;
	s5 =	simm.s32 @!p2 $0x0  }
0x1d: {  	s5 =	simm.s32 @p1 $0x1;
	p0 =	seq.s32 s7, s2  }
0x1e: {  	s7 =	smul.u32 @!p0 $0xF7A, s2;
	p2 =	seq.s32 @!p0 s5, $0x0  }
0x1f: {  	s9 =	smul.u32 $0xF7A, s1;
	s8 =	simm.s32 @!p0 $0x1BF5;
	p2 =	por !p2, p0  }
0x20: {  	[sflag:s8] =	ssyncset.s32 @!p0 $0xFFFFF086;
	s6 =	sadd.s32 @!p0 s3, s7;
	s7 =	simm.s32 @!p0 $0x108  }
0x21: {  	s3 =	sadd.s32 s3, s9;
	s6 =	sadd.s32 @!p0 $0x88, s6;
	s7 =	simm.s32 @p2 $0x1082  }
0x22: {  	[simem:s7], [sflag:s8] =	dma.local @!p0 [hbm:s6], $0xF7A  }
0x23: {  	s9 =	sor.u32 $0xD0000000, s2;
	s6 =	simm.s32 $0x108;
	_ =	swait.ge @!p0 [sflag:s8], $0x0  }
0x24: {  	s3 =	sadd.s32 $0x88, s3;
	s6 =	simm.s32 @!p1 $0x1082;
	[sflag:s4] =	ssyncset.s32 $0xFFFFF086  }
0x25: {  	[simem:s6], [sflag:s4] =	dma.local [hbm:s3], $0xF7A  }
0x26: {  	[smem:$0x3F9F] =	sst s1;
	(tag) =	ssettag s2;
	_ =	strace s9  }
0x27: {  	s1 =	sld [smem:$0x3FAF]  }
0x28: {  	s2 =	sld [smem:$0x3FB0]  }
0x29: {  	s4 =	sld [smem:$0x3FB2]  }
0x2a: {  	p0 =	seq.s32 s5, $0x0;
	s5 =	sld [smem:$0x3FB3]  }
0x2b: {  	s6 =	sld [smem:$0x3FB4]  }
0x2c: {  	s7 =	sld [smem:$0x3FB5]  }
0x2d: {  	s3 =	simm.s32 $0x108;
	s8 =	sld [smem:$0x3FB6]  }
0x2e: {  	s3 =	simm.s32 @!p0 $0x1082;
	s9 =	sld [smem:$0x3FB7]  }
0x2f: {  	lr =	sadd.s32 s0, s3;
	s0 =	sld [smem:$0x3FAE]  }
0x30: {  	s3 =	sld [smem:$0x3FB1]  }
0x31: {  	[smem:$0x3FBA] =	sst s10  }
0x32: {  	s10 =	sld [smem:$0x3FB8];
	_ =	sdelay $0x3  }
0x33: {  	p0 =	seq.s32 s10, $0x1;
	s10 =	sld [smem:$0x3FBA];
	_ =	sdelay $0x3  }
0x34: {  	[smem:$0x3FBA] =	sst s10  }
0x35: {  	s10 =	sld [smem:$0x3FB9];
	_ =	sdelay $0x3  }
0x36: {  	p1 =	seq.s32 s10, $0x1;
	s10 =	sld [smem:$0x3FBA];
	_ =	sdelay $0x3  }
0x37: {  	[smem:$0x3FBA] =	sst s10  }
0x38: {  	s10 =	sld [smem:$0x3FBB]  }
0x39: {  	_ = 	snop;
	(pc) =	sbr.ind lr, $3  }
0x3a: {  	_ = 	snop  }
0x3b: {  	_ = 	snop  }
0x3c: {  	p2 =	seq.s32 s10, $0x1;
	s10 =	sld [smem:$0x3FBA]  }
0x3d: {  	_ =	shalt  }
0x3e: {  	_ =	shalt  }
0x3f: {  	_ =	shalt  }
0x40: {  	_ =	shalt  }
0x41: {  	_ =	shalt  }
0x42: {  	_ =	shalt  }
0x43: {  	_ =	shalt  }
0x44: {  	_ =	shalt  }
0x45: {  	_ =	shalt  }
0x46: {  	_ =	shalt  }
0x47: {  	_ =	shalt  }
0x48: {  	_ =	shalt  }
0x49: {  	_ =	shalt  }
0x4a: {  	_ =	shalt  }
0x4b: {  	_ =	shalt  }
0x4c: {  	_ =	shalt  }
0x4d: {  	_ =	shalt  }
0x4e: {  	_ =	shalt  }
0x4f: {  	_ =	shalt  }
0x50: {  	_ =	shalt  }
0x51: {  	_ =	shalt  }
0x52: {  	_ =	shalt  }
0x53: {  	_ =	shalt  }
0x54: {  	_ =	shalt  }
0x55: {  	_ =	shalt  }
0x56: {  	_ =	shalt  }
0x57: {  	_ =	shalt  }
0x58: {  	_ =	shalt  }
0x59: {  	_ =	shalt  }
0x5a: {  	_ =	shalt  }
0x5b: {  	_ =	shalt  }
0x5c: {  	_ =	shalt  }
0x5d: {  	_ =	shalt  }
0x5e: {  	_ =	shalt  }
0x5f: {  	_ =	shalt  }
0x60: {  	_ =	shalt  }
0x61: {  	_ =	shalt  }
0x62: {  	_ =	shalt  }
0x63: {  	_ =	shalt  }
0x64: {  	_ =	shalt  }
0x65: {  	_ =	shalt  }
0x66: {  	_ =	shalt  }
0x67: {  	_ =	shalt  }
0x68: {  	_ =	shalt  }
0x69: {  	_ =	shalt  }
0x6a: {  	_ =	shalt  }
0x6b: {  	_ =	shalt  }
0x6c: {  	_ =	shalt  }
0x6d: {  	_ =	shalt  }
0x6e: {  	_ =	shalt  }
0x6f: {  	_ =	shalt  }
0x70: {  	_ =	shalt  }
0x71: {  	_ =	shalt  }
0x72: {  	_ =	shalt  }
0x73: {  	_ =	shalt  }
0x74: {  	_ =	shalt  }
0x75: {  	_ =	shalt  }
0x76: {  	_ =	shalt  }
0x77: {  	_ =	shalt  }
0x78: {  	_ =	shalt  }
0x79: {  	_ =	shalt  }
0x7a: {  	_ =	shalt  }
0x7b: {  	_ =	shalt  }
0x7c: {  	_ =	shalt  }
0x7d: {  	_ =	shalt  }
0x7e: {  	_ =	shalt  }
0x7f: {  	_ =	shalt  }
0x80: {  	_ =	shalt  }
0x81: {  	_ =	shalt  }
0x82: {  	_ =	shalt  }
0x83: {  	_ =	shalt  }
0x84: {  	_ =	shalt  }
0x85: {  	_ =	shalt  }
0x86: {  	_ =	shalt  }
0x87: {  	_ =	shalt  }
.Lfunc_end0:
.L_simem_size_0:
called_computation.1_lowered:
.L_overlay_start_0:
0x88: {  	s2 =	sld [smem:$0x3FD9]  }
0x89: {  	s3 =	sld [smem:$0x3FFE];
	_ =	sdelay $0x1  }
0x8a: {  	s1 =	srdreg.scid  }
0x8b: {  	s0 =	sand.u32 $0x1, s1  }
0x8c: {  	s17 =	sshll.u32 s0, $0xA;
	s2 =	sadd.s32 s3, s2  }
0x8d: {  	s2 =	sadd.s32 s2, s17  }
0x8e: {  	[smem:$0x3FC6] =	sst s2  }
0x8f: {  	_ = 	snop  }
0x90: {  	s2 =	sld [smem:$0x3FD0];
	(tm) =	ssettm $0x1  }
0x91: {  	s18 =	sld [smem:$0x3FFB];
	_ =	sdelay $0x3  }
0x92: {  	_ =	strace s18  }
0x93: {  	s3 =	sld [smem:$0x3FFC];
	_ =	sdelay $0x3  }
0x94: {  	_ =	strace s3  }
0x95: {  	s3 =	sld [smem:$0x3FFD];
	_ =	sdelay $0x3  }
0x96: {  	_ =	strace s3  }
0x97: {  	_ =	strace $0x8FFFFFFF  }
0x98: {  	s19 =	sld [smem:$0x3FDB];
	_ =	sdelay $0x1  }
0x99: {  	s4 =	simm.s32 $_scs_section_size  }
0x9a: {  	s5 =	simm.s32 $_size__tile_overlayer_lowered;
	s6 =	simm.s32 $_tile_overlayer_lowered  }
0x9b: {  	s22 =	simm.s32 $0x1BFF;
	s21 =	sshll.u32 s6, $0x1;
	s3 =	sadd.s32 s4, s19  }
0x9c: {  	s7 =	simm.s32 $0x0;
	s20 =	sshll.u32 s5, $0x1;
	s5 =	sadd.s32 s21, s3  }
0x9d: {  	[timem:s7], [sflag:s22] =	dma.local [hbm:s5], s20  }
0x9e: {  	_ =	swait.ge [sflag:s22], s20  }
0x9f: {  	s4 =	ssub.s32 $0x0, s20;
	[sflag:s22] =	ssyncset.done $0x0  }
0xa0: {  	[sflag:s22] =	ssyncadd.s32 s4;
	_ =	sdelay $0x1  }
0xa1: {  	s23 =	simm.s32 $0x1B8B  }
0xa2: {  	_ =	swait.ge [sflag:s23], $0x1  }
0xa3: {  	[sflag:s23] =	ssyncset.done $0x0  }
0xa4: {  	s25 =	simm.s32 $0x1B8E;
	s24 =	sld [smem:$0x3FFE];
	[sflag:s23] =	ssyncadd.s32 $0xFFFFFFFF  }
0xa5: {  	s26 =	simm.s32 $execute0_lowered;
	[smem:$0x3FD2] =	sst s25  }
0xa6: {  	s5 =	sshll.u32 s26, $0x1;
	_ =	strace $0x80000046;
	[dreg:$0x1] =	wrdreg $0xFFFFFFFF  }
0xa7: {  	s28 =	simm.s32 $_size_execute0_lowered;
	s3 =	sadd.s32 s3, s5;
	[dreg:$0x0] =	wrdreg $0x0  }
0xa8: {  	s5 =	sshll.u32 s28, $0x1;
	[dreg:$0x2] =	wrdreg s3  }
0xa9: {  	[dreg:$0x3] =	wrdreg s5  }
0xaa: {  	[dreg:$0x4] =	wrdreg $0xC0  }
0xab: {  	_ =	task [dreg:s7], $0x5FFFF  }
0xac: {  	[dreg:$0x1] =	wrdreg $0xFFFFFFFF  }
0xad: {  	[dreg:$0x0] =	wrdreg $0x60  }
0xae: {  	[dreg:$0x2] =	wrdreg s2  }
0xaf: {  	[dreg:$0x3] =	wrdreg s24  }
0xb0: {  	[dreg:$0x4] =	wrdreg $0x9  }
0xb1: {  	_ =	task.clear_ibuf [dreg:s7], $0x5FFFF;
	_ =	strace $0x90000046  }
0xb2: {  	s29 =	simm.s32 $0x9;
	_ =	strace $0x80000048  }
0xb3: {  	_ =	swait.ge [sflag:s29], $0x1  }
0xb4: {  	[sflag:s29] =	ssyncadd.s32 $0xFFFFFFFF  }
0xb5: {  	_ =	strace $0x90000048  }
0xb6: {  	_ =	sfence  }
0xb7: {  	s30 =	sld [smem:$0x0];
	_ =	sdelay $0x2  }
0xb8: {  	s31 =	sshll.u32 s1, $0xD;
	s1 =	sshrl.u32 s1, $0x2  }
0xb9: {  	s3 =	sand.u32 $0x4000, s31;
	s1 =	sadd.s32 s1, s30  }
0xba: {  	s0 =	sor.u32 s3, s0;
	s1 =	sshll.u32 s1, $0x11  }
0xbb: {  	s0 =	sor.u32 s1, s0  }
0xbc: {  	s0 =	sadd.s32 $0x8F2B, s0  }
0xbd: {  	[sflag:s0] =	ssyncadd.remote.s32 $0x1  }
0xbe: {  	_ =	sfence.sel $0xFFFF  }
0xbf: {  	[dreg:$0x0] =	wrdreg $0xFFFFFFFF;
	(pc) =	sbr.abs _section_cstart, $3  }
0xc0: {  	[dreg:$0x1] =	wrdreg $0xFFFFFFFF  }
0xc1: {  	_ =	task.clear_ibuf [dreg:s7], $0x2FFFF;
	_ =	strace $0x9FFFFFFF  }
0xc2: {  	(tm) =	ssettm $0x7FFFFFFF  }
0xc3: {  	_ =	shalt  }
tec
execute0_lowered:
.L_overlay_start_1:
0x0: {  	(tag) =	ssettag $0x1  }
0x1: {  	s1 =	srdreg.scid;
	s0 =	stileid.u32  }
0x2: {  	s4 =	rddreg [dreg:$0x0];
	s3 =	sand.u32 $0x1, s1;
	s30 =	sshll.u32 s0, $0x1  }
0x3: {  	s6 =	rddreg [dreg:$0x1];
	s1 =	sor.u32 s3, s30  }
0x4: {  	s2 =	simm.s32 $0x0;
	s5 =	sshll.u32 s1, $0x10;
	s1 =	sshll.u32 s1, $0x7  }
0x5: {  	s8 =	simm.s32 $0x80;
	s9 =	simm.s32 $0x400;
	s7 =	sor.u32 s1, s5  }
0x6: {  	s10 =	simm.s32 $0x0;
	s3 =	ssub.s32 $0x2, s3;
	s7 =	sand.u32 $0x180380, s7  }
0x7: {  	[smem:$0x7FF] =	sst s2;
	s31 =	sshrl.u32 s3, $0x1;
	s7 =	sshrl.u32 s7, $0x3  }
0x8: {  	s1 =	rddreg [dreg:$0x2];
	_ =	strace $0x80000047;
	s6 =	sadd.s32 s7, s6  }
0x9: {  	s7 =	ssub.s32 s3, s31;
	s3 =	sadd.s32 s4, s5;
	s4 =	sadd.s32 $0xA00, s6  }
0xa: {  	v0 =	vimm.s32 $0x0;
	s5 =	smax.u32 s7, $0x1;
	s6 =	simm.s32 $0x10000;
	s7 =	simm.s32 $0x1  }
.LBB2_1:
0xb: {  	s11 =	simm.s32 $0x40;
	s12 =	simm.s32 $0x0  }
.LBB2_2:
0xc: {  	p0 =	sne.s32 s11, $0x3FFC0;
	[tilespmem:s12+$0x0] =	vst v0;
	s12 =	smov.u32 s11;
	s11 =	sadd.s32 $0x40, s11  }
.Ltmp0:
0xd: {  	(pc) =	sbr.rel @p0 .LBB2_2-.Ltmp0, $2  }
0xe: {  	_ =	sdelay $0x2  }
0xf: {  	s12 =	sshra.s32 s12, $0x2  }
0x10: {  	[tilespmem:s12+$0x0] =	vst v0;
	s11 =	simm.s32 $0x0;
	s12 =	simm.s32 $0x0  }
.LBB2_4:
0x11: {  	s13 =	sshll.u32 s12, $0xA  }
0x12: {  	s13 =	sadd.s32 s13, s3  }
0x13: {  	[tilespmem:s6], [sflag:$0x1] =	stream.linear.gather [hbm4b:s13+s11], $0x2000, $0x38;
	[tilespmem:$0x12000] =	vst v63  }
0x14: {  	_ =	swait.ge [sflag:s7], $0x2000  }
0x15: {  	[sflag:s7] =	ssyncset.done $0x0  }
0x16: {  	s14 =	simm.s32 $0x0;
	s13 =	simm.s32 $0x40;
	[sflag:s7] =	ssyncadd.s32 $0xFFFFE000  }
.LBB2_5:
0x17: {  	p0 =	sne.s32 s13, $0x7FC0;
	v1 =	vld [tilespmem:s14+$0x10000];
	_ =	sdelay $0x4  }
0x18: {  	v1 =	vshrl.u32 v1, $0x10  }
0x19: {  	(xrf1) =	vunique.msk.u32 $0xffff, v1;
	_ =	sdelay $0xd  }
0x1a: {  	_, v2, vm0 =	vpop (xrf1);
	_ =	sdelay $0x1  }
.Ltmp1:
0x1b: {  	(pc) =	sbr.rel @p0 .LBB2_5-.Ltmp1, $2  }
0x1c: {  	_ =	sdelay $0x2  }
0x1d: {  	s14 =	sshra.s32 s13, $0x2;
	s13 =	sadd.s32 $0x40, s13;
	[tilespmem:v1+s2+$0x0] =	vst.idx.add.s32.msk vm0, v2  }
0x1e: {  	v1 =	vld [tilespmem:s14+$0x10000];
	_ =	sdelay $0x4  }
0x1f: {  	v1 =	vshrl.u32 v1, $0x10  }
0x20: {  	(xrf1) =	vunique.msk.u32 $0xffff, v1;
	_ =	sdelay $0xd  }
0x21: {  	s12 =	sadd.s32 $0x1, s12;
	_, v2, vm0 =	vpop (xrf1)  }
0x22: {  	p0 =	sne.s32 s12, $0x40  }
.Ltmp2:
0x23: {  	_ = 	snop;
	(pc) =	sbr.rel @p0 .LBB2_4-.Ltmp2, $2  }
0x24: {  	_ =	sdelay $0x2  }
0x25: {  	[tilespmem:v1+s2+$0x0] =	vst.idx.add.s32.msk vm0, v2  }
0x26: {  	s10 =	sadd.s32 $0x1, s10  }
0x27: {  	p0 =	sne.s32 s10, s5  }
.Ltmp3:
0x28: {  	_ = 	snop;
	(pc) =	sbr.rel @p0 .LBB2_1-.Ltmp3, $4  }
0x29: {  	[hbm4b:s4+s8] =	stream.strided.scatter [tilespmem:s2], [sflag:$0x1], $0x10000, s9, s8, $0x38;
	[tilespmem:$0x12000] =	vst v63  }
0x2a: {  	_ =	swait.ge [sflag:s7], $0x10000  }
0x2b: {  	[sflag:s7] =	ssyncset.done $0x0  }
0x2c: {  	[sflag:s7] =	ssyncadd.s32 $0xFFFF0000  }
0x2d: {  	_ =	sfence.sel $0x180000  }
0x2e: {  	[bflag:$0x0] =	sbarrier.arrive $0xFFFF  }
0x2f: {  	p0 =	sne.s32 s0, $0x0;
	_ =	strace $0x90000047  }
0x30: {  	s0 =	sadd.s32 @!p0 $0x100000, s1;
	[bflag:$0x2] =	sbarrier.arrive $0xFFFF  }
0x31: {  	[sflag:s0] =	ssyncadd.tile.s32 @!p0 $0x1;
	_ =	shalt  }
.Lfunc_end2:
_tile_overlayer_lowered:
.L_overlay_start_2:
0x32: {  	(tag) =	ssettag $0x2  }
0x33: {  	s0 =	rddreg [dreg:$0x0];
	s2 =	stileid.u32  }
0x34: {  	s1 =	rddreg [dreg:$0x1];
	p0 =	sne.s32 s2, $0x0  }
0x35: {  	s3 =	rddreg [dreg:$0x2];
	[bflag:$0x3] =	sbarrier.arrive $0xFFFF;
	s2 =	simm.s32 @!p0 $0x1C01  }
0x36: {  	[timem:s3], [sflag:s2] =	dma.local @!p0 [hbm:s0], s1  }
0x37: {  	s0 =	simm.s32 @!p0 $0x1  }
0x38: {  	_ =	swait.ge @!p0 [sflag:s0], s1  }
0x39: {  	s1 =	ssub.s32 @!p0 $0x0, s1;
	[sflag:s0] =	ssyncset.done @!p0 $0x0  }
0x3a: {  	[sflag:s0] =	ssyncadd.s32 @!p0 s1  }
0x3b: {  	[bflag:$0x3] =	sbarrier.arrive $0xFFFF  }
0x3c: {  	_ =	shalt  }

// kernel: kernel.22.cloned.1.call-start
scs
__scs_entry_jumppad:
0x0: {  	(pc) =	sbr.rel $0x88, $3  }
0x1: {  	(tag) =	ssettag $0x0;
	lr =	simm.s32 $0x1  }
0x2: {  	[smem:$0x3F9F] =	sst lr;
	_ =	strace $0xD0000000  }
0x3: {  	_ = 	snop  }
0x4: {  	_ = 	snop  }
0x5: {  	_ = 	snop  }
0x6: {  	_ = 	snop  }
0x7: {  	_ = 	snop  }
__scs_overlays_trampoline_lowered:
0x8: {  	[smem:$0x3FAE] =	sst s0  }
0x9: {  	[smem:$0x3FAF] =	sst s1  }
0xa: {  	[smem:$0x3FB0] =	sst s2  }
0xb: {  	[smem:$0x3FB1] =	sst s3  }
0xc: {  	[smem:$0x3FB2] =	sst s4  }
0xd: {  	[smem:$0x3FB3] =	sst s5  }
0xe: {  	[smem:$0x3FB4] =	sst s6  }
0xf: {  	[smem:$0x3FB5] =	sst s7  }
0x10: {  	[smem:$0x3FB6] =	sst s8  }
0x11: {  	[smem:$0x3FB7] =	sst s9;
	s0 =	simm.s32 @!p0 $0x0  }
0x12: {  	s1 =	sld [smem:$0x3F9D];
	s0 =	simm.s32 @p0 $0x1  }
0x13: {  	[smem:$0x3FB8] =	sst s0;
	s0 =	simm.s32 @!p1 $0x0  }
0x14: {  	s2 =	sld [smem:$0x3F9C];
	s0 =	simm.s32 @p1 $0x1  }
0x15: {  	[smem:$0x3FB9] =	sst s0;
	s0 =	simm.s32 @!p2 $0x0  }
0x16: {  	s3 =	sld [smem:$0x3FDB];
	s0 =	simm.s32 @p2 $0x1  }
0x17: {  	s4 =	simm.s32 $0x1BF5;
	[smem:$0x3FBB] =	sst s0  }
0x18: {  	s0 =	sld [smem:$0x3F9E];
	_ =	swait.ge [sflag:s4], $0x0  }
0x19: {  	s7 =	sld [smem:$0x3F9F]  }
0x1a: {  	s8 =	sadd.s32 $0xFFFFE003, lr  }
0x1b: {  	s9 =	sadd.s32 $0xFFFFFEF7, lr;
	s5 =	simm.s32 $0xFFFFFFFF;
	p2 =	slt.u32 s8, $0xFFFFF086  }
0x1c: {  	p1 =	slt.u32 s9, $0xF7A;
	s5 =	simm.s32 @!p2 $0x0  }
0x1d: {  	s5 =	simm.s32 @p1 $0x1;
	p0 =	seq.s32 s7, s2  }
0x1e: {  	s7 =	smul.u32 @!p0 $0xF7A, s2;
	p2 =	seq.s32 @!p0 s5, $0x0  }
0x1f: {  	s9 =	smul.u32 $0xF7A, s1;
	s8 =	simm.s32 @!p0 $0x1BF5;
	p2 =	por !p2, p0  }
0x20: {  	[sflag:s8] =	ssyncset.s32 @!p0 $0xFFFFF086;
	s6 =	sadd.s32 @!p0 s3, s7;
	s7 =	simm.s32 @!p0 $0x108  }
0x21: {  	s3 =	sadd.s32 s3, s9;
	s6 =	sadd.s32 @!p0 $0x88, s6;
	s7 =	simm.s32 @p2 $0x1082  }
0x22: {  	[simem:s7], [sflag:s8] =	dma.local @!p0 [hbm:s6], $0xF7A  }
0x23: {  	s9 =	sor.u32 $0xD0000000, s2;
	s6 =	simm.s32 $0x108;
	_ =	swait.ge @!p0 [sflag:s8], $0x0  }
0x24: {  	s3 =	sadd.s32 $0x88, s3;
	s6 =	simm.s32 @!p1 $0x1082;
	[sflag:s4] =	ssyncset.s32 $0xFFFFF086  }
0x25: {  	[simem:s6], [sflag:s4] =	dma.local [hbm:s3], $0xF7A  }
0x26: {  	[smem:$0x3F9F] =	sst s1;
	(tag) =	ssettag s2;
	_ =	strace s9  }
0x27: {  	s1 =	sld [smem:$0x3FAF]  }
0x28: {  	s2 =	sld [smem:$0x3FB0]  }
0x29: {  	s4 =	sld [smem:$0x3FB2]  }
0x2a: {  	p0 =	seq.s32 s5, $0x0;
	s5 =	sld [smem:$0x3FB3]  }
0x2b: {  	s6 =	sld [smem:$0x3FB4]  }
0x2c: {  	s7 =	sld [smem:$0x3FB5]  }
0x2d: {  	s3 =	simm.s32 $0x108;
	s8 =	sld [smem:$0x3FB6]  }
0x2e: {  	s3 =	simm.s32 @!p0 $0x1082;
	s9 =	sld [smem:$0x3FB7]  }
0x2f: {  	lr =	sadd.s32 s0, s3;
	s0 =	sld [smem:$0x3FAE]  }
0x30: {  	s3 =	sld [smem:$0x3FB1]  }
0x31: {  	[smem:$0x3FBA] =	sst s10  }
0x32: {  	s10 =	sld [smem:$0x3FB8];
	_ =	sdelay $0x3  }
0x33: {  	p0 =	seq.s32 s10, $0x1;
	s10 =	sld [smem:$0x3FBA];
	_ =	sdelay $0x3  }
0x34: {  	[smem:$0x3FBA] =	sst s10  }
0x35: {  	s10 =	sld [smem:$0x3FB9];
	_ =	sdelay $0x3  }
0x36: {  	p1 =	seq.s32 s10, $0x1;
	s10 =	sld [smem:$0x3FBA];
	_ =	sdelay $0x3  }
0x37: {  	[smem:$0x3FBA] =	sst s10  }
0x38: {  	s10 =	sld [smem:$0x3FBB]  }
0x39: {  	_ = 	snop;
	(pc) =	sbr.ind lr, $3  }
0x3a: {  	_ = 	snop  }
0x3b: {  	_ = 	snop  }
0x3c: {  	p2 =	seq.s32 s10, $0x1;
	s10 =	sld [smem:$0x3FBA]  }
0x3d: {  	_ =	shalt  }
0x3e: {  	_ =	shalt  }
0x3f: {  	_ =	shalt  }
0x40: {  	_ =	shalt  }
0x41: {  	_ =	shalt  }
0x42: {  	_ =	shalt  }
0x43: {  	_ =	shalt  }
0x44: {  	_ =	shalt  }
0x45: {  	_ =	shalt  }
0x46: {  	_ =	shalt  }
0x47: {  	_ =	shalt  }
0x48: {  	_ =	shalt  }
0x49: {  	_ =	shalt  }
0x4a: {  	_ =	shalt  }
0x4b: {  	_ =	shalt  }
0x4c: {  	_ =	shalt  }
0x4d: {  	_ =	shalt  }
0x4e: {  	_ =	shalt  }
0x4f: {  	_ =	shalt  }
0x50: {  	_ =	shalt  }
0x51: {  	_ =	shalt  }
0x52: {  	_ =	shalt  }
0x53: {  	_ =	shalt  }
0x54: {  	_ =	shalt  }
0x55: {  	_ =	shalt  }
0x56: {  	_ =	shalt  }
0x57: {  	_ =	shalt  }
0x58: {  	_ =	shalt  }
0x59: {  	_ =	shalt  }
0x5a: {  	_ =	shalt  }
0x5b: {  	_ =	shalt  }
0x5c: {  	_ =	shalt  }
0x5d: {  	_ =	shalt  }
0x5e: {  	_ =	shalt  }
0x5f: {  	_ =	shalt  }
0x60: {  	_ =	shalt  }
0x61: {  	_ =	shalt  }
0x62: {  	_ =	shalt  }
0x63: {  	_ =	shalt  }
0x64: {  	_ =	shalt  }
0x65: {  	_ =	shalt  }
0x66: {  	_ =	shalt  }
0x67: {  	_ =	shalt  }
0x68: {  	_ =	shalt  }
0x69: {  	_ =	shalt  }
0x6a: {  	_ =	shalt  }
0x6b: {  	_ =	shalt  }
0x6c: {  	_ =	shalt  }
0x6d: {  	_ =	shalt  }
0x6e: {  	_ =	shalt  }
0x6f: {  	_ =	shalt  }
0x70: {  	_ =	shalt  }
0x71: {  	_ =	shalt  }
0x72: {  	_ =	shalt  }
0x73: {  	_ =	shalt  }
0x74: {  	_ =	shalt  }
0x75: {  	_ =	shalt  }
0x76: {  	_ =	shalt  }
0x77: {  	_ =	shalt  }
0x78: {  	_ =	shalt  }
0x79: {  	_ =	shalt  }
0x7a: {  	_ =	shalt  }
0x7b: {  	_ =	shalt  }
0x7c: {  	_ =	shalt  }
0x7d: {  	_ =	shalt  }
0x7e: {  	_ =	shalt  }
0x7f: {  	_ =	shalt  }
0x80: {  	_ =	shalt  }
0x81: {  	_ =	shalt  }
0x82: {  	_ =	shalt  }
0x83: {  	_ =	shalt  }
0x84: {  	_ =	shalt  }
0x85: {  	_ =	shalt  }
0x86: {  	_ =	shalt  }
0x87: {  	_ =	shalt  }
.Lfunc_end0:
.L_simem_size_0:
called_computation.2_lowered:
.L_overlay_start_0:
0x88: {  	s2 =	sld [smem:$0x3FD9]  }
0x89: {  	s3 =	sld [smem:$0x3FFE];
	_ =	sdelay $0x1  }
0x8a: {  	s1 =	srdreg.scid  }
0x8b: {  	s0 =	sand.u32 $0x1, s1  }
0x8c: {  	s17 =	sshll.u32 s0, $0xA;
	s2 =	sadd.s32 s3, s2  }
0x8d: {  	s2 =	sadd.s32 s2, s17  }
0x8e: {  	[smem:$0x3FC6] =	sst s2  }
0x8f: {  	_ = 	snop  }
0x90: {  	s2 =	sld [smem:$0x3FD0];
	(tm) =	ssettm $0x1  }
0x91: {  	s18 =	sld [smem:$0x3FFB];
	_ =	sdelay $0x3  }
0x92: {  	_ =	strace s18  }
0x93: {  	s3 =	sld [smem:$0x3FFC];
	_ =	sdelay $0x3  }
0x94: {  	_ =	strace s3  }
0x95: {  	s3 =	sld [smem:$0x3FFD];
	_ =	sdelay $0x3  }
0x96: {  	_ =	strace s3  }
0x97: {  	_ =	strace $0x8FFFFFFF  }
0x98: {  	s19 =	sld [smem:$0x3FDB];
	_ =	sdelay $0x1  }
0x99: {  	s4 =	simm.s32 $_scs_section_size  }
0x9a: {  	s5 =	simm.s32 $_size__tile_overlayer_lowered;
	s6 =	simm.s32 $_tile_overlayer_lowered  }
0x9b: {  	s22 =	simm.s32 $0x1BFF;
	s21 =	sshll.u32 s6, $0x1;
	s3 =	sadd.s32 s4, s19  }
0x9c: {  	s7 =	simm.s32 $0x0;
	s20 =	sshll.u32 s5, $0x1;
	s5 =	sadd.s32 s21, s3  }
0x9d: {  	[timem:s7], [sflag:s22] =	dma.local [hbm:s5], s20  }
0x9e: {  	_ =	swait.ge [sflag:s22], s20  }
0x9f: {  	s4 =	ssub.s32 $0x0, s20;
	[sflag:s22] =	ssyncset.done $0x0  }
0xa0: {  	[sflag:s22] =	ssyncadd.s32 s4;
	_ =	sdelay $0x1  }
0xa1: {  	s23 =	simm.s32 $0x1B8B  }
0xa2: {  	_ =	swait.ge [sflag:s23], $0x1  }
0xa3: {  	[sflag:s23] =	ssyncset.done $0x0  }
0xa4: {  	s25 =	simm.s32 $0x1B8E;
	s24 =	sld [smem:$0x3FFE];
	[sflag:s23] =	ssyncadd.s32 $0xFFFFFFFF  }
0xa5: {  	s26 =	simm.s32 $execute0_lowered;
	[smem:$0x3FD2] =	sst s25  }
0xa6: {  	s5 =	sshll.u32 s26, $0x1;
	_ =	strace $0x80000049;
	[dreg:$0x1] =	wrdreg $0xFFFFFFFF  }
0xa7: {  	s28 =	simm.s32 $_size_execute0_lowered;
	s3 =	sadd.s32 s3, s5;
	[dreg:$0x0] =	wrdreg $0x0  }
0xa8: {  	s5 =	sshll.u32 s28, $0x1;
	[dreg:$0x2] =	wrdreg s3  }
0xa9: {  	[dreg:$0x3] =	wrdreg s5  }
0xaa: {  	[dreg:$0x4] =	wrdreg $0xC0  }
0xab: {  	_ =	task [dreg:s7], $0x5FFFF  }
0xac: {  	[dreg:$0x1] =	wrdreg $0xFFFFFFFF  }
0xad: {  	[dreg:$0x0] =	wrdreg $0x60  }
0xae: {  	[dreg:$0x2] =	wrdreg s2  }
0xaf: {  	[dreg:$0x3] =	wrdreg s24  }
0xb0: {  	[dreg:$0x4] =	wrdreg $0xA  }
0xb1: {  	_ =	task.clear_ibuf [dreg:s7], $0x5FFFF;
	_ =	strace $0x90000049  }
0xb2: {  	s29 =	simm.s32 $0xA;
	_ =	strace $0x8000004B  }
0xb3: {  	_ =	swait.ge [sflag:s29], $0x1  }
0xb4: {  	[sflag:s29] =	ssyncadd.s32 $0xFFFFFFFF  }
0xb5: {  	_ =	strace $0x9000004B  }
0xb6: {  	_ =	sfence  }
0xb7: {  	s30 =	sld [smem:$0x0];
	_ =	sdelay $0x2  }
0xb8: {  	s31 =	sshll.u32 s1, $0xD;
	s1 =	sshrl.u32 s1, $0x2  }
0xb9: {  	s3 =	sand.u32 $0x4000, s31;
	s1 =	sadd.s32 s1, s30  }
0xba: {  	s0 =	sor.u32 s3, s0;
	s1 =	sshll.u32 s1, $0x11  }
0xbb: {  	s0 =	sor.u32 s1, s0  }
0xbc: {  	s0 =	sadd.s32 $0x8F2B, s0  }
0xbd: {  	[sflag:s0] =	ssyncadd.remote.s32 $0x1  }
0xbe: {  	_ =	sfence.sel $0xFFFF  }
0xbf: {  	[dreg:$0x0] =	wrdreg $0xFFFFFFFF;
	(pc) =	sbr.abs _section_cstart, $3  }
0xc0: {  	[dreg:$0x1] =	wrdreg $0xFFFFFFFF  }
0xc1: {  	_ =	task.clear_ibuf [dreg:s7], $0x2FFFF;
	_ =	strace $0x9FFFFFFF  }
0xc2: {  	(tm) =	ssettm $0x7FFFFFFF  }
0xc3: {  	_ =	shalt  }
tec
execute0_lowered:
.L_overlay_start_1:
0x0: {  	(tag) =	ssettag $0x1  }
0x1: {  	s2 =	rddreg [dreg:$0x0];
	s1 =	srdreg.scid  }
0x2: {  	s0 =	stileid.u32;
	s5 =	rddreg [dreg:$0x1]  }
0x3: {  	s12 =	simm.s32 $0x2000;
	s13 =	simm.s32 $0x1000;
	s14 =	simm.s32 $0x80  }
0x4: {  	s15 =	simm.s32 $0x400;
	s16 =	simm.s32 $0x0;
	s8 =	sand.u32 $0x1, s1  }
0x5: {  	s3 =	sshll.u32 s0, $0x1;
	s1 =	rddreg [dreg:$0x2];
	s4 =	sshll.u32 s0, $0xA  }
0x6: {  	s10 =	sshll.u32 s0, $0x14;
	s6 =	sor.u32 s8, s3;
	s3 =	simm.s32 $0x0  }
0x7: {  	s9 =	ssub.s32 $0x2, s8;
	s11 =	sshll.u32 s8, $0x13;
	s7 =	sshll.u32 s6, $0x4  }
0x8: {  	[smem:$0x7FF] =	sst s3;
	s31 =	sshrl.u32 s9, $0x1;
	s4 =	sor.u32 s4, s7  }
0x9: {  	_ =	strace $0x8000004A;
	s9 =	ssub.s32 s9, s31;
	s7 =	sand.u32 $0x3070, s4  }
0xa: {  	s4 =	sadd.s32 $0xA00, s5;
	s8 =	smax.u32 s9, $0x1;
	s9 =	sor.u32 s11, s10  }
0xb: {  	s10 =	simm.s32 $0x4000;
	s11 =	simm.s32 $0x1;
	s7 =	sadd.s32 s7, s5  }
0xc: {  	v0 =	vimm.s32 $0xFFFFFFFF;
	v1 =	vimm.s32 $0x0;
	v2 =	vlaneseq.u32;
	s5 =	sshll.u32 s6, $0x13;
	s6 =	sadd.s32 $0xC00, s7;
	s7 =	sadd.s32 $0x4C00, s7  }
.LBB2_1:
0xd: {  	[tilespmem:s10], [sflag:$0x1] =	stream.linear.gather [hbm4b:s4+s3], $0x80, $0x38;
	[tilespmem:$0x4080] =	vst v63  }
0xe: {  	_ =	swait.ge [sflag:s11], $0x80  }
0xf: {  	[sflag:s11] =	ssyncset.done $0x0  }
0x10: {  	[sflag:s11] =	ssyncadd.s32 $0xFFFFFF80  }
0x11: {  	s17 =	simm.s32 $0x40;
	s18 =	simm.s32 $0x0;
	v3 =	vld [tilespmem:$0x4000]  }
.LBB2_2:
0x12: {  	p0 =	sne.s32 s17, $0x3FC0;
	[tilespmem:s18+$0x0] =	vst v0;
	s19 =	smov.u32 s17;
	s17 =	sadd.s32 $0x40, s17  }
.Ltmp0:
0x13: {  	[tilespmem:s18+$0x1000] =	vst v1;
	(pc) =	sbr.rel @p0 .LBB2_2-.Ltmp0, $2  }
0x14: {  	_ =	sdelay $0x2  }
0x15: {  	s18 =	sshra.s32 s19, $0x2  }
0x16: {  	[tilespmem:s18+$0x0] =	vst v0;
	s17 =	simm.s32 $0x0  }
0x17: {  	[tilespmem:s18+$0x1000] =	vst v1;
	s18 =	smov.u32 s9;
	s20 =	simm.s32 $0x0;
	s19 =	simm.s32 $0x0  }
.LBB2_4:
0x18: {  	s21 =	sshll.u32 s19, $0xD  }
0x19: {  	s21 =	sadd.s32 s5, s21  }
0x1a: {  	s21 =	sshrl.u32 s21, $0x3  }
0x1b: {  	s21 =	sadd.s32 s2, s21  }
0x1c: {  	[tilespmem:s12], [sflag:$0x1] =	stream.linear.gather [hbm4b:s21+s17], $0x2000, $0x38;
	[tilespmem:$0x4080] =	vst v63  }
0x1d: {  	_ =	swait.ge [sflag:s11], $0x2000  }
0x1e: {  	[sflag:s11] =	ssyncset.done $0x0  }
0x1f: {  	s31 =	simm.s32 $0x0;
	[sflag:s11] =	ssyncadd.s32 $0xFFFFE000  }
0x20: {  	v4 =	vld [tilespmem:s31+$0x2000];
	_ =	sdelay $0x4  }
0x21: {  	v5 =	vshrl.u32 v4, $0x10  }
0x22: {  	vm0 =	vle.s32 v5, v3  }
0x23: {  	v5 =	vsel vm0, $0x1, v1  }
0x24: {  	(xrf0) =	vadd.scan.msk.s32 $0xffff, v5;
	_ =	sdelay $0x2  }
0x25: {  	v5 =	vmov s20  }
0x26: {  	v5 =	vadd.s32 $0xFFFFFFFF, v5  }
0x27: {  	v5 =	vbroadcast v5, $0x0  }
0x28: {  	v6, _, _ =	vpop (xrf0)  }
0x29: {  	v5 =	vadd.s32 v6, v5;
	(v2sf) =	vpush v6, $0xF  }
0x2a: {  	vm1 =	vlt.s32 v5, $0x1000  }
0x2b: {  	vm0 =	vmand vm0, vm1;
	_ =	sdelay $0x5  }
0x2c: {  	[tilespmem:v5+s3+$0x0] =	vst.idx.msk vm0, v4;
	v4 =	vor.u32 s18, v2  }
0x2d: {  	s23 =	simm.s32 $0x10;
	s22 =	simm.s32 $0x80;
	s21 =	smov.u32 s18;
	[tilespmem:v5+s13+$0x0] =	vst.idx.msk vm0, v4  }
.LBB2_5:
0x2e: {  	p0 =	sne.s32 s22, $0x7FC0;
	v4 =	vld [tilespmem:s23+$0x2000];
	_ =	sdelay $0x4  }
0x2f: {  	v5 =	vshrl.u32 v4, $0x10;
	s23 =	spop (v2sf)  }
0x30: {  	vm0 =	vle.s32 v5, v3;
	s20 =	sadd.s32 s20, s23  }
0x31: {  	v5 =	vsel vm0, $0x1, v1;
	v6 =	vmov s20  }
0x32: {  	v6 =	vadd.s32 $0xFFFFFFFF, v6;
	(xrf0) =	vadd.scan.msk.s32 $0xffff, v5  }
0x33: {  	v5 =	vbroadcast v6, $0x0;
	_ =	sdelay $0x4  }
0x34: {  	v6, _, _ =	vpop (xrf0)  }
0x35: {  	v5 =	vadd.s32 v6, v5;
	(v2sf) =	vpush v6, $0xF  }
0x36: {  	vm1 =	vlt.s32 v5, $0x1000  }
0x37: {  	vm0 =	vmand vm0, vm1;
	_ =	sdelay $0x2  }
.Ltmp1:
0x38: {  	(pc) =	sbr.rel @p0 .LBB2_5-.Ltmp1, $4  }
0x39: {  	_ = 	snop  }
0x3a: {  	s21 =	sadd.s32 $0x10, s21  }
0x3b: {  	[tilespmem:v5+s3+$0x0] =	vst.idx.msk vm0, v4;
	v4 =	vor.u32 s21, v2  }
0x3c: {  	s23 =	sshra.s32 s22, $0x2;
	s22 =	sadd.s32 $0x40, s22;
	[tilespmem:v5+s13+$0x0] =	vst.idx.msk vm0, v4  }
0x3d: {  	v4 =	vld [tilespmem:s23+$0x2000];
	_ =	sdelay $0x4  }
0x3e: {  	v5 =	vshrl.u32 v4, $0x10  }
0x3f: {  	vm0 =	vle.s32 v5, v3  }
0x40: {  	v5 =	vsel vm0, $0x1, v1  }
0x41: {  	(xrf0) =	vadd.scan.msk.s32 $0xffff, v5;
	_ =	sdelay $0x5  }
0x42: {  	v5, _, _ =	vpop (xrf0)  }
0x43: {  	(v2sf) =	vpush v5, $0xF  }
0x44: {  	s22 =	spop (v2sf)  }
0x45: {  	s20 =	sadd.s32 s20, s22  }
0x46: {  	v6 =	vmov s20  }
0x47: {  	v6 =	vadd.s32 $0xFFFFFFFF, v6  }
0x48: {  	v6 =	vbroadcast v6, $0x0;
	_ =	sdelay $0x1  }
0x49: {  	v5 =	vadd.s32 v5, v6  }
0x4a: {  	vm1 =	vlt.s32 v5, $0x1000  }
0x4b: {  	vm0 =	vmand vm0, vm1  }
0x4c: {  	s19 =	sadd.s32 $0x1, s19  }
0x4d: {  	p0 =	sne.s32 s19, $0x40  }
.Ltmp2:
0x4e: {  	_ = 	snop;
	(pc) =	sbr.rel @p0 .LBB2_4-.Ltmp2, $4  }
0x4f: {  	_ = 	snop  }
0x50: {  	s21 =	sadd.s32 $0x10, s21  }
0x51: {  	[tilespmem:v5+s3+$0x0] =	vst.idx.msk vm0, v4;
	v4 =	vor.u32 s21, v2;
	s31 =	spop (v2sf)  }
0x52: {  	s18 =	sadd.s32 $0x2000, s18;
	[tilespmem:v5+s13+$0x0] =	vst.idx.msk vm0, v4;
	s20 =	sadd.s32 s20, s31  }
0x53: {  	[hbm4b:s6+s14] =	stream.strided.scatter [tilespmem:s3], [sflag:$0x1], $0x1000, s15, s14, $0x38;
	[tilespmem:$0x4080] =	vst v63  }
0x54: {  	s16 =	sadd.s32 $0x1, s16;
	_ =	swait.ge [sflag:s11], $0x1000  }
0x55: {  	p0 =	sne.s32 s16, s8;
	[sflag:s11] =	ssyncset.done $0x0  }
.Ltmp3:
0x56: {  	[sflag:s11] =	ssyncadd.s32 $0xFFFFF000;
	(pc) =	sbr.rel @p0 .LBB2_1-.Ltmp3, $4  }
0x57: {  	[hbm4b:s7+s14] =	stream.strided.scatter [tilespmem:s13], [sflag:$0x1], $0x1000, s15, s14, $0x38;
	[tilespmem:$0x4080] =	vst v63  }
0x58: {  	_ =	swait.ge [sflag:s11], $0x1000  }
0x59: {  	[sflag:s11] =	ssyncset.done $0x0  }
0x5a: {  	[sflag:s11] =	ssyncadd.s32 $0xFFFFF000  }
0x5b: {  	_ =	sfence.sel $0x180000  }
0x5c: {  	[bflag:$0x0] =	sbarrier.arrive $0xFFFF  }
0x5d: {  	p0 =	sne.s32 s0, $0x0;
	_ =	strace $0x9000004A  }
0x5e: {  	s0 =	sadd.s32 @!p0 $0x100000, s1;
	[bflag:$0x2] =	sbarrier.arrive $0xFFFF  }
0x5f: {  	[sflag:s0] =	ssyncadd.tile.s32 @!p0 $0x1;
	_ =	shalt  }
.Lfunc_end2:
_tile_overlayer_lowered:
.L_overlay_start_2:
0x60: {  	(tag) =	ssettag $0x2  }
0x61: {  	s0 =	rddreg [dreg:$0x0];
	s2 =	stileid.u32  }
0x62: {  	s1 =	rddreg [dreg:$0x1];
	p0 =	sne.s32 s2, $0x0  }
0x63: {  	s3 =	rddreg [dreg:$0x2];
	[bflag:$0x3] =	sbarrier.arrive $0xFFFF;
	s2 =	simm.s32 @!p0 $0x1C01  }
0x64: {  	[timem:s3], [sflag:s2] =	dma.local @!p0 [hbm:s0], s1  }
0x65: {  	s0 =	simm.s32 @!p0 $0x1  }
0x66: {  	_ =	swait.ge @!p0 [sflag:s0], s1  }
0x67: {  	s1 =	ssub.s32 @!p0 $0x0, s1;
	[sflag:s0] =	ssyncset.done @!p0 $0x0  }
0x68: {  	[sflag:s0] =	ssyncadd.s32 @!p0 s1  }
0x69: {  	[bflag:$0x3] =	sbarrier.arrive $0xFFFF  }
0x6a: {  	_ =	shalt  }

// kernel: kernel.25.cloned.1.call-start
scs
__scs_entry_jumppad:
0x0: {  	(pc) =	sbr.rel $0x88, $3  }
0x1: {  	(tag) =	ssettag $0x0;
	lr =	simm.s32 $0x1  }
0x2: {  	[smem:$0x3F9F] =	sst lr;
	_ =	strace $0xD0000000  }
0x3: {  	_ = 	snop  }
0x4: {  	_ = 	snop  }
0x5: {  	_ = 	snop  }
0x6: {  	_ = 	snop  }
0x7: {  	_ = 	snop  }
__scs_overlays_trampoline_lowered:
0x8: {  	[smem:$0x3FAE] =	sst s0  }
0x9: {  	[smem:$0x3FAF] =	sst s1  }
0xa: {  	[smem:$0x3FB0] =	sst s2  }
0xb: {  	[smem:$0x3FB1] =	sst s3  }
0xc: {  	[smem:$0x3FB2] =	sst s4  }
0xd: {  	[smem:$0x3FB3] =	sst s5  }
0xe: {  	[smem:$0x3FB4] =	sst s6  }
0xf: {  	[smem:$0x3FB5] =	sst s7  }
0x10: {  	[smem:$0x3FB6] =	sst s8  }
0x11: {  	[smem:$0x3FB7] =	sst s9;
	s0 =	simm.s32 @!p0 $0x0  }
0x12: {  	s1 =	sld [smem:$0x3F9D];
	s0 =	simm.s32 @p0 $0x1  }
0x13: {  	[smem:$0x3FB8] =	sst s0;
	s0 =	simm.s32 @!p1 $0x0  }
0x14: {  	s2 =	sld [smem:$0x3F9C];
	s0 =	simm.s32 @p1 $0x1  }
0x15: {  	[smem:$0x3FB9] =	sst s0;
	s0 =	simm.s32 @!p2 $0x0  }
0x16: {  	s3 =	sld [smem:$0x3FDB];
	s0 =	simm.s32 @p2 $0x1  }
0x17: {  	s4 =	simm.s32 $0x1BF5;
	[smem:$0x3FBB] =	sst s0  }
0x18: {  	s0 =	sld [smem:$0x3F9E];
	_ =	swait.ge [sflag:s4], $0x0  }
0x19: {  	s7 =	sld [smem:$0x3F9F]  }
0x1a: {  	s8 =	sadd.s32 $0xFFFFE003, lr  }
0x1b: {  	s9 =	sadd.s32 $0xFFFFFEF7, lr;
	s5 =	simm.s32 $0xFFFFFFFF;
	p2 =	slt.u32 s8, $0xFFFFF086  }
0x1c: {  	p1 =	slt.u32 s9, $0xF7A;
	s5 =	simm.s32 @!p2 $0x0  }
0x1d: {  	s5 =	simm.s32 @p1 $0x1;
	p0 =	seq.s32 s7, s2  }
0x1e: {  	s7 =	smul.u32 @!p0 $0xF7A, s2;
	p2 =	seq.s32 @!p0 s5, $0x0  }
0x1f: {  	s9 =	smul.u32 $0xF7A, s1;
	s8 =	simm.s32 @!p0 $0x1BF5;
	p2 =	por !p2, p0  }
0x20: {  	[sflag:s8] =	ssyncset.s32 @!p0 $0xFFFFF086;
	s6 =	sadd.s32 @!p0 s3, s7;
	s7 =	simm.s32 @!p0 $0x108  }
0x21: {  	s3 =	sadd.s32 s3, s9;
	s6 =	sadd.s32 @!p0 $0x88, s6;
	s7 =	simm.s32 @p2 $0x1082  }
0x22: {  	[simem:s7], [sflag:s8] =	dma.local @!p0 [hbm:s6], $0xF7A  }
0x23: {  	s9 =	sor.u32 $0xD0000000, s2;
	s6 =	simm.s32 $0x108;
	_ =	swait.ge @!p0 [sflag:s8], $0x0  }
0x24: {  	s3 =	sadd.s32 $0x88, s3;
	s6 =	simm.s32 @!p1 $0x1082;
	[sflag:s4] =	ssyncset.s32 $0xFFFFF086  }
0x25: {  	[simem:s6], [sflag:s4] =	dma.local [hbm:s3], $0xF7A  }
0x26: {  	[smem:$0x3F9F] =	sst s1;
	(tag) =	ssettag s2;
	_ =	strace s9  }
0x27: {  	s1 =	sld [smem:$0x3FAF]  }
0x28: {  	s2 =	sld [smem:$0x3FB0]  }
0x29: {  	s4 =	sld [smem:$0x3FB2]  }
0x2a: {  	p0 =	seq.s32 s5, $0x0;
	s5 =	sld [smem:$0x3FB3]  }
0x2b: {  	s6 =	sld [smem:$0x3FB4]  }
0x2c: {  	s7 =	sld [smem:$0x3FB5]  }
0x2d: {  	s3 =	simm.s32 $0x108;
	s8 =	sld [smem:$0x3FB6]  }
0x2e: {  	s3 =	simm.s32 @!p0 $0x1082;
	s9 =	sld [smem:$0x3FB7]  }
0x2f: {  	lr =	sadd.s32 s0, s3;
	s0 =	sld [smem:$0x3FAE]  }
0x30: {  	s3 =	sld [smem:$0x3FB1]  }
0x31: {  	[smem:$0x3FBA] =	sst s10  }
0x32: {  	s10 =	sld [smem:$0x3FB8];
	_ =	sdelay $0x3  }
0x33: {  	p0 =	seq.s32 s10, $0x1;
	s10 =	sld [smem:$0x3FBA];
	_ =	sdelay $0x3  }
0x34: {  	[smem:$0x3FBA] =	sst s10  }
0x35: {  	s10 =	sld [smem:$0x3FB9];
	_ =	sdelay $0x3  }
0x36: {  	p1 =	seq.s32 s10, $0x1;
	s10 =	sld [smem:$0x3FBA];
	_ =	sdelay $0x3  }
0x37: {  	[smem:$0x3FBA] =	sst s10  }
0x38: {  	s10 =	sld [smem:$0x3FBB]  }
0x39: {  	_ = 	snop;
	(pc) =	sbr.ind lr, $3  }
0x3a: {  	_ = 	snop  }
0x3b: {  	_ = 	snop  }
0x3c: {  	p2 =	seq.s32 s10, $0x1;
	s10 =	sld [smem:$0x3FBA]  }
0x3d: {  	_ =	shalt  }
0x3e: {  	_ =	shalt  }
0x3f: {  	_ =	shalt  }
0x40: {  	_ =	shalt  }
0x41: {  	_ =	shalt  }
0x42: {  	_ =	shalt  }
0x43: {  	_ =	shalt  }
0x44: {  	_ =	shalt  }
0x45: {  	_ =	shalt  }
0x46: {  	_ =	shalt  }
0x47: {  	_ =	shalt  }
0x48: {  	_ =	shalt  }
0x49: {  	_ =	shalt  }
0x4a: {  	_ =	shalt  }
0x4b: {  	_ =	shalt  }
0x4c: {  	_ =	shalt  }
0x4d: {  	_ =	shalt  }
0x4e: {  	_ =	shalt  }
0x4f: {  	_ =	shalt  }
0x50: {  	_ =	shalt  }
0x51: {  	_ =	shalt  }
0x52: {  	_ =	shalt  }
0x53: {  	_ =	shalt  }
0x54: {  	_ =	shalt  }
0x55: {  	_ =	shalt  }
0x56: {  	_ =	shalt  }
0x57: {  	_ =	shalt  }
0x58: {  	_ =	shalt  }
0x59: {  	_ =	shalt  }
0x5a: {  	_ =	shalt  }
0x5b: {  	_ =	shalt  }
0x5c: {  	_ =	shalt  }
0x5d: {  	_ =	shalt  }
0x5e: {  	_ =	shalt  }
0x5f: {  	_ =	shalt  }
0x60: {  	_ =	shalt  }
0x61: {  	_ =	shalt  }
0x62: {  	_ =	shalt  }
0x63: {  	_ =	shalt  }
0x64: {  	_ =	shalt  }
0x65: {  	_ =	shalt  }
0x66: {  	_ =	shalt  }
0x67: {  	_ =	shalt  }
0x68: {  	_ =	shalt  }
0x69: {  	_ =	shalt  }
0x6a: {  	_ =	shalt  }
0x6b: {  	_ =	shalt  }
0x6c: {  	_ =	shalt  }
0x6d: {  	_ =	shalt  }
0x6e: {  	_ =	shalt  }
0x6f: {  	_ =	shalt  }
0x70: {  	_ =	shalt  }
0x71: {  	_ =	shalt  }
0x72: {  	_ =	shalt  }
0x73: {  	_ =	shalt  }
0x74: {  	_ =	shalt  }
0x75: {  	_ =	shalt  }
0x76: {  	_ =	shalt  }
0x77: {  	_ =	shalt  }
0x78: {  	_ =	shalt  }
0x79: {  	_ =	shalt  }
0x7a: {  	_ =	shalt  }
0x7b: {  	_ =	shalt  }
0x7c: {  	_ =	shalt  }
0x7d: {  	_ =	shalt  }
0x7e: {  	_ =	shalt  }
0x7f: {  	_ =	shalt  }
0x80: {  	_ =	shalt  }
0x81: {  	_ =	shalt  }
0x82: {  	_ =	shalt  }
0x83: {  	_ =	shalt  }
0x84: {  	_ =	shalt  }
0x85: {  	_ =	shalt  }
0x86: {  	_ =	shalt  }
0x87: {  	_ =	shalt  }
.Lfunc_end0:
.L_simem_size_0:
called_computation.3_lowered:
.L_overlay_start_0:
0x88: {  	s2 =	sld [smem:$0x3FD9]  }
0x89: {  	s3 =	sld [smem:$0x3FFE];
	_ =	sdelay $0x1  }
0x8a: {  	s1 =	srdreg.scid  }
0x8b: {  	s0 =	sand.u32 $0x1, s1  }
0x8c: {  	s17 =	sshll.u32 s0, $0xA;
	s2 =	sadd.s32 s3, s2  }
0x8d: {  	s2 =	sadd.s32 s2, s17  }
0x8e: {  	[smem:$0x3FC6] =	sst s2  }
0x8f: {  	_ = 	snop  }
0x90: {  	s2 =	sld [smem:$0x3FD0];
	(tm) =	ssettm $0x1  }
0x91: {  	s18 =	sld [smem:$0x3FFB];
	_ =	sdelay $0x3  }
0x92: {  	_ =	strace s18  }
0x93: {  	s3 =	sld [smem:$0x3FFC];
	_ =	sdelay $0x3  }
0x94: {  	_ =	strace s3  }
0x95: {  	s3 =	sld [smem:$0x3FFD];
	_ =	sdelay $0x3  }
0x96: {  	_ =	strace s3  }
0x97: {  	_ =	strace $0x8FFFFFFF  }
0x98: {  	s19 =	sld [smem:$0x3FDB];
	_ =	sdelay $0x1  }
0x99: {  	s4 =	simm.s32 $_scs_section_size  }
0x9a: {  	s5 =	simm.s32 $_size__tile_overlayer_lowered;
	s6 =	simm.s32 $_tile_overlayer_lowered  }
0x9b: {  	s22 =	simm.s32 $0x1BFF;
	s21 =	sshll.u32 s6, $0x1;
	s3 =	sadd.s32 s4, s19  }
0x9c: {  	s7 =	simm.s32 $0x0;
	s20 =	sshll.u32 s5, $0x1;
	s5 =	sadd.s32 s21, s3  }
0x9d: {  	[timem:s7], [sflag:s22] =	dma.local [hbm:s5], s20  }
0x9e: {  	_ =	swait.ge [sflag:s22], s20  }
0x9f: {  	s4 =	ssub.s32 $0x0, s20;
	[sflag:s22] =	ssyncset.done $0x0  }
0xa0: {  	[sflag:s22] =	ssyncadd.s32 s4;
	_ =	sdelay $0x1  }
0xa1: {  	s23 =	simm.s32 $0x1B8B  }
0xa2: {  	_ =	swait.ge [sflag:s23], $0x1  }
0xa3: {  	[sflag:s23] =	ssyncset.done $0x0  }
0xa4: {  	s25 =	simm.s32 $0x1B8E;
	s24 =	sld [smem:$0x3FFE];
	[sflag:s23] =	ssyncadd.s32 $0xFFFFFFFF  }
0xa5: {  	s26 =	simm.s32 $execute0_lowered;
	[smem:$0x3FD2] =	sst s25  }
0xa6: {  	s5 =	sshll.u32 s26, $0x1;
	_ =	strace $0x8000004F;
	[dreg:$0x1] =	wrdreg $0xFFFFFFFF  }
0xa7: {  	s28 =	simm.s32 $_size_execute0_lowered;
	s3 =	sadd.s32 s3, s5;
	[dreg:$0x0] =	wrdreg $0x0  }
0xa8: {  	s5 =	sshll.u32 s28, $0x1;
	[dreg:$0x2] =	wrdreg s3  }
0xa9: {  	[dreg:$0x3] =	wrdreg s5  }
0xaa: {  	[dreg:$0x4] =	wrdreg $0xC0  }
0xab: {  	_ =	task [dreg:s7], $0x5FFFF  }
0xac: {  	[dreg:$0x1] =	wrdreg $0xFFFFFFFF  }
0xad: {  	[dreg:$0x0] =	wrdreg $0x60  }
0xae: {  	[dreg:$0x2] =	wrdreg s2  }
0xaf: {  	[dreg:$0x3] =	wrdreg s24  }
0xb0: {  	[dreg:$0x4] =	wrdreg $0x9  }
0xb1: {  	_ =	task.clear_ibuf [dreg:s7], $0x5FFFF;
	_ =	strace $0x9000004F  }
0xb2: {  	s29 =	simm.s32 $0x9;
	_ =	strace $0x80000051  }
0xb3: {  	_ =	swait.ge [sflag:s29], $0x1  }
0xb4: {  	[sflag:s29] =	ssyncadd.s32 $0xFFFFFFFF  }
0xb5: {  	_ =	strace $0x90000051  }
0xb6: {  	_ =	sfence  }
0xb7: {  	s30 =	sld [smem:$0x0];
	_ =	sdelay $0x2  }
0xb8: {  	s31 =	sshll.u32 s1, $0xD;
	s1 =	sshrl.u32 s1, $0x2  }
0xb9: {  	s3 =	sand.u32 $0x4000, s31;
	s1 =	sadd.s32 s1, s30  }
0xba: {  	s0 =	sor.u32 s3, s0;
	s1 =	sshll.u32 s1, $0x11  }
0xbb: {  	s0 =	sor.u32 s1, s0  }
0xbc: {  	s0 =	sadd.s32 $0x8F2B, s0  }
0xbd: {  	[sflag:s0] =	ssyncadd.remote.s32 $0x1  }
0xbe: {  	_ =	sfence.sel $0xFFFF  }
0xbf: {  	[dreg:$0x0] =	wrdreg $0xFFFFFFFF;
	(pc) =	sbr.abs _section_cstart, $3  }
0xc0: {  	[dreg:$0x1] =	wrdreg $0xFFFFFFFF  }
0xc1: {  	_ =	task.clear_ibuf [dreg:s7], $0x2FFFF;
	_ =	strace $0x9FFFFFFF  }
0xc2: {  	(tm) =	ssettm $0x7FFFFFFF  }
0xc3: {  	_ =	shalt  }
tec
execute0_lowered:
.L_overlay_start_1:
0x0: {  	(tag) =	ssettag $0x1  }
0x1: {  	s0 =	rddreg [dreg:$0x0]  }
0x2: {  	s1 =	rddreg [dreg:$0x1];
	s2 =	simm.s32 $0x0;
	s5 =	stileid.u32  }
0x3: {  	s3 =	srdreg.scid;
	s8 =	simm.s32 $0x2;
	s9 =	simm.s32 $0x80  }
0x4: {  	s29 =	simm.s32 $0xC80;
	s31 =	simm.s32 $0xD00;
	s14 =	simm.s32 $0xE00  }
0x5: {  	s18 =	simm.s32 $0xE80;
	s28 =	simm.s32 $0xF80;
	s30 =	simm.s32 $0x1  }
0x6: {  	[smem:$0x7FF] =	sst s2;
	s22 =	sshll.u32 s5, $0x9;
	s4 =	sand.u32 $0x1, s3  }
0x7: {  	s23 =	sshll.u32 s5, $0x1;
	s3 =	sadd.s32 $0x80AC00, s1;
	s2 =	sand.u32 $0x1800, s22  }
0x8: {  	_ =	strace $0x80000050;
	s5 =	sor.u32 s4, s23;
	s6 =	ssub.s32 $0x2, s4  }
0x9: {  	s4 =	sadd.s32 $0x8C00, s1;
	s22 =	simm.s32 $0xF00;
	s2 =	sadd.s32 s2, s1  }
0xa: {  	s7 =	sshll.u32 s5, $0x4;
	s24 =	sshrl.u32 s6, $0x1;
	s5 =	sshll.u32 s5, $0x8  }
0xb: {  	s7 =	sand.u32 $0x70, s7;
	s1 =	ssub.s32 s6, s24;
	s0 =	sadd.s32 s0, s5  }
0xc: {  	s2 =	sadd.s32 s7, s2;
	[dreg:$0x3] =	wrdreg s0;
	s26 =	smax.u32 s1, $0x1  }
0xd: {  	s23 =	simm.s32 $0x1780;
	s25 =	sadd.s32 $0x608C00, s2;
	[dreg:$0x5] =	wrdreg s26  }
0xe: {  	s5 =	simm.s32 $0x0;
	s1 =	simm.s32 $0xD80;
	[dreg:$0x4] =	wrdreg s25  }
.LBB2_1:
0xf: {  	s6 =	simm.s32 $0x0;
	s7 =	rddreg [dreg:$0x3]  }
0x10: {  	[tilespmem:s6], [sflag:$0x2] =	stream.linear.gather [hbm4b:s7+s6], $0x800, $0x38;
	[tilespmem:$0x2000] =	vst v63  }
0x11: {  	_ =	swait.ge [sflag:s8], $0x800  }
0x12: {  	s10 =	simm.s32 $0x400;
	[sflag:s8] =	ssyncset.done $0x0  }
0x13: {  	s0 =	simm.s32 $0x1800;
	s7 =	rddreg [dreg:$0x4];
	[sflag:s8] =	ssyncadd.s32 $0xFFFFF800  }
0x14: {  	[tilespmem:s0], [sflag:$0x2] =	stream.strided.gather [hbm4b:s7+s9], $0x800, s10, s9, $0x38;
	[tilespmem:$0x2000] =	vst v63  }
0x15: {  	_ =	swait.ge [sflag:s8], $0x800  }
0x16: {  	[sflag:s8] =	ssyncset.done $0x0  }
0x17: {  	s13 =	simm.s32 $0x800;
	[sflag:s8] =	ssyncadd.s32 $0xFFFFF800  }
0x18: {  	[tilespmem:s13], [sflag:$0x1] =	stream.indirect.gather [hbm4b:s3+s9], $0x1, s6, s9, $0xb8;
	[tilespmem:$0x2000] =	vst v63  }
0x19: {  	s15 =	simm.s32 $0x880  }
0x1a: {  	[tilespmem:s15], [sflag:$0x1] =	stream.indirect.gather [hbm4b:s3+s9], $0x1, s9, s9, $0xb8;
	[tilespmem:$0x2000] =	vst v63  }
0x1b: {  	s6 =	simm.s32 $0x100;
	s15 =	simm.s32 $0x900  }
0x1c: {  	[tilespmem:s15], [sflag:$0x1] =	stream.indirect.gather [hbm4b:s3+s9], $0x1, s6, s9, $0xb8;
	[tilespmem:$0x2000] =	vst v63  }
0x1d: {  	s19 =	simm.s32 $0x980;
	s7 =	simm.s32 $0x180  }
0x1e: {  	[tilespmem:s19], [sflag:$0x1] =	stream.indirect.gather [hbm4b:s3+s9], $0x1, s7, s9, $0xb8;
	[tilespmem:$0x2000] =	vst v63  }
0x1f: {  	s21 =	simm.s32 $0xA00;
	s6 =	simm.s32 $0x200  }
0x20: {  	[tilespmem:s21], [sflag:$0x1] =	stream.indirect.gather [hbm4b:s3+s9], $0x1, s6, s9, $0xb8;
	[tilespmem:$0x2000] =	vst v63  }
0x21: {  	s7 =	simm.s32 $0x280;
	s21 =	simm.s32 $0xA80  }
0x22: {  	[tilespmem:s21], [sflag:$0x1] =	stream.indirect.gather [hbm4b:s3+s9], $0x1, s7, s9, $0xb8;
	[tilespmem:$0x2000] =	vst v63  }
0x23: {  	s25 =	simm.s32 $0xB00;
	s6 =	simm.s32 $0x300  }
0x24: {  	[tilespmem:s25], [sflag:$0x1] =	stream.indirect.gather [hbm4b:s3+s9], $0x1, s6, s9, $0xb8;
	[tilespmem:$0x2000] =	vst v63  }
0x25: {  	s26 =	simm.s32 $0xB80;
	s7 =	simm.s32 $0x380  }
0x26: {  	[tilespmem:s26], [sflag:$0x1] =	stream.indirect.gather [hbm4b:s3+s9], $0x1, s7, s9, $0xb8;
	[tilespmem:$0x2000] =	vst v63  }
0x27: {  	s26 =	simm.s32 $0xC00  }
0x28: {  	[tilespmem:s26], [sflag:$0x1] =	stream.indirect.gather [hbm4b:s3+s9], $0x1, s10, s9, $0xb8;
	[tilespmem:$0x2000] =	vst v63  }
0x29: {  	s10 =	simm.s32 $0x480  }
0x2a: {  	[tilespmem:s29], [sflag:$0x1] =	stream.indirect.gather [hbm4b:s3+s9], $0x1, s10, s9, $0xb8;
	[tilespmem:$0x2000] =	vst v63  }
0x2b: {  	s6 =	simm.s32 $0x500  }
0x2c: {  	[tilespmem:s31], [sflag:$0x1] =	stream.indirect.gather [hbm4b:s3+s9], $0x1, s6, s9, $0xb8;
	[tilespmem:$0x2000] =	vst v63  }
0x2d: {  	s7 =	simm.s32 $0x580  }
0x2e: {  	[tilespmem:s1], [sflag:$0x1] =	stream.indirect.gather [hbm4b:s3+s9], $0x1, s7, s9, $0xb8;
	[tilespmem:$0x2000] =	vst v63  }
0x2f: {  	s10 =	simm.s32 $0x600  }
0x30: {  	[tilespmem:s14], [sflag:$0x1] =	stream.indirect.gather [hbm4b:s3+s9], $0x1, s10, s9, $0xb8;
	[tilespmem:$0x2000] =	vst v63  }
0x31: {  	s6 =	simm.s32 $0x680  }
0x32: {  	[tilespmem:s18], [sflag:$0x1] =	stream.indirect.gather [hbm4b:s3+s9], $0x1, s6, s9, $0xb8;
	[tilespmem:$0x2000] =	vst v63  }
0x33: {  	s7 =	simm.s32 $0x700  }
0x34: {  	[tilespmem:s22], [sflag:$0x1] =	stream.indirect.gather [hbm4b:s3+s9], $0x1, s7, s9, $0xb8;
	[tilespmem:$0x2000] =	vst v63  }
0x35: {  	s10 =	simm.s32 $0x780  }
0x36: {  	[tilespmem:s28], [sflag:$0x1] =	stream.indirect.gather [hbm4b:s3+s9], $0x1, s10, s9, $0xb8;
	[tilespmem:$0x2000] =	vst v63  }
0x37: {  	_ =	swait.ge [sflag:s30], $0x80  }
0x38: {  	[sflag:s30] =	ssyncset.done $0x0  }
0x39: {  	[sflag:s30] =	ssyncadd.s32 $0xFFFFFF80  }
0x3a: {  	_ =	swait.ge [sflag:s30], $0x80  }
0x3b: {  	[sflag:s30] =	ssyncset.done $0x0  }
0x3c: {  	[sflag:s30] =	ssyncadd.s32 $0xFFFFFF80  }
0x3d: {  	_ =	swait.ge [sflag:s30], $0x80  }
0x3e: {  	[sflag:s30] =	ssyncset.done $0x0  }
0x3f: {  	[sflag:s30] =	ssyncadd.s32 $0xFFFFFF80  }
0x40: {  	_ =	swait.ge [sflag:s30], $0x80  }
0x41: {  	[sflag:s30] =	ssyncset.done $0x0  }
0x42: {  	[sflag:s30] =	ssyncadd.s32 $0xFFFFFF80  }
0x43: {  	_ =	swait.ge [sflag:s30], $0x80  }
0x44: {  	[sflag:s30] =	ssyncset.done $0x0  }
0x45: {  	[sflag:s30] =	ssyncadd.s32 $0xFFFFFF80  }
0x46: {  	_ =	swait.ge [sflag:s30], $0x80  }
0x47: {  	[sflag:s30] =	ssyncset.done $0x0  }
0x48: {  	[sflag:s30] =	ssyncadd.s32 $0xFFFFFF80  }
0x49: {  	_ =	swait.ge [sflag:s30], $0x80  }
0x4a: {  	[sflag:s30] =	ssyncset.done $0x0  }
0x4b: {  	[sflag:s30] =	ssyncadd.s32 $0xFFFFFF80  }
0x4c: {  	_ =	swait.ge [sflag:s30], $0x80  }
0x4d: {  	[sflag:s30] =	ssyncset.done $0x0  }
0x4e: {  	[sflag:s30] =	ssyncadd.s32 $0xFFFFFF80  }
0x4f: {  	_ =	swait.ge [sflag:s30], $0x80  }
0x50: {  	[sflag:s30] =	ssyncset.done $0x0  }
0x51: {  	[sflag:s30] =	ssyncadd.s32 $0xFFFFFF80  }
0x52: {  	_ =	swait.ge [sflag:s30], $0x80  }
0x53: {  	[sflag:s30] =	ssyncset.done $0x0  }
0x54: {  	[sflag:s30] =	ssyncadd.s32 $0xFFFFFF80  }
0x55: {  	_ =	swait.ge [sflag:s30], $0x80  }
0x56: {  	[sflag:s30] =	ssyncset.done $0x0  }
0x57: {  	[sflag:s30] =	ssyncadd.s32 $0xFFFFFF80  }
0x58: {  	_ =	swait.ge [sflag:s30], $0x80  }
0x59: {  	[sflag:s30] =	ssyncset.done $0x0  }
0x5a: {  	[sflag:s30] =	ssyncadd.s32 $0xFFFFFF80  }
0x5b: {  	_ =	swait.ge [sflag:s30], $0x80  }
0x5c: {  	[sflag:s30] =	ssyncset.done $0x0  }
0x5d: {  	[sflag:s30] =	ssyncadd.s32 $0xFFFFFF80  }
0x5e: {  	_ =	swait.ge [sflag:s30], $0x80  }
0x5f: {  	[sflag:s30] =	ssyncset.done $0x0  }
0x60: {  	[sflag:s30] =	ssyncadd.s32 $0xFFFFFF80  }
0x61: {  	_ =	swait.ge [sflag:s30], $0x80  }
0x62: {  	[sflag:s30] =	ssyncset.done $0x0  }
0x63: {  	[sflag:s30] =	ssyncadd.s32 $0xFFFFFF80  }
0x64: {  	_ =	swait.ge [sflag:s30], $0x80  }
0x65: {  	[sflag:s30] =	ssyncset.done $0x0  }
0x66: {  	s0 =	simm.s32 $0x1000;
	[sflag:s30] =	ssyncadd.s32 $0xFFFFFF80  }
0x67: {  	[tilespmem:s0], [sflag:$0x1] =	stream.indirect.gather [hbm4b:s4+s9], $0x1, s13, s9, $0xb8;
	[tilespmem:$0x2000] =	vst v63  }
0x68: {  	s11 =	simm.s32 $0x1080;
	s13 =	simm.s32 $0x880  }
0x69: {  	[tilespmem:s11], [sflag:$0x1] =	stream.indirect.gather [hbm4b:s4+s9], $0x1, s13, s9, $0xb8;
	[tilespmem:$0x2000] =	vst v63  }
0x6a: {  	s11 =	simm.s32 $0x1100  }
0x6b: {  	[tilespmem:s11], [sflag:$0x1] =	stream.indirect.gather [hbm4b:s4+s9], $0x1, s15, s9, $0xb8;
	[tilespmem:$0x2000] =	vst v63  }
0x6c: {  	s16 =	simm.s32 $0x1180  }
0x6d: {  	[tilespmem:s16], [sflag:$0x1] =	stream.indirect.gather [hbm4b:s4+s9], $0x1, s19, s9, $0xb8;
	[tilespmem:$0x2000] =	vst v63  }
0x6e: {  	s19 =	simm.s32 $0xA00;
	s16 =	simm.s32 $0x1200  }
0x6f: {  	[tilespmem:s16], [sflag:$0x1] =	stream.indirect.gather [hbm4b:s4+s9], $0x1, s19, s9, $0xb8;
	[tilespmem:$0x2000] =	vst v63  }
0x70: {  	s20 =	simm.s32 $0x1280  }
0x71: {  	[tilespmem:s20], [sflag:$0x1] =	stream.indirect.gather [hbm4b:s4+s9], $0x1, s21, s9, $0xb8;
	[tilespmem:$0x2000] =	vst v63  }
0x72: {  	s20 =	simm.s32 $0x1300  }
0x73: {  	[tilespmem:s20], [sflag:$0x1] =	stream.indirect.gather [hbm4b:s4+s9], $0x1, s25, s9, $0xb8;
	[tilespmem:$0x2000] =	vst v63  }
0x74: {  	s24 =	simm.s32 $0x1380;
	s25 =	simm.s32 $0xB80  }
0x75: {  	[tilespmem:s24], [sflag:$0x1] =	stream.indirect.gather [hbm4b:s4+s9], $0x1, s25, s9, $0xb8;
	[tilespmem:$0x2000] =	vst v63  }
0x76: {  	s24 =	simm.s32 $0x1400  }
0x77: {  	[tilespmem:s24], [sflag:$0x1] =	stream.indirect.gather [hbm4b:s4+s9], $0x1, s26, s9, $0xb8;
	[tilespmem:$0x2000] =	vst v63  }
0x78: {  	s2 =	simm.s32 $0x1480  }
0x79: {  	[tilespmem:s2], [sflag:$0x1] =	stream.indirect.gather [hbm4b:s4+s9], $0x1, s29, s9, $0xb8;
	[tilespmem:$0x2000] =	vst v63  }
0x7a: {  	s2 =	simm.s32 $0x1500  }
0x7b: {  	[tilespmem:s2], [sflag:$0x1] =	stream.indirect.gather [hbm4b:s4+s9], $0x1, s31, s9, $0xb8;
	[tilespmem:$0x2000] =	vst v63  }
0x7c: {  	s12 =	simm.s32 $0x1580  }
0x7d: {  	[tilespmem:s12], [sflag:$0x1] =	stream.indirect.gather [hbm4b:s4+s9], $0x1, s1, s9, $0xb8;
	[tilespmem:$0x2000] =	vst v63  }
0x7e: {  	s12 =	simm.s32 $0x1600  }
0x7f: {  	[tilespmem:s12], [sflag:$0x1] =	stream.indirect.gather [hbm4b:s4+s9], $0x1, s14, s9, $0xb8;
	[tilespmem:$0x2000] =	vst v63  }
0x80: {  	s17 =	simm.s32 $0x1680  }
0x81: {  	[tilespmem:s17], [sflag:$0x1] =	stream.indirect.gather [hbm4b:s4+s9], $0x1, s18, s9, $0xb8;
	[tilespmem:$0x2000] =	vst v63  }
0x82: {  	s17 =	simm.s32 $0x1700  }
0x83: {  	[tilespmem:s17], [sflag:$0x1] =	stream.indirect.gather [hbm4b:s4+s9], $0x1, s22, s9, $0xb8;
	[tilespmem:$0x2000] =	vst v63  }
0x84: {  	_ = 	snop  }
0x85: {  	[tilespmem:s23], [sflag:$0x1] =	stream.indirect.gather [hbm4b:s4+s9], $0x1, s28, s9, $0xb8;
	[tilespmem:$0x2000] =	vst v63  }
0x86: {  	_ =	swait.ge [sflag:s30], $0x80  }
0x87: {  	[sflag:s30] =	ssyncset.done $0x0  }
0x88: {  	[sflag:s30] =	ssyncadd.s32 $0xFFFFFF80  }
0x89: {  	_ =	swait.ge [sflag:s30], $0x80  }
0x8a: {  	[sflag:s30] =	ssyncset.done $0x0  }
0x8b: {  	[sflag:s30] =	ssyncadd.s32 $0xFFFFFF80  }
0x8c: {  	_ =	swait.ge [sflag:s30], $0x80  }
0x8d: {  	[sflag:s30] =	ssyncset.done $0x0  }
0x8e: {  	[sflag:s30] =	ssyncadd.s32 $0xFFFFFF80  }
0x8f: {  	_ =	swait.ge [sflag:s30], $0x80  }
0x90: {  	[sflag:s30] =	ssyncset.done $0x0  }
0x91: {  	[sflag:s30] =	ssyncadd.s32 $0xFFFFFF80  }
0x92: {  	_ =	swait.ge [sflag:s30], $0x80  }
0x93: {  	[sflag:s30] =	ssyncset.done $0x0  }
0x94: {  	[sflag:s30] =	ssyncadd.s32 $0xFFFFFF80  }
0x95: {  	_ =	swait.ge [sflag:s30], $0x80  }
0x96: {  	[sflag:s30] =	ssyncset.done $0x0  }
0x97: {  	[sflag:s30] =	ssyncadd.s32 $0xFFFFFF80  }
0x98: {  	_ =	swait.ge [sflag:s30], $0x80  }
0x99: {  	[sflag:s30] =	ssyncset.done $0x0  }
0x9a: {  	[sflag:s30] =	ssyncadd.s32 $0xFFFFFF80  }
0x9b: {  	_ =	swait.ge [sflag:s30], $0x80  }
0x9c: {  	[sflag:s30] =	ssyncset.done $0x0  }
0x9d: {  	[sflag:s30] =	ssyncadd.s32 $0xFFFFFF80  }
0x9e: {  	_ =	swait.ge [sflag:s30], $0x80  }
0x9f: {  	[sflag:s30] =	ssyncset.done $0x0  }
0xa0: {  	[sflag:s30] =	ssyncadd.s32 $0xFFFFFF80  }
0xa1: {  	_ =	swait.ge [sflag:s30], $0x80  }
0xa2: {  	[sflag:s30] =	ssyncset.done $0x0  }
0xa3: {  	[sflag:s30] =	ssyncadd.s32 $0xFFFFFF80  }
0xa4: {  	_ =	swait.ge [sflag:s30], $0x80  }
0xa5: {  	[sflag:s30] =	ssyncset.done $0x0  }
0xa6: {  	[sflag:s30] =	ssyncadd.s32 $0xFFFFFF80  }
0xa7: {  	_ =	swait.ge [sflag:s30], $0x80  }
0xa8: {  	[sflag:s30] =	ssyncset.done $0x0  }
0xa9: {  	[sflag:s30] =	ssyncadd.s32 $0xFFFFFF80  }
0xaa: {  	_ =	swait.ge [sflag:s30], $0x80  }
0xab: {  	[sflag:s30] =	ssyncset.done $0x0  }
0xac: {  	[sflag:s30] =	ssyncadd.s32 $0xFFFFFF80  }
0xad: {  	_ =	swait.ge [sflag:s30], $0x80  }
0xae: {  	[sflag:s30] =	ssyncset.done $0x0  }
0xaf: {  	[sflag:s30] =	ssyncadd.s32 $0xFFFFFF80  }
0xb0: {  	_ =	swait.ge [sflag:s30], $0x80  }
0xb1: {  	[sflag:s30] =	ssyncset.done $0x0  }
0xb2: {  	[sflag:s30] =	ssyncadd.s32 $0xFFFFFF80  }
0xb3: {  	_ =	swait.ge [sflag:s30], $0x80  }
0xb4: {  	[sflag:s30] =	ssyncset.done $0x0  }
0xb5: {  	s10 =	simm.s32 $0x0;
	[sflag:s30] =	ssyncadd.s32 $0xFFFFFF80  }
0xb6: {  	s6 =	simm.s32 $0x40;
	v0 =	vld [tilespmem:s10+$0x1800]  }
.LBB2_2:
0xb7: {  	p0 =	sne.s32 s6, $0x1FC0;
	v1 =	vld [tilespmem:s10+$0x1000];
	_ =	sdelay $0x2  }
.Ltmp0:
0xb8: {  	(pc) =	sbr.rel @p0 .LBB2_2-.Ltmp0, $4  }
0xb9: {  	_ = 	snop  }
0xba: {  	v1 =	vmul.f32 v0, v1  }
0xbb: {  	s7 =	sshra.s32 s6, $0x2  }
0xbc: {  	s6 =	sadd.s32 $0x40, s6;
	v0 =	vld [tilespmem:s7+$0x1800];
	[tilespmem:s10+$0x1000] =	vst v1;
	s10 =	smov.u32 s7  }
0xbd: {  	v1 =	vld [tilespmem:s10+$0x1000];
	_ =	sdelay $0x4  }
0xbe: {  	v0 =	vmul.f32 v0, v1;
	_ =	sdelay $0x1  }
0xbf: {  	s6 =	simm.s32 $0x800;
	[tilespmem:s10+$0x1000] =	vst v0  }
0xc0: {  	[hbm4b:s4+s9] =	stream.indirect.scatter [tilespmem:s0], [sflag:$0x1], $0x1, s6, s9, $0xb8;
	[tilespmem:$0x2000] =	vst v63  }
0xc1: {  	s10 =	simm.s32 $0x1080  }
0xc2: {  	[hbm4b:s4+s9] =	stream.indirect.scatter [tilespmem:s10], [sflag:$0x1], $0x1, s13, s9, $0xb8;
	[tilespmem:$0x2000] =	vst v63  }
0xc3: {  	_ = 	snop  }
0xc4: {  	[hbm4b:s4+s9] =	stream.indirect.scatter [tilespmem:s11], [sflag:$0x1], $0x1, s15, s9, $0xb8;
	[tilespmem:$0x2000] =	vst v63  }
0xc5: {  	s13 =	simm.s32 $0x980;
	s11 =	simm.s32 $0x1180  }
0xc6: {  	[hbm4b:s4+s9] =	stream.indirect.scatter [tilespmem:s11], [sflag:$0x1], $0x1, s13, s9, $0xb8;
	[tilespmem:$0x2000] =	vst v63  }
0xc7: {  	_ = 	snop  }
0xc8: {  	[hbm4b:s4+s9] =	stream.indirect.scatter [tilespmem:s16], [sflag:$0x1], $0x1, s19, s9, $0xb8;
	[tilespmem:$0x2000] =	vst v63  }
0xc9: {  	s15 =	simm.s32 $0x1280  }
0xca: {  	[hbm4b:s4+s9] =	stream.indirect.scatter [tilespmem:s15], [sflag:$0x1], $0x1, s21, s9, $0xb8;
	[tilespmem:$0x2000] =	vst v63  }
0xcb: {  	s16 =	simm.s32 $0xB00  }
0xcc: {  	[hbm4b:s4+s9] =	stream.indirect.scatter [tilespmem:s20], [sflag:$0x1], $0x1, s16, s9, $0xb8;
	[tilespmem:$0x2000] =	vst v63  }
0xcd: {  	s19 =	simm.s32 $0x1380  }
0xce: {  	[hbm4b:s4+s9] =	stream.indirect.scatter [tilespmem:s19], [sflag:$0x1], $0x1, s25, s9, $0xb8;
	[tilespmem:$0x2000] =	vst v63  }
0xcf: {  	_ = 	snop  }
0xd0: {  	[hbm4b:s4+s9] =	stream.indirect.scatter [tilespmem:s24], [sflag:$0x1], $0x1, s26, s9, $0xb8;
	[tilespmem:$0x2000] =	vst v63  }
0xd1: {  	s20 =	simm.s32 $0x1480  }
0xd2: {  	[hbm4b:s4+s9] =	stream.indirect.scatter [tilespmem:s20], [sflag:$0x1], $0x1, s29, s9, $0xb8;
	[tilespmem:$0x2000] =	vst v63  }
0xd3: {  	_ = 	snop  }
0xd4: {  	[hbm4b:s4+s9] =	stream.indirect.scatter [tilespmem:s2], [sflag:$0x1], $0x1, s31, s9, $0xb8;
	[tilespmem:$0x2000] =	vst v63  }
0xd5: {  	s21 =	simm.s32 $0x1580  }
0xd6: {  	[hbm4b:s4+s9] =	stream.indirect.scatter [tilespmem:s21], [sflag:$0x1], $0x1, s1, s9, $0xb8;
	[tilespmem:$0x2000] =	vst v63  }
0xd7: {  	_ = 	snop  }
0xd8: {  	[hbm4b:s4+s9] =	stream.indirect.scatter [tilespmem:s12], [sflag:$0x1], $0x1, s14, s9, $0xb8;
	[tilespmem:$0x2000] =	vst v63  }
0xd9: {  	s24 =	simm.s32 $0x1680  }
0xda: {  	[hbm4b:s4+s9] =	stream.indirect.scatter [tilespmem:s24], [sflag:$0x1], $0x1, s18, s9, $0xb8;
	[tilespmem:$0x2000] =	vst v63  }
0xdb: {  	_ = 	snop  }
0xdc: {  	[hbm4b:s4+s9] =	stream.indirect.scatter [tilespmem:s17], [sflag:$0x1], $0x1, s22, s9, $0xb8;
	[tilespmem:$0x2000] =	vst v63  }
0xdd: {  	s25 =	simm.s32 $0x1780  }
0xde: {  	[hbm4b:s4+s9] =	stream.indirect.scatter [tilespmem:s25], [sflag:$0x1], $0x1, s28, s9, $0xb8;
	[tilespmem:$0x2000] =	vst v63  }
0xdf: {  	_ =	swait.ge [sflag:s30], $0x80  }
0xe0: {  	[sflag:s30] =	ssyncset.done $0x0  }
0xe1: {  	[sflag:s30] =	ssyncadd.s32 $0xFFFFFF80  }
0xe2: {  	_ =	swait.ge [sflag:s30], $0x80  }
0xe3: {  	[sflag:s30] =	ssyncset.done $0x0  }
0xe4: {  	[sflag:s30] =	ssyncadd.s32 $0xFFFFFF80  }
0xe5: {  	_ =	swait.ge [sflag:s30], $0x80  }
0xe6: {  	[sflag:s30] =	ssyncset.done $0x0  }
0xe7: {  	[sflag:s30] =	ssyncadd.s32 $0xFFFFFF80  }
0xe8: {  	_ =	swait.ge [sflag:s30], $0x80  }
0xe9: {  	[sflag:s30] =	ssyncset.done $0x0  }
0xea: {  	[sflag:s30] =	ssyncadd.s32 $0xFFFFFF80  }
0xeb: {  	_ =	swait.ge [sflag:s30], $0x80  }
0xec: {  	[sflag:s30] =	ssyncset.done $0x0  }
0xed: {  	[sflag:s30] =	ssyncadd.s32 $0xFFFFFF80  }
0xee: {  	_ =	swait.ge [sflag:s30], $0x80  }
0xef: {  	[sflag:s30] =	ssyncset.done $0x0  }
0xf0: {  	[sflag:s30] =	ssyncadd.s32 $0xFFFFFF80  }
0xf1: {  	_ =	swait.ge [sflag:s30], $0x80  }
0xf2: {  	[sflag:s30] =	ssyncset.done $0x0  }
0xf3: {  	[sflag:s30] =	ssyncadd.s32 $0xFFFFFF80  }
0xf4: {  	_ =	swait.ge [sflag:s30], $0x80  }
0xf5: {  	[sflag:s30] =	ssyncset.done $0x0  }
0xf6: {  	[sflag:s30] =	ssyncadd.s32 $0xFFFFFF80  }
0xf7: {  	_ =	swait.ge [sflag:s30], $0x80  }
0xf8: {  	[sflag:s30] =	ssyncset.done $0x0  }
0xf9: {  	[sflag:s30] =	ssyncadd.s32 $0xFFFFFF80  }
0xfa: {  	_ =	swait.ge [sflag:s30], $0x80  }
0xfb: {  	[sflag:s30] =	ssyncset.done $0x0  }
0xfc: {  	[sflag:s30] =	ssyncadd.s32 $0xFFFFFF80  }
0xfd: {  	_ =	swait.ge [sflag:s30], $0x80  }
0xfe: {  	[sflag:s30] =	ssyncset.done $0x0  }
0xff: {  	[sflag:s30] =	ssyncadd.s32 $0xFFFFFF80  }
0x100: {  	_ =	swait.ge [sflag:s30], $0x80  }
0x101: {  	[sflag:s30] =	ssyncset.done $0x0  }
0x102: {  	[sflag:s30] =	ssyncadd.s32 $0xFFFFFF80  }
0x103: {  	_ =	swait.ge [sflag:s30], $0x80  }
0x104: {  	[sflag:s30] =	ssyncset.done $0x0  }
0x105: {  	[sflag:s30] =	ssyncadd.s32 $0xFFFFFF80  }
0x106: {  	_ =	swait.ge [sflag:s30], $0x80  }
0x107: {  	[sflag:s30] =	ssyncset.done $0x0  }
0x108: {  	[sflag:s30] =	ssyncadd.s32 $0xFFFFFF80  }
0x109: {  	_ =	swait.ge [sflag:s30], $0x80  }
0x10a: {  	[sflag:s30] =	ssyncset.done $0x0  }
0x10b: {  	[sflag:s30] =	ssyncadd.s32 $0xFFFFFF80  }
0x10c: {  	_ =	swait.ge [sflag:s30], $0x80  }
0x10d: {  	s5 =	sadd.s32 $0x1, s5;
	s26 =	rddreg [dreg:$0x5]  }
0x10e: {  	p0 =	sne.s32 s5, s26  }
.Ltmp1:
0x10f: {  	_ = 	snop;
	(pc) =	sbr.rel @p0 .LBB2_1-.Ltmp1, $3  }
0x110: {  	_ =	sdelay $0x1  }
0x111: {  	[sflag:s30] =	ssyncset.done $0x0  }
0x112: {  	[sflag:s30] =	ssyncadd.s32 $0xFFFFFF80  }
0x113: {  	_ =	sfence.sel $0x180000  }
0x114: {  	[bflag:$0x0] =	sbarrier.arrive $0xFFFF  }
0x115: {  	_ =	strace $0x90000050  }
0x116: {  	s0 =	stileid.u32;
	[bflag:$0x2] =	sbarrier.arrive $0xFFFF  }
0x117: {  	p0 =	sne.s32 s0, $0x0;
	s0 =	rddreg [dreg:$0x2]  }
0x118: {  	s0 =	sadd.s32 @!p0 $0x100000, s0  }
0x119: {  	[sflag:s0] =	ssyncadd.tile.s32 @!p0 $0x1;
	_ =	shalt  }
.Lfunc_end2:
_tile_overlayer_lowered:
.L_overlay_start_2:
0x11a: {  	(tag) =	ssettag $0x2  }
0x11b: {  	s0 =	rddreg [dreg:$0x0];
	s2 =	stileid.u32  }
0x11c: {  	s1 =	rddreg [dreg:$0x1];
	p0 =	sne.s32 s2, $0x0  }
0x11d: {  	s3 =	rddreg [dreg:$0x2];
	[bflag:$0x3] =	sbarrier.arrive $0xFFFF;
	s2 =	simm.s32 @!p0 $0x1C02  }
0x11e: {  	[timem:s3], [sflag:s2] =	dma.local @!p0 [hbm:s0], s1  }
0x11f: {  	s0 =	simm.s32 @!p0 $0x2  }
0x120: {  	_ =	swait.ge @!p0 [sflag:s0], s1  }
0x121: {  	s1 =	ssub.s32 @!p0 $0x0, s1;
	[sflag:s0] =	ssyncset.done @!p0 $0x0  }
0x122: {  	[sflag:s0] =	ssyncadd.s32 @!p0 s1  }
0x123: {  	[bflag:$0x3] =	sbarrier.arrive $0xFFFF  }
0x124: {  	_ =	shalt  }

// kernel: sparse-core-data-format-call.cloned.1.call-start
scs
called_computation_lowered:
.L_overlay_start_0:
0x0: {  	s2 =	sld [smem:$0x3FD9]  }
0x1: {  	s3 =	sld [smem:$0x3FFE];
	_ =	sdelay $0x1  }
0x2: {  	s1 =	srdreg.scid  }
0x3: {  	s0 =	sand.u32 $0x1, s1  }
0x4: {  	s18 =	sshll.u32 s0, $0xA;
	s2 =	sadd.s32 s3, s2  }
0x5: {  	s2 =	sadd.s32 s2, s18  }
0x6: {  	[smem:$0x3FC6] =	sst s2  }
0x7: {  	_ = 	snop  }
0x8: {  	s19 =	sld [smem:$0x3FC9];
	(tm) =	ssettm $0x1  }
0x9: {  	s20 =	sld [smem:$0x3FFB];
	_ =	sdelay $0x3  }
0xa: {  	_ =	strace s20  }
0xb: {  	s2 =	sld [smem:$0x3FFC];
	_ =	sdelay $0x3  }
0xc: {  	_ =	strace s2  }
0xd: {  	s2 =	sld [smem:$0x3FFD];
	_ =	sdelay $0x3  }
0xe: {  	_ =	strace s2  }
0xf: {  	_ =	strace $0x8FFFFFFF  }
0x10: {  	s21 =	sld [smem:$0x3FDB];
	_ =	sdelay $0x1  }
0x11: {  	s4 =	simm.s32 $_scs_section_size  }
0x12: {  	s5 =	simm.s32 $_size__tile_overlayer_lowered;
	s6 =	simm.s32 $_tile_overlayer_lowered  }
0x13: {  	s7 =	simm.s32 $0x1BFF;
	s22 =	sshll.u32 s6, $0x1;
	s4 =	sadd.s32 s4, s21  }
0x14: {  	s23 =	simm.s32 $0x0;
	s5 =	sshll.u32 s5, $0x1;
	s6 =	sadd.s32 s22, s4  }
0x15: {  	[timem:s23], [sflag:s7] =	dma.local [hbm:s6], s5  }
0x16: {  	_ =	swait.ge [sflag:s7], s5  }
0x17: {  	s5 =	ssub.s32 $0x0, s5;
	[sflag:s7] =	ssyncset.done $0x0  }
0x18: {  	[sflag:s7] =	ssyncadd.s32 s5;
	_ =	sdelay $0x1  }
0x19: {  	s24 =	simm.s32 $0x1B8B  }
0x1a: {  	_ =	swait.ge [sflag:s24], $0x1  }
0x1b: {  	[sflag:s24] =	ssyncset.done $0x0  }
0x1c: {  	[sflag:s24] =	ssyncadd.s32 $0xFFFFFFFF  }
0x1d: {  	s5 =	sld [smem:$0x0]  }
0x1e: {  	s6 =	sand.u32 $0xFFFFFFFE, s1  }
0x1f: {  	p0 =	sne.s32 s1, s6  }
0x20: {  	s6 =	sshll.u32 @p0 s6, $0xE  }
0x21: {  	s6 =	sadd.s32 @p0 $0x11B8D, s6;
	s7 =	sshll.u32 @p0 s5, $0x11  }
0x22: {  	s6 =	sor.u32 @p0 s7, s6  }
0x23: {  	[sflag:s6] =	ssyncadd.remote.s32 @p0 $0x1;
	_ =	sdelay $0x1  }
0x24: {  	s6 =	simm.s32 @p0 $0x1B8D  }
0x25: {  	_ =	swait.eq @p0 [sflag:s6], $0x1  }
0x26: {  	[sflag:s6] =	ssyncadd.s32 @p0 $0xFFFFFFFF  }
0x27: {  	s7 =	sshll.u32 @!p0 s1, $0xE  }
0x28: {  	s7 =	sor.u32 @!p0 $0x4000, s7;
	s6 =	simm.s32 @!p0 $0x1B8D  }
0x29: {  	s5 =	sshll.u32 @!p0 s5, $0x11;
	s7 =	sadd.s32 @!p0 $0x11B8D, s7;
	_ =	swait.eq @!p0 [sflag:s6], $0x1  }
0x2a: {  	s5 =	sor.u32 @!p0 s5, s7;
	[sflag:s6] =	ssyncadd.s32 @!p0 $0xFFFFFFFF  }
0x2b: {  	s26 =	simm.s32 $0x1B8E;
	s25 =	sld [smem:$0x3FFE];
	[sflag:s5] =	ssyncadd.remote.s32 @!p0 $0x1  }
0x2c: {  	s27 =	simm.s32 $execute0_lowered;
	[smem:$0x3FD2] =	sst s26  }
0x2d: {  	s6 =	sshll.u32 s27, $0x1;
	_ =	strace $0x8000004C;
	[dreg:$0x1] =	wrdreg $0xFFFFFFFF  }
0x2e: {  	s28 =	simm.s32 $_size_execute0_lowered;
	s4 =	sadd.s32 s4, s6;
	[dreg:$0x0] =	wrdreg $0x0  }
0x2f: {  	s6 =	sshll.u32 s28, $0x1;
	[dreg:$0x2] =	wrdreg s4  }
0x30: {  	[dreg:$0x3] =	wrdreg s6  }
0x31: {  	[dreg:$0x4] =	wrdreg $0xC0  }
0x32: {  	_ =	task [dreg:s23], $0x5FFFF  }
0x33: {  	[dreg:$0x1] =	wrdreg $0xFFFFFFFF  }
0x34: {  	[dreg:$0x0] =	wrdreg $0x60  }
0x35: {  	[dreg:$0x2] =	wrdreg s19  }
0x36: {  	[dreg:$0x3] =	wrdreg s25  }
0x37: {  	[dreg:$0x4] =	wrdreg $0x9  }
0x38: {  	_ =	task.clear_ibuf [dreg:s23], $0x5FFFF;
	_ =	strace $0x9000004C  }
0x39: {  	s29 =	simm.s32 $0x9;
	_ =	strace $0x8000004E  }
0x3a: {  	_ =	swait.ge [sflag:s29], $0x1  }
0x3b: {  	[sflag:s29] =	ssyncadd.s32 $0xFFFFFFFF  }
0x3c: {  	_ =	strace $0x9000004E  }
0x3d: {  	_ =	sfence  }
0x3e: {  	s30 =	sld [smem:$0x0];
	_ =	sdelay $0x2  }
0x3f: {  	s31 =	sshll.u32 s1, $0xD;
	s1 =	sshrl.u32 s1, $0x2  }
0x40: {  	s4 =	sand.u32 $0x4000, s31;
	s1 =	sadd.s32 s1, s30  }
0x41: {  	s0 =	sor.u32 s4, s0;
	s1 =	sshll.u32 s1, $0x11  }
0x42: {  	s0 =	sor.u32 s1, s0  }
0x43: {  	s0 =	sadd.s32 $0x8F2B, s0  }
0x44: {  	[sflag:s0] =	ssyncadd.remote.s32 $0x1  }
0x45: {  	_ =	sfence.sel $0xFFFF  }
0x46: {  	[dreg:$0x0] =	wrdreg $0xFFFFFFFF;
	(pc) =	sbr.abs _section_cstart, $3  }
0x47: {  	[dreg:$0x1] =	wrdreg $0xFFFFFFFF  }
0x48: {  	_ =	task.clear_ibuf [dreg:s23], $0x2FFFF;
	_ =	strace $0x9FFFFFFF  }
0x49: {  	(tm) =	ssettm $0x7FFFFFFF  }
tec
execute0_lowered:
.L_overlay_start_1:
0x0: {  	(tag) =	ssettag $0x1  }
0x1: {  	s2 =	rddreg [dreg:$0x0]  }
0x2: {  	s1 =	rddreg [dreg:$0x1]  }
0x3: {  	s0 =	rddreg [dreg:$0x2];
	_ =	strace $0x8000004D;
	s4 =	srdreg.scid  }
0x4: {  	s6 =	simm.s32 $0x2;
	s11 =	simm.s32 $0x0;
	p0 =	por $0x0, $0x0  }
.Ltmp0:
0x5: {  	s7 =	simm.s32 $0x1000;
	s12 =	simm.s32 $0x0;
	(pc) =	sbr.rel .LBB1_1-.Ltmp0, $4  }
0x6: {  	s9 =	simm.s32 $0x0;
	s3 =	sadd.s32 $0x8C00, s1;
	s5 =	sshll.u32 s4, $0x4  }
0x7: {  	s1 =	stileid.u32;
	s4 =	simm.s32 $0x1;
	s5 =	sand.u32 $0x10, s5  }
0x8: {  	s8 =	simm.s32 $0x0;
	[sflag:s4] =	ssyncpa.u1 $0x0;
	s5 =	sor.u32 s1, s5  }
0x9: {  	[sflag:s6] =	ssyncpa.u1 $0x0;
	s6 =	simm.s32 $0x800;
	s10 =	smov.u32 s5  }
.LBB1_7:
0xa: {  	s13 =	sadd.s32 $0x10, s9  }
0xb: {  	s11 =	sadd.s32 $0x20, s10;
	s15 =	smov.u32 s10;
	p2 =	sgt.s32 s13, $0x1F  }
0xc: {  	p1 =	slt.u32 s8, $0x2;
	s15 =	smov.u32 @p2 s11  }
0xd: {  	s8 =	sadd.s32 $0x1, s8;
	s13 =	simm.s32 @p2 $0x0;
	p2 =	sgt.s32 s15, $0x1FF  }
0xe: {  	s15 =	smov.u32 @p2 s5;
	p2 =	sne.s32 s8, $0x22  }
.Ltmp1:
0xf: {  	_ = 	snop;
	(pc) =	sbr.rel @!p2 .LBB1_8-.Ltmp1, $4  }
0x10: {  	s14 =	simm.s32 @!p1 $0x2  }
0x11: {  	s12 =	smov.u32 s10;
	_ =	swait.ge @!p1 [sflag:s14], $0x4000  }
0x12: {  	p0 =	por !p0, !p0;
	s11 =	smov.u32 s9;
	[sflag:s14] =	ssyncset.done @!p1 $0x0  }
0x13: {  	s9 =	smov.u32 s13;
	[sflag:s14] =	ssyncadd.s32 @!p1 $0xFFFFC000;
	s10 =	smov.u32 s15  }
.LBB1_1:
0x14: {  	p1 =	sgt.u32 s8, $0x1F  }
0x15: {  	s13 =	sxor.u32 @!p1 $0xFFFFFFFF, s8;
	s14 =	sshll.u32 @!p1 s10, $0xC  }
0x16: {  	s15 =	sshll.u32 @!p1 s9, $0x7;
	s13 =	sshll.u32 @!p1 s13, $0xE;
	s14 =	sadd.s32 @!p1 s2, s14  }
0x17: {  	s13 =	sand.u32 @!p1 $0x4000, s13;
	s14 =	sadd.s32 @!p1 s15, s14;
	s15 =	simm.s32 @!p1 $0x0  }
0x18: {  	[tilespmem:s13], [sflag:$0x1] =	stream.linear.gather @!p1 [hbm4b:s14+s15], $0x4000, $0x38;
	[tilespmem:$0x10000] =	vst v63  }
0x19: {  	p1 =	seq.s32 s8, $0x0  }
0x1a: {  	p2 =	seq.s32 @!p1 s8, $0x21  }
0x1b: {  	p1 =	por p1, p2  }
.Ltmp2:
0x1c: {  	_ = 	snop;
	(pc) =	sbr.rel @p1 .LBB1_7-.Ltmp2, $1  }
0x1d: {  	_ =	sdelay $0x3  }
0x1e: {  	s13 =	simm.s32 $0x1;
	_ =	swait.ge [sflag:s4], $0x4000;
	s16 =	sshll.u32 s8, $0xE  }
0x1f: {  	s13 =	simm.s32 @!p0 $0x0;
	[sflag:s4] =	ssyncset.done $0x0;
	s31 =	sand.u32 $0x4000, s16  }
0x20: {  	s16 =	simm.s32 $0x0;
	s14 =	sshll.u32 s13, $0xE;
	[sflag:s4] =	ssyncadd.s32 $0xFFFFC000  }
0x21: {  	s13 =	sor.u32 $0x8040, s14;
	s15 =	sor.u32 $0x40, s14;
	s14 =	sor.u32 $0x8000, s31  }
.LBB1_3:
0x22: {  	v0 =	vmov s15;
	_ =	sdelay $0x3  }
0x23: {  	s18 =	simm.s32 $0x0  }
0x24: {  	v6 =	vld.idx.msk [tilespmem:v0+s18+$0x30 ss:$0x1], $0xffff  }
0x25: {  	v7 =	vld.idx.msk [tilespmem:v0+s18+$0xFFFFFFC0 ss:$0x1], $0xffff  }
0x26: {  	v5 =	vld.idx.msk [tilespmem:v0+s18+$0xFFFFFFD0 ss:$0x1], $0xffff  }
0x27: {  	v4 =	vld.idx.msk [tilespmem:v0+s18+$0xFFFFFFE0 ss:$0x1], $0xffff  }
0x28: {  	v3 =	vld.idx.msk [tilespmem:v0+s18+$0xFFFFFFF0 ss:$0x1], $0xffff  }
0x29: {  	v1 =	vld.idx.msk [tilespmem:v0+s18+$0x0 ss:$0x1], $0xffff  }
0x2a: {  	v2 =	vld.idx.msk [tilespmem:v0+s18+$0x10 ss:$0x1], $0xffff;
	[tilespmem:s13+$0x30] =	vst v6  }
0x2b: {  	s17 =	simm.s32 $0x80;
	s19 =	simm.s32 $0x400;
	[tilespmem:s13+$0xFFFFFFC0] =	vst v7;
	v6 =	vld.idx.msk [tilespmem:v0+s18+$0x20 ss:$0x1], $0xffff;
	s18 =	smov.u32 s13  }
.LBB1_4:
0x2c: {  	p1 =	sne.s32 s19, $0xE00;
	v7 =	vld.idx.msk [tilespmem:v0+s17+$0x30 ss:$0x1], $0xffff;
	[tilespmem:s18+$0xFFFFFFD0] =	vst v5  }
0x2d: {  	v8 =	vld.idx.msk [tilespmem:v0+s17+$0xFFFFFFC0 ss:$0x1], $0xffff;
	[tilespmem:s18+$0xFFFFFFE0] =	vst v4  }
0x2e: {  	v5 =	vld.idx.msk [tilespmem:v0+s17+$0xFFFFFFD0 ss:$0x1], $0xffff;
	[tilespmem:s18+$0xFFFFFFF0] =	vst v3  }
.Ltmp3:
0x2f: {  	v4 =	vld.idx.msk [tilespmem:v0+s17+$0xFFFFFFE0 ss:$0x1], $0xffff;
	[tilespmem:s18+$0x0] =	vst v1;
	(pc) =	sbr.rel @p1 .LBB1_4-.Ltmp3, $4  }
0x30: {  	v3 =	vld.idx.msk [tilespmem:v0+s17+$0xFFFFFFF0 ss:$0x1], $0xffff;
	[tilespmem:s18+$0x10] =	vst v2  }
0x31: {  	v1 =	vld.idx.msk [tilespmem:v0+s17+$0x0 ss:$0x1], $0xffff;
	[tilespmem:s18+$0x20] =	vst v6;
	s18 =	sadd.s32 $0x800, s18  }
0x32: {  	v2 =	vld.idx.msk [tilespmem:v0+s17+$0x10 ss:$0x1], $0xffff;
	[tilespmem:s18+$0x30] =	vst v7  }
0x33: {  	[tilespmem:s18+$0xFFFFFFC0] =	vst v8;
	v6 =	vld.idx.msk [tilespmem:v0+s17+$0x20 ss:$0x1], $0xffff;
	s17 =	sshra.s32 s19, $0x2;
	s19 =	sadd.s32 $0x200, s19  }
0x34: {  	_ =	sdelay $0x2  }
0x35: {  	[tilespmem:s18+$0xFFFFFFD0] =	vst v5  }
0x36: {  	v56 =	vld.idx.msk [tilespmem:v0+s17+$0x30 ss:$0x1], $0xffff;
	[tilespmem:s18+$0xFFFFFFE0] =	vst v4  }
0x37: {  	v57 =	vld.idx.msk [tilespmem:v0+s17+$0xFFFFFFC0 ss:$0x1], $0xffff;
	[tilespmem:s18+$0xFFFFFFF0] =	vst v3  }
0x38: {  	v58 =	vld.idx.msk [tilespmem:v0+s17+$0xFFFFFFD0 ss:$0x1], $0xffff;
	[tilespmem:s18+$0x0] =	vst v1  }
0x39: {  	v59 =	vld.idx.msk [tilespmem:v0+s17+$0xFFFFFFE0 ss:$0x1], $0xffff;
	[tilespmem:s18+$0x10] =	vst v2  }
0x3a: {  	v60 =	vld.idx.msk [tilespmem:v0+s17+$0xFFFFFFF0 ss:$0x1], $0xffff;
	s31 =	sadd.s32 $0x800, s18;
	[tilespmem:s18+$0x20] =	vst v6  }
0x3b: {  	v61 =	vld.idx.msk [tilespmem:v0+s17+$0x0 ss:$0x1], $0xffff;
	[tilespmem:s31+$0x30] =	vst v56  }
0x3c: {  	v62 =	vld.idx.msk [tilespmem:v0+s17+$0x10 ss:$0x1], $0xffff;
	s16 =	sadd.s32 $0x1, s16;
	[tilespmem:s31+$0xFFFFFFC0] =	vst v57  }
0x3d: {  	v63 =	vld.idx.msk [tilespmem:v0+s17+$0x20 ss:$0x1], $0xffff;
	p1 =	sne.s32 s16, $0x10;
	[tilespmem:s31+$0xFFFFFFD0] =	vst v58  }
.Ltmp4:
0x3e: {  	[tilespmem:s31+$0xFFFFFFE0] =	vst v59;
	(pc) =	sbr.rel @p1 .LBB1_3-.Ltmp4, $4  }
0x3f: {  	[tilespmem:s31+$0xFFFFFFF0] =	vst v60  }
0x40: {  	[tilespmem:s31+$0x0] =	vst v61  }
0x41: {  	[tilespmem:s31+$0x10] =	vst v62  }
0x42: {  	s13 =	sadd.s32 $0x80, s13;
	s15 =	sadd.s32 $0x400, s15;
	[tilespmem:s31+$0x20] =	vst v63  }
.Ltmp5:
0x43: {  	(pc) =	sbr.rel .LBB1_7-.Ltmp5, $4  }
0x44: {  	s12 =	sshll.u32 s12, $0xC;
	s11 =	sshll.u32 s11, $0x4  }
0x45: {  	s11 =	sand.u32 $0x1F0, s11;
	s12 =	sadd.s32 s3, s12  }
0x46: {  	s11 =	sadd.s32 s11, s12  }
0x47: {  	[hbm4b:s11+s6] =	stream.strided.scatter [tilespmem:s14], [sflag:$0x2], $0x4000, s7, s6, $0x38;
	[tilespmem:$0x10000] =	vst v63  }
.LBB1_8:
0x48: {  	_ =	sfence.sel $0x180000  }
0x49: {  	s2 =	simm.s32 $0x1;
	[bflag:$0x0] =	sbarrier.arrive $0xFFFF  }
0x4a: {  	s31 =	simm.s32 $0x2;
	[sflag:s2] =	ssyncpa.u1 $0x1  }
0x4b: {  	[sflag:s31] =	ssyncpa.u1 $0x1  }
0x4c: {  	p0 =	sne.s32 s1, $0x0;
	_ =	strace $0x9000004D  }
0x4d: {  	s0 =	sadd.s32 @!p0 $0x100000, s0;
	[bflag:$0x2] =	sbarrier.arrive $0xFFFF  }
0x4e: {  	[sflag:s0] =	ssyncadd.tile.s32 @!p0 $0x1;
	_ =	shalt  }
.Lfunc_end1:
_tile_overlayer_lowered:
.L_overlay_start_2:
0x4f: {  	(tag) =	ssettag $0x2  }
0x50: {  	s0 =	rddreg [dreg:$0x0];
	s2 =	stileid.u32  }
0x51: {  	s1 =	rddreg [dreg:$0x1];
	p0 =	sne.s32 s2, $0x0  }
0x52: {  	s3 =	rddreg [dreg:$0x2];
	[bflag:$0x3] =	sbarrier.arrive $0xFFFF;
	s2 =	simm.s32 @!p0 $0x1C01  }
0x53: {  	[timem:s3], [sflag:s2] =	dma.local @!p0 [hbm:s0], s1  }
0x54: {  	s0 =	simm.s32 @!p0 $0x1  }
0x55: {  	_ =	swait.ge @!p0 [sflag:s0], s1  }
0x56: {  	s1 =	ssub.s32 @!p0 $0x0, s1;
	[sflag:s0] =	ssyncset.done @!p0 $0x0  }
0x57: {  	[sflag:s0] =	ssyncadd.s32 @!p0 s1  }
0x58: {  	[bflag:$0x3] =	sbarrier.arrive $0xFFFF  }
0x59: {  	_ =	shalt  }

</sc_bundles>
